<compile_context>
chip_gen: v7x
topology: tpu7x:2x2x1
jax: 0.10.2.dev20260603
libtpu: 0.0.44.dev20260713+nightly
codegen_flags: <defaults>
</compile_context>

<pallas_src>
import functools

import jax
import jax.numpy as jnp
from jax import lax
from jax.experimental import pallas as pl
from jax.experimental.pallas import tpu as pltpu
from jax.experimental.pallas import tpu_sc as plsc

_NC = 2
_NS = 16
_NW = _NC * _NS
_LANE = 128


@functools.lru_cache(maxsize=None)
def _make_gather(n_rows: int, n_cols: int, chunk: int):
    n_per_w = n_rows // _NW
    n_chunks = n_per_w // chunk
    assert n_per_w % chunk == 0 and n_rows % _NW == 0 and chunk % 8 == 0
    assert n_chunks % 2 == 0
    n_blk = -(-n_cols // _LANE)
    n_pad = n_blk * _LANE
    full = (n_blk - 1) * _LANE
    tail = n_cols - full
    mesh = plsc.VectorSubcoreMesh(core_axis_name="c", subcore_axis_name="s")

    assert tail % 8 == 0 and tail >= 16

    @functools.partial(
        pl.kernel,
        mesh=mesh,
        out_type=jax.ShapeDtypeStruct((n_rows, n_cols), jnp.float32),
        scratch_types=[
            pltpu.VMEM((n_chunks, chunk), jnp.int32),
            pltpu.VMEM((chunk, n_pad), jnp.float32),
            pltpu.VMEM((chunk, n_pad), jnp.float32),
            pltpu.VMEM((chunk, tail), jnp.float32),
            pltpu.VMEM((chunk, tail), jnp.float32),
            pltpu.SemaphoreType.DMA,
            pltpu.SemaphoreType.DMA,
            pltpu.SemaphoreType.DMA,
            pltpu.SemaphoreType.DMA,
        ],
    )
    def gather(table_hbm, idx_hbm, out_hbm, idx_v, buf0, buf1, bt0, bt1,
               gsem0, gsem1, osem0, osem1):
        wid = lax.axis_index("s") * _NC + lax.axis_index("c")
        base = wid * n_per_w
        pltpu.sync_copy(idx_hbm.at[wid], idx_v)

        def start_g(c, buf, sem):
            pltpu.async_copy(table_hbm.at[idx_v.at[c]], buf, sem)

        def wait_g(c, buf, sem):
            pltpu.make_async_copy(table_hbm.at[idx_v.at[c]], buf, sem).wait()

        def start_o(c, buf, bt, sem):
            r0 = base + c * chunk
            for j in range(n_blk - 1):
                pltpu.async_copy(
                    buf.at[:, pl.ds(j * _LANE, _LANE)],
                    out_hbm.at[pl.ds(r0, chunk), pl.ds(j * _LANE, _LANE)], sem)
            def row_body(r, carry):
                for k in range(tail // 16):
                    bt[r, pl.ds(16 * k, 16)] = buf[r, pl.ds(full + 16 * k, 16)]
                if tail % 16:
                    bt[r, pl.ds(tail - 16, 16)] = (
                        buf[r, pl.ds(full + tail - 16, 16)])
                return carry
            lax.fori_loop(0, chunk, row_body, 0)
            pltpu.async_copy(
                bt, out_hbm.at[pl.ds(r0, chunk), pl.ds(full, tail)], sem)

        def wait_o(buf, bt, sem):
            for j in range(n_blk - 1):
                pltpu.make_async_copy(
                    buf.at[:, pl.ds(j * _LANE, _LANE)],
                    out_hbm.at[pl.ds(base, chunk), pl.ds(j * _LANE, _LANE)],
                    sem).wait()
            pltpu.make_async_copy(
                bt, out_hbm.at[pl.ds(base, chunk), pl.ds(full, tail)],
                sem).wait()

        start_g(0, buf0, gsem0)
        start_g(1, buf1, gsem1)

        def body(j, carry):
            c0 = 2 * j
            wait_g(c0, buf0, gsem0)
            start_o(c0, buf0, bt0, osem0)
            wait_g(c0 + 1, buf1, gsem1)
            start_o(c0 + 1, buf1, bt1, osem1)
            wait_o(buf0, bt0, osem0)
            start_g(c0 + 2, buf0, gsem0)
            wait_o(buf1, bt1, osem1)
            start_g(c0 + 3, buf1, gsem1)
            return carry

        lax.fori_loop(0, n_chunks // 2 - 1, body, 0)

        c0 = n_chunks - 2
        wait_g(c0, buf0, gsem0)
        start_o(c0, buf0, bt0, osem0)
        wait_g(c0 + 1, buf1, gsem1)
        start_o(c0 + 1, buf1, bt1, osem1)
        wait_o(buf0, bt0, osem0)
        wait_o(buf1, bt1, osem1)

    return gather


def kernel(idx, targets, token_embedding_table):
    del targets
    n_rows = idx.shape[0] * idx.shape[1]
    vocab, n_cols = token_embedding_table.shape
    chunk = 40
    n_blk = -(-n_cols // _LANE)
    pad = n_blk * _LANE - n_cols
    tbl = jnp.pad(token_embedding_table, ((0, 0), (0, pad)))
    idx3 = idx.reshape(_NW, (n_rows // _NW) // chunk, chunk).astype(jnp.int32)
    return _make_gather(n_rows, n_cols, chunk)(tbl, idx3)

# --- scband reference (transcript-rebuilt; emitter-appended) ---
"""Pipeline reference for scband-bigram-language-model-24481313587421 (READ-ONLY COPY).

The authoritative reference and input builder live on the scoring server;
editing this copy changes nothing except your own understanding.
"""

import jax, jax.numpy as jnp
import numpy as np

VOCAB = 1000
B, T = 1024, 50


def setup_inputs(seed: int = 0) -> dict:
    key = jax.random.key(seed)
    k1, k2, k3 = jax.random.split(key, 3)
    idx = jax.random.randint(k1, (B, T), 0, VOCAB, dtype=jnp.int64 if jax.config.jax_enable_x64 else jnp.int32)
    targets = jax.random.randint(k2, (B, T), 0, VOCAB, dtype=jnp.int64 if jax.config.jax_enable_x64 else jnp.int32)
    # learned parameter: nn.Embedding(vocab_size, vocab_size) weight, N(0,1) init like torch default
    token_embedding_table = jax.random.normal(k3, (VOCAB, VOCAB), dtype=jnp.float32)
    return {"idx": idx, "targets": targets, "token_embedding_table": token_embedding_table}


def reference(idx, targets, token_embedding_table):
    Bb, Tt = idx.shape
    C = token_embedding_table.shape[1]
    # logits = self.token_embedding_table(idx)  -> gather rows
    logits = jnp.take(token_embedding_table, idx, axis=0)
    # logits = logits.view(B*T, C)
    logits = logits.reshape(Bb * Tt, C)
    # targets = targets.view(B*T); loss = F.cross_entropy(logits, targets)
    t = targets.reshape(Bb * Tt)
    logp = jax.nn.log_softmax(logits, axis=-1)
    loss = -jnp.mean(jnp.take_along_axis(logp, t[:, None], axis=1))
    _ = loss  # computed for faithfulness; original forward returns logits only
    return logits

if __name__ == "__main__":
    import jax
    _d = setup_inputs()
    print(jax.jit(kernel)(*tuple(_d.values())))

</pallas_src>

<mosaic_0001>
#map = affine_map<(d0, d1) -> (0, 0)>
#map1 = affine_map<(d0, d1) -> (0, 0, 0)>
module attributes {stable_mosaic.version = 14 : i64} {
  func.func @gather(%arg0: i32, %arg1: i32, %arg2: memref<1000x1024xf32, #tpu.memory_space<hbm>>, %arg3: memref<32x40x40xi32, #tpu.memory_space<hbm>>, %arg4: memref<51200x1000xf32, #tpu.memory_space<hbm>>, %arg5: memref<40x40xi32, #tpu.memory_space<vmem>>, %arg6: memref<40x1024xf32, #tpu.memory_space<vmem>>, %arg7: memref<40x1024xf32, #tpu.memory_space<vmem>>, %arg8: memref<40x104xf32, #tpu.memory_space<vmem>>, %arg9: memref<40x104xf32, #tpu.memory_space<vmem>>, %arg10: memref<!tpu.dma_semaphore, #tpu.memory_space<semaphore_mem>>, %arg11: memref<!tpu.dma_semaphore, #tpu.memory_space<semaphore_mem>>, %arg12: memref<!tpu.dma_semaphore, #tpu.memory_space<semaphore_mem>>, %arg13: memref<!tpu.dma_semaphore, #tpu.memory_space<semaphore_mem>>) attributes {dimension_semantics = [#tpu.dimension_semantics<core_parallel>, #tpu.dimension_semantics<subcore_parallel>], iteration_bounds = array<i64: 2, 16>, scalar_prefetch = 0 : i64, scratch_operands = 9 : i64, tpu.core_type = #tpu.core_type<sc_vector_subcore>, window_params = [{transform_indices = #map}, {transform_indices = #map1}, {transform_indices = #map}]} {
    %mul3A = arith.constant 2 : i32
    %mul3A_0 = arith.muli %arg1, %mul3A : i32
    %add3A = arith.addi %mul3A_0, %arg0 : i32
    %mul3A_1 = arith.constant 1600 : i32
    %mul3A_2 = arith.muli %add3A, %mul3A_1 : i32
    "tpu.region"() ({
      %run_scoped3A = tpu.sem_alloc : memref<!tpu.dma_semaphore, #tpu.memory_space<semaphore_mem>>
      %dma_start3A_346 = arith.constant 0 : i32
      %dma_start3A_347 = arith.constant 0 : i32
      %dma_start3A_348 = tpu.memref_slice %arg3[%add3A, %dma_start3A_346, %dma_start3A_347] : memref<32x40x40xi32, #tpu.memory_space<hbm>> -> memref<1x40x40xi32, #tpu.memory_space<hbm>>
      %dma_start3A_349 = tpu.memref_squeeze %dma_start3A_348 : memref<1x40x40xi32, #tpu.memory_space<hbm>> -> memref<40x40xi32, #tpu.memory_space<hbm>>
      %dma_start3A_350 = arith.constant 0 : i32
      %dma_start3A_351 = arith.constant 0 : i32
      %dma_start3A_352 = tpu.memref_slice %arg3[%add3A, %dma_start3A_350, %dma_start3A_351] : memref<32x40x40xi32, #tpu.memory_space<hbm>> -> memref<1x40x40xi32, #tpu.memory_space<hbm>>
      %dma_start3A_353 = tpu.memref_squeeze %dma_start3A_352 : memref<1x40x40xi32, #tpu.memory_space<hbm>> -> memref<40x40xi32, #tpu.memory_space<hbm>>
      tpu.enqueue_dma source(%dma_start3A_353 : memref<40x40xi32, #tpu.memory_space<hbm>>) target(%arg5 : memref<40x40xi32, #tpu.memory_space<vmem>>) target_semaphore(%run_scoped3A : memref<!tpu.dma_semaphore, #tpu.memory_space<semaphore_mem>>)
      %dma_wait3A_354 = arith.constant 0 : i32
      %dma_wait3A_355 = arith.constant 0 : i32
      %dma_wait3A_356 = tpu.memref_slice %arg3[%add3A, %dma_wait3A_354, %dma_wait3A_355] : memref<32x40x40xi32, #tpu.memory_space<hbm>> -> memref<1x40x40xi32, #tpu.memory_space<hbm>>
      %dma_wait3A_357 = tpu.memref_squeeze %dma_wait3A_356 : memref<1x40x40xi32, #tpu.memory_space<hbm>> -> memref<40x40xi32, #tpu.memory_space<hbm>>
      %dma_wait3A_358 = arith.constant 0 : i32
      %dma_wait3A_359 = arith.constant 0 : i32
      %dma_wait3A_360 = tpu.memref_slice %arg3[%add3A, %dma_wait3A_358, %dma_wait3A_359] : memref<32x40x40xi32, #tpu.memory_space<hbm>> -> memref<1x40x40xi32, #tpu.memory_space<hbm>>
      %dma_wait3A_361 = tpu.memref_squeeze %dma_wait3A_360 : memref<1x40x40xi32, #tpu.memory_space<hbm>> -> memref<40x40xi32, #tpu.memory_space<hbm>>
      tpu.wait_dma2 semaphore(%run_scoped3A : memref<!tpu.dma_semaphore, #tpu.memory_space<semaphore_mem>>) src(%dma_wait3A_361 : memref<40x40xi32, #tpu.memory_space<hbm>>) dst(%arg5 : memref<40x40xi32, #tpu.memory_space<vmem>>)
      tpu.yield
    }) : () -> ()
    %dma_start3A = arith.constant 0 : i32
    %dma_start3A_3 = arith.constant 0 : i32
    %dma_start3A_4 = tpu.memref_slice %arg5[%dma_start3A, %dma_start3A_3] : memref<40x40xi32, #tpu.memory_space<vmem>> -> memref<1x40xi32, #tpu.memory_space<vmem>>
    %dma_start3A_5 = tpu.memref_squeeze %dma_start3A_4 : memref<1x40xi32, #tpu.memory_space<vmem>> -> memref<40xi32, #tpu.memory_space<vmem>>
    %dma_start3A_6 = arith.constant 0 : i32
    %dma_start3A_7 = arith.constant 0 : i32
    %dma_start3A_8 = tpu.memref_slice %arg2[%dma_start3A_6, %dma_start3A_7] : memref<1000x1024xf32, #tpu.memory_space<hbm>> -> memref<1000x1024xf32, #tpu.memory_space<hbm>>
    tpu.enqueue_indirect_dma source(%dma_start3A_8 : memref<1000x1024xf32, #tpu.memory_space<hbm>>) target(%arg6 : memref<40x1024xf32, #tpu.memory_space<vmem>>) offsets(%dma_start3A_5 : memref<40xi32, #tpu.memory_space<vmem>>) semaphore(%arg10 : memref<!tpu.dma_semaphore, #tpu.memory_space<semaphore_mem>>)
    %dma_start3A_9 = arith.constant 1 : i32
    %dma_start3A_10 = arith.constant 0 : i32
    %dma_start3A_11 = tpu.memref_slice %arg5[%dma_start3A_9, %dma_start3A_10] : memref<40x40xi32, #tpu.memory_space<vmem>> -> memref<1x40xi32, #tpu.memory_space<vmem>>
    %dma_start3A_12 = tpu.memref_squeeze %dma_start3A_11 : memref<1x40xi32, #tpu.memory_space<vmem>> -> memref<40xi32, #tpu.memory_space<vmem>>
    %dma_start3A_13 = arith.constant 0 : i32
    %dma_start3A_14 = arith.constant 0 : i32
    %dma_start3A_15 = tpu.memref_slice %arg2[%dma_start3A_13, %dma_start3A_14] : memref<1000x1024xf32, #tpu.memory_space<hbm>> -> memref<1000x1024xf32, #tpu.memory_space<hbm>>
    tpu.enqueue_indirect_dma source(%dma_start3A_15 : memref<1000x1024xf32, #tpu.memory_space<hbm>>) target(%arg7 : memref<40x1024xf32, #tpu.memory_space<vmem>>) offsets(%dma_start3A_12 : memref<40xi32, #tpu.memory_space<vmem>>) semaphore(%arg11 : memref<!tpu.dma_semaphore, #tpu.memory_space<semaphore_mem>>)
    %scan3A = arith.constant 0 : i32
    %scan3A_16 = arith.constant 0 : i32
    %scan3A_17 = arith.constant 19 : i32
    %scan3A_18 = arith.addi %scan3A_16, %scan3A_17 : i32
    %scan3A_19 = arith.constant 1 : i32
    scf.for %scan3A_346 = %scan3A_16 to %scan3A_18 step %scan3A_19  : i32 {
      %mul3A_347 = arith.constant 2 : i32
      %mul3A_348 = arith.muli %mul3A_347, %scan3A_346 : i32
      %dma_wait3A_349 = arith.constant 0 : i32
      %dma_wait3A_350 = tpu.memref_slice %arg5[%mul3A_348, %dma_wait3A_349] : memref<40x40xi32, #tpu.memory_space<vmem>> -> memref<1x40xi32, #tpu.memory_space<vmem>>
      %dma_wait3A_351 = tpu.memref_squeeze %dma_wait3A_350 : memref<1x40xi32, #tpu.memory_space<vmem>> -> memref<40xi32, #tpu.memory_space<vmem>>
      %dma_wait3A_352 = arith.constant 0 : i32
      %dma_wait3A_353 = arith.constant 0 : i32
      %dma_wait3A_354 = tpu.memref_slice %arg2[%dma_wait3A_352, %dma_wait3A_353] : memref<1000x1024xf32, #tpu.memory_space<hbm>> -> memref<1000x1024xf32, #tpu.memory_space<hbm>>
      tpu.wait_indirect_dma semaphore(%arg10 : memref<!tpu.dma_semaphore, #tpu.memory_space<semaphore_mem>>) src(%dma_wait3A_354 : memref<1000x1024xf32, #tpu.memory_space<hbm>>) dst(%arg6 : memref<40x1024xf32, #tpu.memory_space<vmem>>)
      %mul3A_355 = arith.constant 40 : i32
      %mul3A_356 = arith.muli %mul3A_348, %mul3A_355 : i32
      %add3A_357 = arith.addi %mul3A_2, %mul3A_356 : i32
      %dma_start3A_358 = arith.constant 0 : i32
      %dma_start3A_359 = arith.constant 0 : i32
      %dma_start3A_360 = tpu.memref_slice %arg6[%dma_start3A_358, %dma_start3A_359] : memref<40x1024xf32, #tpu.memory_space<vmem>> -> memref<40x128xf32, #tpu.memory_space<vmem>>
      %dma_start3A_361 = arith.constant 0 : i32
      %dma_start3A_362 = tpu.memref_slice %arg4[%add3A_357, %dma_start3A_361] : memref<51200x1000xf32, #tpu.memory_space<hbm>> -> memref<40x128xf32, #tpu.memory_space<hbm>>
      %dma_start3A_363 = arith.constant 0 : i32
      %dma_start3A_364 = tpu.memref_slice %arg4[%add3A_357, %dma_start3A_363] : memref<51200x1000xf32, #tpu.memory_space<hbm>> -> memref<40x128xf32, #tpu.memory_space<hbm>>
      %dma_start3A_365 = arith.constant 0 : i32
      %dma_start3A_366 = arith.constant 0 : i32
      %dma_start3A_367 = tpu.memref_slice %arg6[%dma_start3A_365, %dma_start3A_366] : memref<40x1024xf32, #tpu.memory_space<vmem>> -> memref<40x128xf32, #tpu.memory_space<vmem>>
      tpu.enqueue_dma source(%dma_start3A_367 : memref<40x128xf32, #tpu.memory_space<vmem>>) target(%dma_start3A_364 : memref<40x128xf32, #tpu.memory_space<hbm>>) target_semaphore(%arg12 : memref<!tpu.dma_semaphore, #tpu.memory_space<semaphore_mem>>)
      %dma_start3A_368 = arith.constant 0 : i32
      %dma_start3A_369 = arith.constant 128 : i32
      %dma_start3A_370 = tpu.memref_slice %arg6[%dma_start3A_368, %dma_start3A_369] : memref<40x1024xf32, #tpu.memory_space<vmem>> -> memref<40x128xf32, #tpu.memory_space<vmem>>
      %dma_start3A_371 = arith.constant 128 : i32
      %dma_start3A_372 = tpu.memref_slice %arg4[%add3A_357, %dma_start3A_371] : memref<51200x1000xf32, #tpu.memory_space<hbm>> -> memref<40x128xf32, #tpu.memory_space<hbm>>
      %dma_start3A_373 = arith.constant 128 : i32
      %dma_start3A_374 = tpu.memref_slice %arg4[%add3A_357, %dma_start3A_373] : memref<51200x1000xf32, #tpu.memory_space<hbm>> -> memref<40x128xf32, #tpu.memory_space<hbm>>
      %dma_start3A_375 = arith.constant 0 : i32
      %dma_start3A_376 = arith.constant 128 : i32
      %dma_start3A_377 = tpu.memref_slice %arg6[%dma_start3A_375, %dma_start3A_376] : memref<40x1024xf32, #tpu.memory_space<vmem>> -> memref<40x128xf32, #tpu.memory_space<vmem>>
      tpu.enqueue_dma source(%dma_start3A_377 : memref<40x128xf32, #tpu.memory_space<vmem>>) target(%dma_start3A_374 : memref<40x128xf32, #tpu.memory_space<hbm>>) target_semaphore(%arg12 : memref<!tpu.dma_semaphore, #tpu.memory_space<semaphore_mem>>)
      %dma_start3A_378 = arith.constant 0 : i32
      %dma_start3A_379 = arith.constant 256 : i32
      %dma_start3A_380 = tpu.memref_slice %arg6[%dma_start3A_378, %dma_start3A_379] : memref<40x1024xf32, #tpu.memory_space<vmem>> -> memref<40x128xf32, #tpu.memory_space<vmem>>
      %dma_start3A_381 = arith.constant 256 : i32
      %dma_start3A_382 = tpu.memref_slice %arg4[%add3A_357, %dma_start3A_381] : memref<51200x1000xf32, #tpu.memory_space<hbm>> -> memref<40x128xf32, #tpu.memory_space<hbm>>
      %dma_start3A_383 = arith.constant 256 : i32
      %dma_start3A_384 = tpu.memref_slice %arg4[%add3A_357, %dma_start3A_383] : memref<51200x1000xf32, #tpu.memory_space<hbm>> -> memref<40x128xf32, #tpu.memory_space<hbm>>
      %dma_start3A_385 = arith.constant 0 : i32
      %dma_start3A_386 = arith.constant 256 : i32
      %dma_start3A_387 = tpu.memref_slice %arg6[%dma_start3A_385, %dma_start3A_386] : memref<40x1024xf32, #tpu.memory_space<vmem>> -> memref<40x128xf32, #tpu.memory_space<vmem>>
      tpu.enqueue_dma source(%dma_start3A_387 : memref<40x128xf32, #tpu.memory_space<vmem>>) target(%dma_start3A_384 : memref<40x128xf32, #tpu.memory_space<hbm>>) target_semaphore(%arg12 : memref<!tpu.dma_semaphore, #tpu.memory_space<semaphore_mem>>)
      %dma_start3A_388 = arith.constant 0 : i32
      %dma_start3A_389 = arith.constant 384 : i32
      %dma_start3A_390 = tpu.memref_slice %arg6[%dma_start3A_388, %dma_start3A_389] : memref<40x1024xf32, #tpu.memory_space<vmem>> -> memref<40x128xf32, #tpu.memory_space<vmem>>
      %dma_start3A_391 = arith.constant 384 : i32
      %dma_start3A_392 = tpu.memref_slice %arg4[%add3A_357, %dma_start3A_391] : memref<51200x1000xf32, #tpu.memory_space<hbm>> -> memref<40x128xf32, #tpu.memory_space<hbm>>
      %dma_start3A_393 = arith.constant 384 : i32
      %dma_start3A_394 = tpu.memref_slice %arg4[%add3A_357, %dma_start3A_393] : memref<51200x1000xf32, #tpu.memory_space<hbm>> -> memref<40x128xf32, #tpu.memory_space<hbm>>
      %dma_start3A_395 = arith.constant 0 : i32
      %dma_start3A_396 = arith.constant 384 : i32
      %dma_start3A_397 = tpu.memref_slice %arg6[%dma_start3A_395, %dma_start3A_396] : memref<40x1024xf32, #tpu.memory_space<vmem>> -> memref<40x128xf32, #tpu.memory_space<vmem>>
      tpu.enqueue_dma source(%dma_start3A_397 : memref<40x128xf32, #tpu.memory_space<vmem>>) target(%dma_start3A_394 : memref<40x128xf32, #tpu.memory_space<hbm>>) target_semaphore(%arg12 : memref<!tpu.dma_semaphore, #tpu.memory_space<semaphore_mem>>)
      %dma_start3A_398 = arith.constant 0 : i32
      %dma_start3A_399 = arith.constant 512 : i32
      %dma_start3A_400 = tpu.memref_slice %arg6[%dma_start3A_398, %dma_start3A_399] : memref<40x1024xf32, #tpu.memory_space<vmem>> -> memref<40x128xf32, #tpu.memory_space<vmem>>
      %dma_start3A_401 = arith.constant 512 : i32
      %dma_start3A_402 = tpu.memref_slice %arg4[%add3A_357, %dma_start3A_401] : memref<51200x1000xf32, #tpu.memory_space<hbm>> -> memref<40x128xf32, #tpu.memory_space<hbm>>
      %dma_start3A_403 = arith.constant 512 : i32
      %dma_start3A_404 = tpu.memref_slice %arg4[%add3A_357, %dma_start3A_403] : memref<51200x1000xf32, #tpu.memory_space<hbm>> -> memref<40x128xf32, #tpu.memory_space<hbm>>
      %dma_start3A_405 = arith.constant 0 : i32
      %dma_start3A_406 = arith.constant 512 : i32
      %dma_start3A_407 = tpu.memref_slice %arg6[%dma_start3A_405, %dma_start3A_406] : memref<40x1024xf32, #tpu.memory_space<vmem>> -> memref<40x128xf32, #tpu.memory_space<vmem>>
      tpu.enqueue_dma source(%dma_start3A_407 : memref<40x128xf32, #tpu.memory_space<vmem>>) target(%dma_start3A_404 : memref<40x128xf32, #tpu.memory_space<hbm>>) target_semaphore(%arg12 : memref<!tpu.dma_semaphore, #tpu.memory_space<semaphore_mem>>)
      %dma_start3A_408 = arith.constant 0 : i32
      %dma_start3A_409 = arith.constant 640 : i32
      %dma_start3A_410 = tpu.memref_slice %arg6[%dma_start3A_408, %dma_start3A_409] : memref<40x1024xf32, #tpu.memory_space<vmem>> -> memref<40x128xf32, #tpu.memory_space<vmem>>
      %dma_start3A_411 = arith.constant 640 : i32
      %dma_start3A_412 = tpu.memref_slice %arg4[%add3A_357, %dma_start3A_411] : memref<51200x1000xf32, #tpu.memory_space<hbm>> -> memref<40x128xf32, #tpu.memory_space<hbm>>
      %dma_start3A_413 = arith.constant 640 : i32
      %dma_start3A_414 = tpu.memref_slice %arg4[%add3A_357, %dma_start3A_413] : memref<51200x1000xf32, #tpu.memory_space<hbm>> -> memref<40x128xf32, #tpu.memory_space<hbm>>
      %dma_start3A_415 = arith.constant 0 : i32
      %dma_start3A_416 = arith.constant 640 : i32
      %dma_start3A_417 = tpu.memref_slice %arg6[%dma_start3A_415, %dma_start3A_416] : memref<40x1024xf32, #tpu.memory_space<vmem>> -> memref<40x128xf32, #tpu.memory_space<vmem>>
      tpu.enqueue_dma source(%dma_start3A_417 : memref<40x128xf32, #tpu.memory_space<vmem>>) target(%dma_start3A_414 : memref<40x128xf32, #tpu.memory_space<hbm>>) target_semaphore(%arg12 : memref<!tpu.dma_semaphore, #tpu.memory_space<semaphore_mem>>)
      %dma_start3A_418 = arith.constant 0 : i32
      %dma_start3A_419 = arith.constant 768 : i32
      %dma_start3A_420 = tpu.memref_slice %arg6[%dma_start3A_418, %dma_start3A_419] : memref<40x1024xf32, #tpu.memory_space<vmem>> -> memref<40x128xf32, #tpu.memory_space<vmem>>
      %dma_start3A_421 = arith.constant 768 : i32
      %dma_start3A_422 = tpu.memref_slice %arg4[%add3A_357, %dma_start3A_421] : memref<51200x1000xf32, #tpu.memory_space<hbm>> -> memref<40x128xf32, #tpu.memory_space<hbm>>
      %dma_start3A_423 = arith.constant 768 : i32
      %dma_start3A_424 = tpu.memref_slice %arg4[%add3A_357, %dma_start3A_423] : memref<51200x1000xf32, #tpu.memory_space<hbm>> -> memref<40x128xf32, #tpu.memory_space<hbm>>
      %dma_start3A_425 = arith.constant 0 : i32
      %dma_start3A_426 = arith.constant 768 : i32
      %dma_start3A_427 = tpu.memref_slice %arg6[%dma_start3A_425, %dma_start3A_426] : memref<40x1024xf32, #tpu.memory_space<vmem>> -> memref<40x128xf32, #tpu.memory_space<vmem>>
      tpu.enqueue_dma source(%dma_start3A_427 : memref<40x128xf32, #tpu.memory_space<vmem>>) target(%dma_start3A_424 : memref<40x128xf32, #tpu.memory_space<hbm>>) target_semaphore(%arg12 : memref<!tpu.dma_semaphore, #tpu.memory_space<semaphore_mem>>)
      %scan3A_428 = arith.constant 0 : i32
      %scan3A_429 = arith.constant 0 : i32
      %scan3A_430 = arith.constant 40 : i32
      %scan3A_431 = arith.addi %scan3A_429, %scan3A_430 : i32
      %scan3A_432 = arith.constant 1 : i32
      scf.for %scan3A_695 = %scan3A_429 to %scan3A_431 step %scan3A_432  : i32 {
        %get3A = arith.index_cast %scan3A_695 : i32 to index
        %get3A_696 = arith.constant 896 : index
        %get3A_697 = tpu.vector_load %arg6[%get3A, %get3A_696] {strides = array<i32>} : memref<40x1024xf32, #tpu.memory_space<vmem>>, vector<1x16xf32>,
        %get3A_698 = vector.shape_cast %get3A_697 : vector<1x16xf32> to vector<16xf32>
        %swap3A = arith.index_cast %scan3A_695 : i32 to index
        %swap3A_699 = arith.constant 0 : index
        %swap3A_700 = tpu.vector_load %arg8[%swap3A, %swap3A_699] {strides = array<i32>} : memref<40x104xf32, #tpu.memory_space<vmem>>, vector<1x16xf32>,
        %swap3A_701 = vector.shape_cast %swap3A_700 : vector<1x16xf32> to vector<16xf32>
        %swap3A_702 = vector.shape_cast %get3A_698 : vector<16xf32> to vector<1x16xf32>
        tpu.vector_store %arg8[%swap3A, %swap3A_699], %swap3A_702 {strides = array<i32>} : memref<40x104xf32, #tpu.memory_space<vmem>>, vector<1x16xf32>,
        %get3A_703 = arith.index_cast %scan3A_695 : i32 to index
        %get3A_704 = arith.constant 912 : index
        %get3A_705 = tpu.vector_load %arg6[%get3A_703, %get3A_704] {strides = array<i32>} : memref<40x1024xf32, #tpu.memory_space<vmem>>, vector<1x16xf32>,
        %get3A_706 = vector.shape_cast %get3A_705 : vector<1x16xf32> to vector<16xf32>
        %swap3A_707 = arith.index_cast %scan3A_695 : i32 to index
        %swap3A_708 = arith.constant 16 : index
        %swap3A_709 = tpu.vector_load %arg8[%swap3A_707, %swap3A_708] {strides = array<i32>} : memref<40x104xf32, #tpu.memory_space<vmem>>, vector<1x16xf32>,
        %swap3A_710 = vector.shape_cast %swap3A_709 : vector<1x16xf32> to vector<16xf32>
        %swap3A_711 = vector.shape_cast %get3A_706 : vector<16xf32> to vector<1x16xf32>
        tpu.vector_store %arg8[%swap3A_707, %swap3A_708], %swap3A_711 {strides = array<i32>} : memref<40x104xf32, #tpu.memory_space<vmem>>, vector<1x16xf32>,
        %get3A_712 = arith.index_cast %scan3A_695 : i32 to index
        %get3A_713 = arith.constant 928 : index
        %get3A_714 = tpu.vector_load %arg6[%get3A_712, %get3A_713] {strides = array<i32>} : memref<40x1024xf32, #tpu.memory_space<vmem>>, vector<1x16xf32>,
        %get3A_715 = vector.shape_cast %get3A_714 : vector<1x16xf32> to vector<16xf32>
        %swap3A_716 = arith.index_cast %scan3A_695 : i32 to index
        %swap3A_717 = arith.constant 32 : index
        %swap3A_718 = tpu.vector_load %arg8[%swap3A_716, %swap3A_717] {strides = array<i32>} : memref<40x104xf32, #tpu.memory_space<vmem>>, vector<1x16xf32>,
        %swap3A_719 = vector.shape_cast %swap3A_718 : vector<1x16xf32> to vector<16xf32>
        %swap3A_720 = vector.shape_cast %get3A_715 : vector<16xf32> to vector<1x16xf32>
        tpu.vector_store %arg8[%swap3A_716, %swap3A_717], %swap3A_720 {strides = array<i32>} : memref<40x104xf32, #tpu.memory_space<vmem>>, vector<1x16xf32>,
        %get3A_721 = arith.index_cast %scan3A_695 : i32 to index
        %get3A_722 = arith.constant 944 : index
        %get3A_723 = tpu.vector_load %arg6[%get3A_721, %get3A_722] {strides = array<i32>} : memref<40x1024xf32, #tpu.memory_space<vmem>>, vector<1x16xf32>,
        %get3A_724 = vector.shape_cast %get3A_723 : vector<1x16xf32> to vector<16xf32>
        %swap3A_725 = arith.index_cast %scan3A_695 : i32 to index
        %swap3A_726 = arith.constant 48 : index
        %swap3A_727 = tpu.vector_load %arg8[%swap3A_725, %swap3A_726] {strides = array<i32>} : memref<40x104xf32, #tpu.memory_space<vmem>>, vector<1x16xf32>,
        %swap3A_728 = vector.shape_cast %swap3A_727 : vector<1x16xf32> to vector<16xf32>
        %swap3A_729 = vector.shape_cast %get3A_724 : vector<16xf32> to vector<1x16xf32>
        tpu.vector_store %arg8[%swap3A_725, %swap3A_726], %swap3A_729 {strides = array<i32>} : memref<40x104xf32, #tpu.memory_space<vmem>>, vector<1x16xf32>,
        %get3A_730 = arith.index_cast %scan3A_695 : i32 to index
        %get3A_731 = arith.constant 960 : index
        %get3A_732 = tpu.vector_load %arg6[%get3A_730, %get3A_731] {strides = array<i32>} : memref<40x1024xf32, #tpu.memory_space<vmem>>, vector<1x16xf32>,
        %get3A_733 = vector.shape_cast %get3A_732 : vector<1x16xf32> to vector<16xf32>
        %swap3A_734 = arith.index_cast %scan3A_695 : i32 to index
        %swap3A_735 = arith.constant 64 : index
        %swap3A_736 = tpu.vector_load %arg8[%swap3A_734, %swap3A_735] {strides = array<i32>} : memref<40x104xf32, #tpu.memory_space<vmem>>, vector<1x16xf32>,
        %swap3A_737 = vector.shape_cast %swap3A_736 : vector<1x16xf32> to vector<16xf32>
        %swap3A_738 = vector.shape_cast %get3A_733 : vector<16xf32> to vector<1x16xf32>
        tpu.vector_store %arg8[%swap3A_734, %swap3A_735], %swap3A_738 {strides = array<i32>} : memref<40x104xf32, #tpu.memory_space<vmem>>, vector<1x16xf32>,
        %get3A_739 = arith.index_cast %scan3A_695 : i32 to index
        %get3A_740 = arith.constant 976 : index
        %get3A_741 = tpu.vector_load %arg6[%get3A_739, %get3A_740] {strides = array<i32>} : memref<40x1024xf32, #tpu.memory_space<vmem>>, vector<1x16xf32>,
        %get3A_742 = vector.shape_cast %get3A_741 : vector<1x16xf32> to vector<16xf32>
        %swap3A_743 = arith.index_cast %scan3A_695 : i32 to index
        %swap3A_744 = arith.constant 80 : index
        %swap3A_745 = tpu.vector_load %arg8[%swap3A_743, %swap3A_744] {strides = array<i32>} : memref<40x104xf32, #tpu.memory_space<vmem>>, vector<1x16xf32>,
        %swap3A_746 = vector.shape_cast %swap3A_745 : vector<1x16xf32> to vector<16xf32>
        %swap3A_747 = vector.shape_cast %get3A_742 : vector<16xf32> to vector<1x16xf32>
        tpu.vector_store %arg8[%swap3A_743, %swap3A_744], %swap3A_747 {strides = array<i32>} : memref<40x104xf32, #tpu.memory_space<vmem>>, vector<1x16xf32>,
        %get3A_748 = arith.index_cast %scan3A_695 : i32 to index
        %get3A_749 = arith.constant 984 : index
        %get3A_750 = tpu.vector_load %arg6[%get3A_748, %get3A_749] {strides = array<i32>} : memref<40x1024xf32, #tpu.memory_space<vmem>>, vector<1x16xf32>,
        %get3A_751 = vector.shape_cast %get3A_750 : vector<1x16xf32> to vector<16xf32>
        %swap3A_752 = arith.index_cast %scan3A_695 : i32 to index
        %swap3A_753 = arith.constant 88 : index
        %swap3A_754 = tpu.vector_load %arg8[%swap3A_752, %swap3A_753] {strides = array<i32>} : memref<40x104xf32, #tpu.memory_space<vmem>>, vector<1x16xf32>,
        %swap3A_755 = vector.shape_cast %swap3A_754 : vector<1x16xf32> to vector<16xf32>
        %swap3A_756 = vector.shape_cast %get3A_751 : vector<16xf32> to vector<1x16xf32>
        tpu.vector_store %arg8[%swap3A_752, %swap3A_753], %swap3A_756 {strides = array<i32>} : memref<40x104xf32, #tpu.memory_space<vmem>>, vector<1x16xf32>,
      }
      %scan3A_433 = arith.constant 40 : i32
      %dma_start3A_434 = arith.constant 896 : i32
      %dma_start3A_435 = tpu.memref_slice %arg4[%add3A_357, %dma_start3A_434] : memref<51200x1000xf32, #tpu.memory_space<hbm>> -> memref<40x104xf32, #tpu.memory_space<hbm>>
      %dma_start3A_436 = arith.constant 896 : i32
      %dma_start3A_437 = tpu.memref_slice %arg4[%add3A_357, %dma_start3A_436] : memref<51200x1000xf32, #tpu.memory_space<hbm>> -> memref<40x104xf32, #tpu.memory_space<hbm>>
      tpu.enqueue_dma source(%arg8 : memref<40x104xf32, #tpu.memory_space<vmem>>) target(%dma_start3A_437 : memref<40x104xf32, #tpu.memory_space<hbm>>) target_semaphore(%arg12 : memref<!tpu.dma_semaphore, #tpu.memory_space<semaphore_mem>>)
      %add3A_438 = arith.constant 1 : i32
      %add3A_439 = arith.addi %mul3A_348, %add3A_438 : i32
      %dma_wait3A_440 = arith.constant 0 : i32
      %dma_wait3A_441 = tpu.memref_slice %arg5[%add3A_439, %dma_wait3A_440] : memref<40x40xi32, #tpu.memory_space<vmem>> -> memref<1x40xi32, #tpu.memory_space<vmem>>
      %dma_wait3A_442 = tpu.memref_squeeze %dma_wait3A_441 : memref<1x40xi32, #tpu.memory_space<vmem>> -> memref<40xi32, #tpu.memory_space<vmem>>
      %dma_wait3A_443 = arith.constant 0 : i32
      %dma_wait3A_444 = arith.constant 0 : i32
      %dma_wait3A_445 = tpu.memref_slice %arg2[%dma_wait3A_443, %dma_wait3A_444] : memref<1000x1024xf32, #tpu.memory_space<hbm>> -> memref<1000x1024xf32, #tpu.memory_space<hbm>>
      tpu.wait_indirect_dma semaphore(%arg11 : memref<!tpu.dma_semaphore, #tpu.memory_space<semaphore_mem>>) src(%dma_wait3A_445 : memref<1000x1024xf32, #tpu.memory_space<hbm>>) dst(%arg7 : memref<40x1024xf32, #tpu.memory_space<vmem>>)
      %add3A_446 = arith.constant 1 : i32
      %add3A_447 = arith.addi %mul3A_348, %add3A_446 : i32
      %mul3A_448 = arith.constant 40 : i32
      %mul3A_449 = arith.muli %add3A_447, %mul3A_448 : i32
      %add3A_450 = arith.addi %mul3A_2, %mul3A_449 : i32
      %dma_start3A_451 = arith.constant 0 : i32
      %dma_start3A_452 = arith.constant 0 : i32
      %dma_start3A_453 = tpu.memref_slice %arg7[%dma_start3A_451, %dma_start3A_452] : memref<40x1024xf32, #tpu.memory_space<vmem>> -> memref<40x128xf32, #tpu.memory_space<vmem>>
      %dma_start3A_454 = arith.constant 0 : i32
      %dma_start3A_455 = tpu.memref_slice %arg4[%add3A_450, %dma_start3A_454] : memref<51200x1000xf32, #tpu.memory_space<hbm>> -> memref<40x128xf32, #tpu.memory_space<hbm>>
      %dma_start3A_456 = arith.constant 0 : i32
      %dma_start3A_457 = tpu.memref_slice %arg4[%add3A_450, %dma_start3A_456] : memref<51200x1000xf32, #tpu.memory_space<hbm>> -> memref<40x128xf32, #tpu.memory_space<hbm>>
      %dma_start3A_458 = arith.constant 0 : i32
      %dma_start3A_459 = arith.constant 0 : i32
      %dma_start3A_460 = tpu.memref_slice %arg7[%dma_start3A_458, %dma_start3A_459] : memref<40x1024xf32, #tpu.memory_space<vmem>> -> memref<40x128xf32, #tpu.memory_space<vmem>>
      tpu.enqueue_dma source(%dma_start3A_460 : memref<40x128xf32, #tpu.memory_space<vmem>>) target(%dma_start3A_457 : memref<40x128xf32, #tpu.memory_space<hbm>>) target_semaphore(%arg13 : memref<!tpu.dma_semaphore, #tpu.memory_space<semaphore_mem>>)
      %dma_start3A_461 = arith.constant 0 : i32
      %dma_start3A_462 = arith.constant 128 : i32
      %dma_start3A_463 = tpu.memref_slice %arg7[%dma_start3A_461, %dma_start3A_462] : memref<40x1024xf32, #tpu.memory_space<vmem>> -> memref<40x128xf32, #tpu.memory_space<vmem>>
      %dma_start3A_464 = arith.constant 128 : i32
      %dma_start3A_465 = tpu.memref_slice %arg4[%add3A_450, %dma_start3A_464] : memref<51200x1000xf32, #tpu.memory_space<hbm>> -> memref<40x128xf32, #tpu.memory_space<hbm>>
      %dma_start3A_466 = arith.constant 128 : i32
      %dma_start3A_467 = tpu.memref_slice %arg4[%add3A_450, %dma_start3A_466] : memref<51200x1000xf32, #tpu.memory_space<hbm>> -> memref<40x128xf32, #tpu.memory_space<hbm>>
      %dma_start3A_468 = arith.constant 0 : i32
      %dma_start3A_469 = arith.constant 128 : i32
      %dma_start3A_470 = tpu.memref_slice %arg7[%dma_start3A_468, %dma_start3A_469] : memref<40x1024xf32, #tpu.memory_space<vmem>> -> memref<40x128xf32, #tpu.memory_space<vmem>>
      tpu.enqueue_dma source(%dma_start3A_470 : memref<40x128xf32, #tpu.memory_space<vmem>>) target(%dma_start3A_467 : memref<40x128xf32, #tpu.memory_space<hbm>>) target_semaphore(%arg13 : memref<!tpu.dma_semaphore, #tpu.memory_space<semaphore_mem>>)
      %dma_start3A_471 = arith.constant 0 : i32
      %dma_start3A_472 = arith.constant 256 : i32
      %dma_start3A_473 = tpu.memref_slice %arg7[%dma_start3A_471, %dma_start3A_472] : memref<40x1024xf32, #tpu.memory_space<vmem>> -> memref<40x128xf32, #tpu.memory_space<vmem>>
      %dma_start3A_474 = arith.constant 256 : i32
      %dma_start3A_475 = tpu.memref_slice %arg4[%add3A_450, %dma_start3A_474] : memref<51200x1000xf32, #tpu.memory_space<hbm>> -> memref<40x128xf32, #tpu.memory_space<hbm>>
      %dma_start3A_476 = arith.constant 256 : i32
      %dma_start3A_477 = tpu.memref_slice %arg4[%add3A_450, %dma_start3A_476] : memref<51200x1000xf32, #tpu.memory_space<hbm>> -> memref<40x128xf32, #tpu.memory_space<hbm>>
      %dma_start3A_478 = arith.constant 0 : i32
      %dma_start3A_479 = arith.constant 256 : i32
      %dma_start3A_480 = tpu.memref_slice %arg7[%dma_start3A_478, %dma_start3A_479] : memref<40x1024xf32, #tpu.memory_space<vmem>> -> memref<40x128xf32, #tpu.memory_space<vmem>>
      tpu.enqueue_dma source(%dma_start3A_480 : memref<40x128xf32, #tpu.memory_space<vmem>>) target(%dma_start3A_477 : memref<40x128xf32, #tpu.memory_space<hbm>>) target_semaphore(%arg13 : memref<!tpu.dma_semaphore, #tpu.memory_space<semaphore_mem>>)
      %dma_start3A_481 = arith.constant 0 : i32
      %dma_start3A_482 = arith.constant 384 : i32
      %dma_start3A_483 = tpu.memref_slice %arg7[%dma_start3A_481, %dma_start3A_482] : memref<40x1024xf32, #tpu.memory_space<vmem>> -> memref<40x128xf32, #tpu.memory_space<vmem>>
      %dma_start3A_484 = arith.constant 384 : i32
      %dma_start3A_485 = tpu.memref_slice %arg4[%add3A_450, %dma_start3A_484] : memref<51200x1000xf32, #tpu.memory_space<hbm>> -> memref<40x128xf32, #tpu.memory_space<hbm>>
      %dma_start3A_486 = arith.constant 384 : i32
      %dma_start3A_487 = tpu.memref_slice %arg4[%add3A_450, %dma_start3A_486] : memref<51200x1000xf32, #tpu.memory_space<hbm>> -> memref<40x128xf32, #tpu.memory_space<hbm>>
      %dma_start3A_488 = arith.constant 0 : i32
      %dma_start3A_489 = arith.constant 384 : i32
      %dma_start3A_490 = tpu.memref_slice %arg7[%dma_start3A_488, %dma_start3A_489] : memref<40x1024xf32, #tpu.memory_space<vmem>> -> memref<40x128xf32, #tpu.memory_space<vmem>>
      tpu.enqueue_dma source(%dma_start3A_490 : memref<40x128xf32, #tpu.memory_space<vmem>>) target(%dma_start3A_487 : memref<40x128xf32, #tpu.memory_space<hbm>>) target_semaphore(%arg13 : memref<!tpu.dma_semaphore, #tpu.memory_space<semaphore_mem>>)
      %dma_start3A_491 = arith.constant 0 : i32
      %dma_start3A_492 = arith.constant 512 : i32
      %dma_start3A_493 = tpu.memref_slice %arg7[%dma_start3A_491, %dma_start3A_492] : memref<40x1024xf32, #tpu.memory_space<vmem>> -> memref<40x128xf32, #tpu.memory_space<vmem>>
      %dma_start3A_494 = arith.constant 512 : i32
      %dma_start3A_495 = tpu.memref_slice %arg4[%add3A_450, %dma_start3A_494] : memref<51200x1000xf32, #tpu.memory_space<hbm>> -> memref<40x128xf32, #tpu.memory_space<hbm>>
      %dma_start3A_496 = arith.constant 512 : i32
      %dma_start3A_497 = tpu.memref_slice %arg4[%add3A_450, %dma_start3A_496] : memref<51200x1000xf32, #tpu.memory_space<hbm>> -> memref<40x128xf32, #tpu.memory_space<hbm>>
      %dma_start3A_498 = arith.constant 0 : i32
      %dma_start3A_499 = arith.constant 512 : i32
      %dma_start3A_500 = tpu.memref_slice %arg7[%dma_start3A_498, %dma_start3A_499] : memref<40x1024xf32, #tpu.memory_space<vmem>> -> memref<40x128xf32, #tpu.memory_space<vmem>>
      tpu.enqueue_dma source(%dma_start3A_500 : memref<40x128xf32, #tpu.memory_space<vmem>>) target(%dma_start3A_497 : memref<40x128xf32, #tpu.memory_space<hbm>>) target_semaphore(%arg13 : memref<!tpu.dma_semaphore, #tpu.memory_space<semaphore_mem>>)
      %dma_start3A_501 = arith.constant 0 : i32
      %dma_start3A_502 = arith.constant 640 : i32
      %dma_start3A_503 = tpu.memref_slice %arg7[%dma_start3A_501, %dma_start3A_502] : memref<40x1024xf32, #tpu.memory_space<vmem>> -> memref<40x128xf32, #tpu.memory_space<vmem>>
      %dma_start3A_504 = arith.constant 640 : i32
      %dma_start3A_505 = tpu.memref_slice %arg4[%add3A_450, %dma_start3A_504] : memref<51200x1000xf32, #tpu.memory_space<hbm>> -> memref<40x128xf32, #tpu.memory_space<hbm>>
      %dma_start3A_506 = arith.constant 640 : i32
      %dma_start3A_507 = tpu.memref_slice %arg4[%add3A_450, %dma_start3A_506] : memref<51200x1000xf32, #tpu.memory_space<hbm>> -> memref<40x128xf32, #tpu.memory_space<hbm>>
      %dma_start3A_508 = arith.constant 0 : i32
      %dma_start3A_509 = arith.constant 640 : i32
      %dma_start3A_510 = tpu.memref_slice %arg7[%dma_start3A_508, %dma_start3A_509] : memref<40x1024xf32, #tpu.memory_space<vmem>> -> memref<40x128xf32, #tpu.memory_space<vmem>>
      tpu.enqueue_dma source(%dma_start3A_510 : memref<40x128xf32, #tpu.memory_space<vmem>>) target(%dma_start3A_507 : memref<40x128xf32, #tpu.memory_space<hbm>>) target_semaphore(%arg13 : memref<!tpu.dma_semaphore, #tpu.memory_space<semaphore_mem>>)
      %dma_start3A_511 = arith.constant 0 : i32
      %dma_start3A_512 = arith.constant 768 : i32
      %dma_start3A_513 = tpu.memref_slice %arg7[%dma_start3A_511, %dma_start3A_512] : memref<40x1024xf32, #tpu.memory_space<vmem>> -> memref<40x128xf32, #tpu.memory_space<vmem>>
      %dma_start3A_514 = arith.constant 768 : i32
      %dma_start3A_515 = tpu.memref_slice %arg4[%add3A_450, %dma_start3A_514] : memref<51200x1000xf32, #tpu.memory_space<hbm>> -> memref<40x128xf32, #tpu.memory_space<hbm>>
      %dma_start3A_516 = arith.constant 768 : i32
      %dma_start3A_517 = tpu.memref_slice %arg4[%add3A_450, %dma_start3A_516] : memref<51200x1000xf32, #tpu.memory_space<hbm>> -> memref<40x128xf32, #tpu.memory_space<hbm>>
      %dma_start3A_518 = arith.constant 0 : i32
      %dma_start3A_519 = arith.constant 768 : i32
      %dma_start3A_520 = tpu.memref_slice %arg7[%dma_start3A_518, %dma_start3A_519] : memref<40x1024xf32, #tpu.memory_space<vmem>> -> memref<40x128xf32, #tpu.memory_space<vmem>>
      tpu.enqueue_dma source(%dma_start3A_520 : memref<40x128xf32, #tpu.memory_space<vmem>>) target(%dma_start3A_517 : memref<40x128xf32, #tpu.memory_space<hbm>>) target_semaphore(%arg13 : memref<!tpu.dma_semaphore, #tpu.memory_space<semaphore_mem>>)
      %scan3A_521 = arith.constant 0 : i32
      %scan3A_522 = arith.constant 0 : i32
      %scan3A_523 = arith.constant 40 : i32
      %scan3A_524 = arith.addi %scan3A_522, %scan3A_523 : i32
      %scan3A_525 = arith.constant 1 : i32
      scf.for %scan3A_695 = %scan3A_522 to %scan3A_524 step %scan3A_525  : i32 {
        %get3A = arith.index_cast %scan3A_695 : i32 to index
        %get3A_696 = arith.constant 896 : index
        %get3A_697 = tpu.vector_load %arg7[%get3A, %get3A_696] {strides = array<i32>} : memref<40x1024xf32, #tpu.memory_space<vmem>>, vector<1x16xf32>,
        %get3A_698 = vector.shape_cast %get3A_697 : vector<1x16xf32> to vector<16xf32>
        %swap3A = arith.index_cast %scan3A_695 : i32 to index
        %swap3A_699 = arith.constant 0 : index
        %swap3A_700 = tpu.vector_load %arg9[%swap3A, %swap3A_699] {strides = array<i32>} : memref<40x104xf32, #tpu.memory_space<vmem>>, vector<1x16xf32>,
        %swap3A_701 = vector.shape_cast %swap3A_700 : vector<1x16xf32> to vector<16xf32>
        %swap3A_702 = vector.shape_cast %get3A_698 : vector<16xf32> to vector<1x16xf32>
        tpu.vector_store %arg9[%swap3A, %swap3A_699], %swap3A_702 {strides = array<i32>} : memref<40x104xf32, #tpu.memory_space<vmem>>, vector<1x16xf32>,
        %get3A_703 = arith.index_cast %scan3A_695 : i32 to index
        %get3A_704 = arith.constant 912 : index
        %get3A_705 = tpu.vector_load %arg7[%get3A_703, %get3A_704] {strides = array<i32>} : memref<40x1024xf32, #tpu.memory_space<vmem>>, vector<1x16xf32>,
        %get3A_706 = vector.shape_cast %get3A_705 : vector<1x16xf32> to vector<16xf32>
        %swap3A_707 = arith.index_cast %scan3A_695 : i32 to index
        %swap3A_708 = arith.constant 16 : index
        %swap3A_709 = tpu.vector_load %arg9[%swap3A_707, %swap3A_708] {strides = array<i32>} : memref<40x104xf32, #tpu.memory_space<vmem>>, vector<1x16xf32>,
        %swap3A_710 = vector.shape_cast %swap3A_709 : vector<1x16xf32> to vector<16xf32>
        %swap3A_711 = vector.shape_cast %get3A_706 : vector<16xf32> to vector<1x16xf32>
        tpu.vector_store %arg9[%swap3A_707, %swap3A_708], %swap3A_711 {strides = array<i32>} : memref<40x104xf32, #tpu.memory_space<vmem>>, vector<1x16xf32>,
        %get3A_712 = arith.index_cast %scan3A_695 : i32 to index
        %get3A_713 = arith.constant 928 : index
        %get3A_714 = tpu.vector_load %arg7[%get3A_712, %get3A_713] {strides = array<i32>} : memref<40x1024xf32, #tpu.memory_space<vmem>>, vector<1x16xf32>,
        %get3A_715 = vector.shape_cast %get3A_714 : vector<1x16xf32> to vector<16xf32>
        %swap3A_716 = arith.index_cast %scan3A_695 : i32 to index
        %swap3A_717 = arith.constant 32 : index
        %swap3A_718 = tpu.vector_load %arg9[%swap3A_716, %swap3A_717] {strides = array<i32>} : memref<40x104xf32, #tpu.memory_space<vmem>>, vector<1x16xf32>,
        %swap3A_719 = vector.shape_cast %swap3A_718 : vector<1x16xf32> to vector<16xf32>
        %swap3A_720 = vector.shape_cast %get3A_715 : vector<16xf32> to vector<1x16xf32>
        tpu.vector_store %arg9[%swap3A_716, %swap3A_717], %swap3A_720 {strides = array<i32>} : memref<40x104xf32, #tpu.memory_space<vmem>>, vector<1x16xf32>,
        %get3A_721 = arith.index_cast %scan3A_695 : i32 to index
        %get3A_722 = arith.constant 944 : index
        %get3A_723 = tpu.vector_load %arg7[%get3A_721, %get3A_722] {strides = array<i32>} : memref<40x1024xf32, #tpu.memory_space<vmem>>, vector<1x16xf32>,
        %get3A_724 = vector.shape_cast %get3A_723 : vector<1x16xf32> to vector<16xf32>
        %swap3A_725 = arith.index_cast %scan3A_695 : i32 to index
        %swap3A_726 = arith.constant 48 : index
        %swap3A_727 = tpu.vector_load %arg9[%swap3A_725, %swap3A_726] {strides = array<i32>} : memref<40x104xf32, #tpu.memory_space<vmem>>, vector<1x16xf32>,
        %swap3A_728 = vector.shape_cast %swap3A_727 : vector<1x16xf32> to vector<16xf32>
        %swap3A_729 = vector.shape_cast %get3A_724 : vector<16xf32> to vector<1x16xf32>
        tpu.vector_store %arg9[%swap3A_725, %swap3A_726], %swap3A_729 {strides = array<i32>} : memref<40x104xf32, #tpu.memory_space<vmem>>, vector<1x16xf32>,
        %get3A_730 = arith.index_cast %scan3A_695 : i32 to index
        %get3A_731 = arith.constant 960 : index
        %get3A_732 = tpu.vector_load %arg7[%get3A_730, %get3A_731] {strides = array<i32>} : memref<40x1024xf32, #tpu.memory_space<vmem>>, vector<1x16xf32>,
        %get3A_733 = vector.shape_cast %get3A_732 : vector<1x16xf32> to vector<16xf32>
        %swap3A_734 = arith.index_cast %scan3A_695 : i32 to index
        %swap3A_735 = arith.constant 64 : index
        %swap3A_736 = tpu.vector_load %arg9[%swap3A_734, %swap3A_735] {strides = array<i32>} : memref<40x104xf32, #tpu.memory_space<vmem>>, vector<1x16xf32>,
        %swap3A_737 = vector.shape_cast %swap3A_736 : vector<1x16xf32> to vector<16xf32>
        %swap3A_738 = vector.shape_cast %get3A_733 : vector<16xf32> to vector<1x16xf32>
        tpu.vector_store %arg9[%swap3A_734, %swap3A_735], %swap3A_738 {strides = array<i32>} : memref<40x104xf32, #tpu.memory_space<vmem>>, vector<1x16xf32>,
        %get3A_739 = arith.index_cast %scan3A_695 : i32 to index
        %get3A_740 = arith.constant 976 : index
        %get3A_741 = tpu.vector_load %arg7[%get3A_739, %get3A_740] {strides = array<i32>} : memref<40x1024xf32, #tpu.memory_space<vmem>>, vector<1x16xf32>,
        %get3A_742 = vector.shape_cast %get3A_741 : vector<1x16xf32> to vector<16xf32>
        %swap3A_743 = arith.index_cast %scan3A_695 : i32 to index
        %swap3A_744 = arith.constant 80 : index
        %swap3A_745 = tpu.vector_load %arg9[%swap3A_743, %swap3A_744] {strides = array<i32>} : memref<40x104xf32, #tpu.memory_space<vmem>>, vector<1x16xf32>,
        %swap3A_746 = vector.shape_cast %swap3A_745 : vector<1x16xf32> to vector<16xf32>
        %swap3A_747 = vector.shape_cast %get3A_742 : vector<16xf32> to vector<1x16xf32>
        tpu.vector_store %arg9[%swap3A_743, %swap3A_744], %swap3A_747 {strides = array<i32>} : memref<40x104xf32, #tpu.memory_space<vmem>>, vector<1x16xf32>,
        %get3A_748 = arith.index_cast %scan3A_695 : i32 to index
        %get3A_749 = arith.constant 984 : index
        %get3A_750 = tpu.vector_load %arg7[%get3A_748, %get3A_749] {strides = array<i32>} : memref<40x1024xf32, #tpu.memory_space<vmem>>, vector<1x16xf32>,
        %get3A_751 = vector.shape_cast %get3A_750 : vector<1x16xf32> to vector<16xf32>
        %swap3A_752 = arith.index_cast %scan3A_695 : i32 to index
        %swap3A_753 = arith.constant 88 : index
        %swap3A_754 = tpu.vector_load %arg9[%swap3A_752, %swap3A_753] {strides = array<i32>} : memref<40x104xf32, #tpu.memory_space<vmem>>, vector<1x16xf32>,
        %swap3A_755 = vector.shape_cast %swap3A_754 : vector<1x16xf32> to vector<16xf32>
        %swap3A_756 = vector.shape_cast %get3A_751 : vector<16xf32> to vector<1x16xf32>
        tpu.vector_store %arg9[%swap3A_752, %swap3A_753], %swap3A_756 {strides = array<i32>} : memref<40x104xf32, #tpu.memory_space<vmem>>, vector<1x16xf32>,
      }
      %scan3A_526 = arith.constant 40 : i32
      %dma_start3A_527 = arith.constant 896 : i32
      %dma_start3A_528 = tpu.memref_slice %arg4[%add3A_450, %dma_start3A_527] : memref<51200x1000xf32, #tpu.memory_space<hbm>> -> memref<40x104xf32, #tpu.memory_space<hbm>>
      %dma_start3A_529 = arith.constant 896 : i32
      %dma_start3A_530 = tpu.memref_slice %arg4[%add3A_450, %dma_start3A_529] : memref<51200x1000xf32, #tpu.memory_space<hbm>> -> memref<40x104xf32, #tpu.memory_space<hbm>>
      tpu.enqueue_dma source(%arg9 : memref<40x104xf32, #tpu.memory_space<vmem>>) target(%dma_start3A_530 : memref<40x104xf32, #tpu.memory_space<hbm>>) target_semaphore(%arg13 : memref<!tpu.dma_semaphore, #tpu.memory_space<semaphore_mem>>)
      %dma_wait3A_531 = arith.constant 0 : i32
      %dma_wait3A_532 = arith.constant 0 : i32
      %dma_wait3A_533 = tpu.memref_slice %arg6[%dma_wait3A_531, %dma_wait3A_532] : memref<40x1024xf32, #tpu.memory_space<vmem>> -> memref<40x128xf32, #tpu.memory_space<vmem>>
      %dma_wait3A_534 = arith.constant 0 : i32
      %dma_wait3A_535 = tpu.memref_slice %arg4[%mul3A_2, %dma_wait3A_534] : memref<51200x1000xf32, #tpu.memory_space<hbm>> -> memref<40x128xf32, #tpu.memory_space<hbm>>
      %dma_wait3A_536 = arith.constant 0 : i32
      %dma_wait3A_537 = tpu.memref_slice %arg4[%mul3A_2, %dma_wait3A_536] : memref<51200x1000xf32, #tpu.memory_space<hbm>> -> memref<40x128xf32, #tpu.memory_space<hbm>>
      %dma_wait3A_538 = arith.constant 0 : i32
      %dma_wait3A_539 = arith.constant 0 : i32
      %dma_wait3A_540 = tpu.memref_slice %arg6[%dma_wait3A_538, %dma_wait3A_539] : memref<40x1024xf32, #tpu.memory_space<vmem>> -> memref<40x128xf32, #tpu.memory_space<vmem>>
      tpu.wait_dma2 semaphore(%arg12 : memref<!tpu.dma_semaphore, #tpu.memory_space<semaphore_mem>>) src(%dma_wait3A_540 : memref<40x128xf32, #tpu.memory_space<vmem>>) dst(%dma_wait3A_537 : memref<40x128xf32, #tpu.memory_space<hbm>>)
      %dma_wait3A_541 = arith.constant 0 : i32
      %dma_wait3A_542 = arith.constant 128 : i32
      %dma_wait3A_543 = tpu.memref_slice %arg6[%dma_wait3A_541, %dma_wait3A_542] : memref<40x1024xf32, #tpu.memory_space<vmem>> -> memref<40x128xf32, #tpu.memory_space<vmem>>
      %dma_wait3A_544 = arith.constant 128 : i32
      %dma_wait3A_545 = tpu.memref_slice %arg4[%mul3A_2, %dma_wait3A_544] : memref<51200x1000xf32, #tpu.memory_space<hbm>> -> memref<40x128xf32, #tpu.memory_space<hbm>>
      %dma_wait3A_546 = arith.constant 128 : i32
      %dma_wait3A_547 = tpu.memref_slice %arg4[%mul3A_2, %dma_wait3A_546] : memref<51200x1000xf32, #tpu.memory_space<hbm>> -> memref<40x128xf32, #tpu.memory_space<hbm>>
      %dma_wait3A_548 = arith.constant 0 : i32
      %dma_wait3A_549 = arith.constant 128 : i32
      %dma_wait3A_550 = tpu.memref_slice %arg6[%dma_wait3A_548, %dma_wait3A_549] : memref<40x1024xf32, #tpu.memory_space<vmem>> -> memref<40x128xf32, #tpu.memory_space<vmem>>
      tpu.wait_dma2 semaphore(%arg12 : memref<!tpu.dma_semaphore, #tpu.memory_space<semaphore_mem>>) src(%dma_wait3A_550 : memref<40x128xf32, #tpu.memory_space<vmem>>) dst(%dma_wait3A_547 : memref<40x128xf32, #tpu.memory_space<hbm>>)
      %dma_wait3A_551 = arith.constant 0 : i32
      %dma_wait3A_552 = arith.constant 256 : i32
      %dma_wait3A_553 = tpu.memref_slice %arg6[%dma_wait3A_551, %dma_wait3A_552] : memref<40x1024xf32, #tpu.memory_space<vmem>> -> memref<40x128xf32, #tpu.memory_space<vmem>>
      %dma_wait3A_554 = arith.constant 256 : i32
      %dma_wait3A_555 = tpu.memref_slice %arg4[%mul3A_2, %dma_wait3A_554] : memref<51200x1000xf32, #tpu.memory_space<hbm>> -> memref<40x128xf32, #tpu.memory_space<hbm>>
      %dma_wait3A_556 = arith.constant 256 : i32
      %dma_wait3A_557 = tpu.memref_slice %arg4[%mul3A_2, %dma_wait3A_556] : memref<51200x1000xf32, #tpu.memory_space<hbm>> -> memref<40x128xf32, #tpu.memory_space<hbm>>
      %dma_wait3A_558 = arith.constant 0 : i32
      %dma_wait3A_559 = arith.constant 256 : i32
      %dma_wait3A_560 = tpu.memref_slice %arg6[%dma_wait3A_558, %dma_wait3A_559] : memref<40x1024xf32, #tpu.memory_space<vmem>> -> memref<40x128xf32, #tpu.memory_space<vmem>>
      tpu.wait_dma2 semaphore(%arg12 : memref<!tpu.dma_semaphore, #tpu.memory_space<semaphore_mem>>) src(%dma_wait3A_560 : memref<40x128xf32, #tpu.memory_space<vmem>>) dst(%dma_wait3A_557 : memref<40x128xf32, #tpu.memory_space<hbm>>)
      %dma_wait3A_561 = arith.constant 0 : i32
      %dma_wait3A_562 = arith.constant 384 : i32
      %dma_wait3A_563 = tpu.memref_slice %arg6[%dma_wait3A_561, %dma_wait3A_562] : memref<40x1024xf32, #tpu.memory_space<vmem>> -> memref<40x128xf32, #tpu.memory_space<vmem>>
      %dma_wait3A_564 = arith.constant 384 : i32
      %dma_wait3A_565 = tpu.memref_slice %arg4[%mul3A_2, %dma_wait3A_564] : memref<51200x1000xf32, #tpu.memory_space<hbm>> -> memref<40x128xf32, #tpu.memory_space<hbm>>
      %dma_wait3A_566 = arith.constant 384 : i32
      %dma_wait3A_567 = tpu.memref_slice %arg4[%mul3A_2, %dma_wait3A_566] : memref<51200x1000xf32, #tpu.memory_space<hbm>> -> memref<40x128xf32, #tpu.memory_space<hbm>>
      %dma_wait3A_568 = arith.constant 0 : i32
      %dma_wait3A_569 = arith.constant 384 : i32
      %dma_wait3A_570 = tpu.memref_slice %arg6[%dma_wait3A_568, %dma_wait3A_569] : memref<40x1024xf32, #tpu.memory_space<vmem>> -> memref<40x128xf32, #tpu.memory_space<vmem>>
      tpu.wait_dma2 semaphore(%arg12 : memref<!tpu.dma_semaphore, #tpu.memory_space<semaphore_mem>>) src(%dma_wait3A_570 : memref<40x128xf32, #tpu.memory_space<vmem>>) dst(%dma_wait3A_567 : memref<40x128xf32, #tpu.memory_space<hbm>>)
      %dma_wait3A_571 = arith.constant 0 : i32
      %dma_wait3A_572 = arith.constant 512 : i32
      %dma_wait3A_573 = tpu.memref_slice %arg6[%dma_wait3A_571, %dma_wait3A_572] : memref<40x1024xf32, #tpu.memory_space<vmem>> -> memref<40x128xf32, #tpu.memory_space<vmem>>
      %dma_wait3A_574 = arith.constant 512 : i32
      %dma_wait3A_575 = tpu.memref_slice %arg4[%mul3A_2, %dma_wait3A_574] : memref<51200x1000xf32, #tpu.memory_space<hbm>> -> memref<40x128xf32, #tpu.memory_space<hbm>>
      %dma_wait3A_576 = arith.constant 512 : i32
      %dma_wait3A_577 = tpu.memref_slice %arg4[%mul3A_2, %dma_wait3A_576] : memref<51200x1000xf32, #tpu.memory_space<hbm>> -> memref<40x128xf32, #tpu.memory_space<hbm>>
      %dma_wait3A_578 = arith.constant 0 : i32
      %dma_wait3A_579 = arith.constant 512 : i32
      %dma_wait3A_580 = tpu.memref_slice %arg6[%dma_wait3A_578, %dma_wait3A_579] : memref<40x1024xf32, #tpu.memory_space<vmem>> -> memref<40x128xf32, #tpu.memory_space<vmem>>
      tpu.wait_dma2 semaphore(%arg12 : memref<!tpu.dma_semaphore, #tpu.memory_space<semaphore_mem>>) src(%dma_wait3A_580 : memref<40x128xf32, #tpu.memory_space<vmem>>) dst(%dma_wait3A_577 : memref<40x128xf32, #tpu.memory_space<hbm>>)
      %dma_wait3A_581 = arith.constant 0 : i32
      %dma_wait3A_582 = arith.constant 640 : i32
      %dma_wait3A_583 = tpu.memref_slice %arg6[%dma_wait3A_581, %dma_wait3A_582] : memref<40x1024xf32, #tpu.memory_space<vmem>> -> memref<40x128xf32, #tpu.memory_space<vmem>>
      %dma_wait3A_584 = arith.constant 640 : i32
      %dma_wait3A_585 = tpu.memref_slice %arg4[%mul3A_2, %dma_wait3A_584] : memref<51200x1000xf32, #tpu.memory_space<hbm>> -> memref<40x128xf32, #tpu.memory_space<hbm>>
      %dma_wait3A_586 = arith.constant 640 : i32
      %dma_wait3A_587 = tpu.memref_slice %arg4[%mul3A_2, %dma_wait3A_586] : memref<51200x1000xf32, #tpu.memory_space<hbm>> -> memref<40x128xf32, #tpu.memory_space<hbm>>
      %dma_wait3A_588 = arith.constant 0 : i32
      %dma_wait3A_589 = arith.constant 640 : i32
      %dma_wait3A_590 = tpu.memref_slice %arg6[%dma_wait3A_588, %dma_wait3A_589] : memref<40x1024xf32, #tpu.memory_space<vmem>> -> memref<40x128xf32, #tpu.memory_space<vmem>>
      tpu.wait_dma2 semaphore(%arg12 : memref<!tpu.dma_semaphore, #tpu.memory_space<semaphore_mem>>) src(%dma_wait3A_590 : memref<40x128xf32, #tpu.memory_space<vmem>>) dst(%dma_wait3A_587 : memref<40x128xf32, #tpu.memory_space<hbm>>)
      %dma_wait3A_591 = arith.constant 0 : i32
      %dma_wait3A_592 = arith.constant 768 : i32
      %dma_wait3A_593 = tpu.memref_slice %arg6[%dma_wait3A_591, %dma_wait3A_592] : memref<40x1024xf32, #tpu.memory_space<vmem>> -> memref<40x128xf32, #tpu.memory_space<vmem>>
      %dma_wait3A_594 = arith.constant 768 : i32
      %dma_wait3A_595 = tpu.memref_slice %arg4[%mul3A_2, %dma_wait3A_594] : memref<51200x1000xf32, #tpu.memory_space<hbm>> -> memref<40x128xf32, #tpu.memory_space<hbm>>
      %dma_wait3A_596 = arith.constant 768 : i32
      %dma_wait3A_597 = tpu.memref_slice %arg4[%mul3A_2, %dma_wait3A_596] : memref<51200x1000xf32, #tpu.memory_space<hbm>> -> memref<40x128xf32, #tpu.memory_space<hbm>>
      %dma_wait3A_598 = arith.constant 0 : i32
      %dma_wait3A_599 = arith.constant 768 : i32
      %dma_wait3A_600 = tpu.memref_slice %arg6[%dma_wait3A_598, %dma_wait3A_599] : memref<40x1024xf32, #tpu.memory_space<vmem>> -> memref<40x128xf32, #tpu.memory_space<vmem>>
      tpu.wait_dma2 semaphore(%arg12 : memref<!tpu.dma_semaphore, #tpu.memory_space<semaphore_mem>>) src(%dma_wait3A_600 : memref<40x128xf32, #tpu.memory_space<vmem>>) dst(%dma_wait3A_597 : memref<40x128xf32, #tpu.memory_space<hbm>>)
      %dma_wait3A_601 = arith.constant 896 : i32
      %dma_wait3A_602 = tpu.memref_slice %arg4[%mul3A_2, %dma_wait3A_601] : memref<51200x1000xf32, #tpu.memory_space<hbm>> -> memref<40x104xf32, #tpu.memory_space<hbm>>
      %dma_wait3A_603 = arith.constant 896 : i32
      %dma_wait3A_604 = tpu.memref_slice %arg4[%mul3A_2, %dma_wait3A_603] : memref<51200x1000xf32, #tpu.memory_space<hbm>> -> memref<40x104xf32, #tpu.memory_space<hbm>>
      tpu.wait_dma2 semaphore(%arg12 : memref<!tpu.dma_semaphore, #tpu.memory_space<semaphore_mem>>) src(%arg8 : memref<40x104xf32, #tpu.memory_space<vmem>>) dst(%dma_wait3A_604 : memref<40x104xf32, #tpu.memory_space<hbm>>)
      %add3A_605 = arith.constant 2 : i32
      %add3A_606 = arith.addi %mul3A_348, %add3A_605 : i32
      %dma_start3A_607 = arith.constant 0 : i32
      %dma_start3A_608 = tpu.memref_slice %arg5[%add3A_606, %dma_start3A_607] : memref<40x40xi32, #tpu.memory_space<vmem>> -> memref<1x40xi32, #tpu.memory_space<vmem>>
      %dma_start3A_609 = tpu.memref_squeeze %dma_start3A_608 : memref<1x40xi32, #tpu.memory_space<vmem>> -> memref<40xi32, #tpu.memory_space<vmem>>
      %dma_start3A_610 = arith.constant 0 : i32
      %dma_start3A_611 = arith.constant 0 : i32
      %dma_start3A_612 = tpu.memref_slice %arg2[%dma_start3A_610, %dma_start3A_611] : memref<1000x1024xf32, #tpu.memory_space<hbm>> -> memref<1000x1024xf32, #tpu.memory_space<hbm>>
      tpu.enqueue_indirect_dma source(%dma_start3A_612 : memref<1000x1024xf32, #tpu.memory_space<hbm>>) target(%arg6 : memref<40x1024xf32, #tpu.memory_space<vmem>>) offsets(%dma_start3A_609 : memref<40xi32, #tpu.memory_space<vmem>>) semaphore(%arg10 : memref<!tpu.dma_semaphore, #tpu.memory_space<semaphore_mem>>)
      %dma_wait3A_613 = arith.constant 0 : i32
      %dma_wait3A_614 = arith.constant 0 : i32
      %dma_wait3A_615 = tpu.memref_slice %arg7[%dma_wait3A_613, %dma_wait3A_614] : memref<40x1024xf32, #tpu.memory_space<vmem>> -> memref<40x128xf32, #tpu.memory_space<vmem>>
      %dma_wait3A_616 = arith.constant 0 : i32
      %dma_wait3A_617 = tpu.memref_slice %arg4[%mul3A_2, %dma_wait3A_616] : memref<51200x1000xf32, #tpu.memory_space<hbm>> -> memref<40x128xf32, #tpu.memory_space<hbm>>
      %dma_wait3A_618 = arith.constant 0 : i32
      %dma_wait3A_619 = tpu.memref_slice %arg4[%mul3A_2, %dma_wait3A_618] : memref<51200x1000xf32, #tpu.memory_space<hbm>> -> memref<40x128xf32, #tpu.memory_space<hbm>>
      %dma_wait3A_620 = arith.constant 0 : i32
      %dma_wait3A_621 = arith.constant 0 : i32
      %dma_wait3A_622 = tpu.memref_slice %arg7[%dma_wait3A_620, %dma_wait3A_621] : memref<40x1024xf32, #tpu.memory_space<vmem>> -> memref<40x128xf32, #tpu.memory_space<vmem>>
      tpu.wait_dma2 semaphore(%arg13 : memref<!tpu.dma_semaphore, #tpu.memory_space<semaphore_mem>>) src(%dma_wait3A_622 : memref<40x128xf32, #tpu.memory_space<vmem>>) dst(%dma_wait3A_619 : memref<40x128xf32, #tpu.memory_space<hbm>>)
      %dma_wait3A_623 = arith.constant 0 : i32
      %dma_wait3A_624 = arith.constant 128 : i32
      %dma_wait3A_625 = tpu.memref_slice %arg7[%dma_wait3A_623, %dma_wait3A_624] : memref<40x1024xf32, #tpu.memory_space<vmem>> -> memref<40x128xf32, #tpu.memory_space<vmem>>
      %dma_wait3A_626 = arith.constant 128 : i32
      %dma_wait3A_627 = tpu.memref_slice %arg4[%mul3A_2, %dma_wait3A_626] : memref<51200x1000xf32, #tpu.memory_space<hbm>> -> memref<40x128xf32, #tpu.memory_space<hbm>>
      %dma_wait3A_628 = arith.constant 128 : i32
      %dma_wait3A_629 = tpu.memref_slice %arg4[%mul3A_2, %dma_wait3A_628] : memref<51200x1000xf32, #tpu.memory_space<hbm>> -> memref<40x128xf32, #tpu.memory_space<hbm>>
      %dma_wait3A_630 = arith.constant 0 : i32
      %dma_wait3A_631 = arith.constant 128 : i32
      %dma_wait3A_632 = tpu.memref_slice %arg7[%dma_wait3A_630, %dma_wait3A_631] : memref<40x1024xf32, #tpu.memory_space<vmem>> -> memref<40x128xf32, #tpu.memory_space<vmem>>
      tpu.wait_dma2 semaphore(%arg13 : memref<!tpu.dma_semaphore, #tpu.memory_space<semaphore_mem>>) src(%dma_wait3A_632 : memref<40x128xf32, #tpu.memory_space<vmem>>) dst(%dma_wait3A_629 : memref<40x128xf32, #tpu.memory_space<hbm>>)
      %dma_wait3A_633 = arith.constant 0 : i32
      %dma_wait3A_634 = arith.constant 256 : i32
      %dma_wait3A_635 = tpu.memref_slice %arg7[%dma_wait3A_633, %dma_wait3A_634] : memref<40x1024xf32, #tpu.memory_space<vmem>> -> memref<40x128xf32, #tpu.memory_space<vmem>>
      %dma_wait3A_636 = arith.constant 256 : i32
      %dma_wait3A_637 = tpu.memref_slice %arg4[%mul3A_2, %dma_wait3A_636] : memref<51200x1000xf32, #tpu.memory_space<hbm>> -> memref<40x128xf32, #tpu.memory_space<hbm>>
      %dma_wait3A_638 = arith.constant 256 : i32
      %dma_wait3A_639 = tpu.memref_slice %arg4[%mul3A_2, %dma_wait3A_638] : memref<51200x1000xf32, #tpu.memory_space<hbm>> -> memref<40x128xf32, #tpu.memory_space<hbm>>
      %dma_wait3A_640 = arith.constant 0 : i32
      %dma_wait3A_641 = arith.constant 256 : i32
      %dma_wait3A_642 = tpu.memref_slice %arg7[%dma_wait3A_640, %dma_wait3A_641] : memref<40x1024xf32, #tpu.memory_space<vmem>> -> memref<40x128xf32, #tpu.memory_space<vmem>>
      tpu.wait_dma2 semaphore(%arg13 : memref<!tpu.dma_semaphore, #tpu.memory_space<semaphore_mem>>) src(%dma_wait3A_642 : memref<40x128xf32, #tpu.memory_space<vmem>>) dst(%dma_wait3A_639 : memref<40x128xf32, #tpu.memory_space<hbm>>)
      %dma_wait3A_643 = arith.constant 0 : i32
      %dma_wait3A_644 = arith.constant 384 : i32
      %dma_wait3A_645 = tpu.memref_slice %arg7[%dma_wait3A_643, %dma_wait3A_644] : memref<40x1024xf32, #tpu.memory_space<vmem>> -> memref<40x128xf32, #tpu.memory_space<vmem>>
      %dma_wait3A_646 = arith.constant 384 : i32
      %dma_wait3A_647 = tpu.memref_slice %arg4[%mul3A_2, %dma_wait3A_646] : memref<51200x1000xf32, #tpu.memory_space<hbm>> -> memref<40x128xf32, #tpu.memory_space<hbm>>
      %dma_wait3A_648 = arith.constant 384 : i32
      %dma_wait3A_649 = tpu.memref_slice %arg4[%mul3A_2, %dma_wait3A_648] : memref<51200x1000xf32, #tpu.memory_space<hbm>> -> memref<40x128xf32, #tpu.memory_space<hbm>>
      %dma_wait3A_650 = arith.constant 0 : i32
      %dma_wait3A_651 = arith.constant 384 : i32
      %dma_wait3A_652 = tpu.memref_slice %arg7[%dma_wait3A_650, %dma_wait3A_651] : memref<40x1024xf32, #tpu.memory_space<vmem>> -> memref<40x128xf32, #tpu.memory_space<vmem>>
      tpu.wait_dma2 semaphore(%arg13 : memref<!tpu.dma_semaphore, #tpu.memory_space<semaphore_mem>>) src(%dma_wait3A_652 : memref<40x128xf32, #tpu.memory_space<vmem>>) dst(%dma_wait3A_649 : memref<40x128xf32, #tpu.memory_space<hbm>>)
      %dma_wait3A_653 = arith.constant 0 : i32
      %dma_wait3A_654 = arith.constant 512 : i32
      %dma_wait3A_655 = tpu.memref_slice %arg7[%dma_wait3A_653, %dma_wait3A_654] : memref<40x1024xf32, #tpu.memory_space<vmem>> -> memref<40x128xf32, #tpu.memory_space<vmem>>
      %dma_wait3A_656 = arith.constant 512 : i32
      %dma_wait3A_657 = tpu.memref_slice %arg4[%mul3A_2, %dma_wait3A_656] : memref<51200x1000xf32, #tpu.memory_space<hbm>> -> memref<40x128xf32, #tpu.memory_space<hbm>>
      %dma_wait3A_658 = arith.constant 512 : i32
      %dma_wait3A_659 = tpu.memref_slice %arg4[%mul3A_2, %dma_wait3A_658] : memref<51200x1000xf32, #tpu.memory_space<hbm>> -> memref<40x128xf32, #tpu.memory_space<hbm>>
      %dma_wait3A_660 = arith.constant 0 : i32
      %dma_wait3A_661 = arith.constant 512 : i32
      %dma_wait3A_662 = tpu.memref_slice %arg7[%dma_wait3A_660, %dma_wait3A_661] : memref<40x1024xf32, #tpu.memory_space<vmem>> -> memref<40x128xf32, #tpu.memory_space<vmem>>
      tpu.wait_dma2 semaphore(%arg13 : memref<!tpu.dma_semaphore, #tpu.memory_space<semaphore_mem>>) src(%dma_wait3A_662 : memref<40x128xf32, #tpu.memory_space<vmem>>) dst(%dma_wait3A_659 : memref<40x128xf32, #tpu.memory_space<hbm>>)
      %dma_wait3A_663 = arith.constant 0 : i32
      %dma_wait3A_664 = arith.constant 640 : i32
      %dma_wait3A_665 = tpu.memref_slice %arg7[%dma_wait3A_663, %dma_wait3A_664] : memref<40x1024xf32, #tpu.memory_space<vmem>> -> memref<40x128xf32, #tpu.memory_space<vmem>>
      %dma_wait3A_666 = arith.constant 640 : i32
      %dma_wait3A_667 = tpu.memref_slice %arg4[%mul3A_2, %dma_wait3A_666] : memref<51200x1000xf32, #tpu.memory_space<hbm>> -> memref<40x128xf32, #tpu.memory_space<hbm>>
      %dma_wait3A_668 = arith.constant 640 : i32
      %dma_wait3A_669 = tpu.memref_slice %arg4[%mul3A_2, %dma_wait3A_668] : memref<51200x1000xf32, #tpu.memory_space<hbm>> -> memref<40x128xf32, #tpu.memory_space<hbm>>
      %dma_wait3A_670 = arith.constant 0 : i32
      %dma_wait3A_671 = arith.constant 640 : i32
      %dma_wait3A_672 = tpu.memref_slice %arg7[%dma_wait3A_670, %dma_wait3A_671] : memref<40x1024xf32, #tpu.memory_space<vmem>> -> memref<40x128xf32, #tpu.memory_space<vmem>>
      tpu.wait_dma2 semaphore(%arg13 : memref<!tpu.dma_semaphore, #tpu.memory_space<semaphore_mem>>) src(%dma_wait3A_672 : memref<40x128xf32, #tpu.memory_space<vmem>>) dst(%dma_wait3A_669 : memref<40x128xf32, #tpu.memory_space<hbm>>)
      %dma_wait3A_673 = arith.constant 0 : i32
      %dma_wait3A_674 = arith.constant 768 : i32
      %dma_wait3A_675 = tpu.memref_slice %arg7[%dma_wait3A_673, %dma_wait3A_674] : memref<40x1024xf32, #tpu.memory_space<vmem>> -> memref<40x128xf32, #tpu.memory_space<vmem>>
      %dma_wait3A_676 = arith.constant 768 : i32
      %dma_wait3A_677 = tpu.memref_slice %arg4[%mul3A_2, %dma_wait3A_676] : memref<51200x1000xf32, #tpu.memory_space<hbm>> -> memref<40x128xf32, #tpu.memory_space<hbm>>
      %dma_wait3A_678 = arith.constant 768 : i32
      %dma_wait3A_679 = tpu.memref_slice %arg4[%mul3A_2, %dma_wait3A_678] : memref<51200x1000xf32, #tpu.memory_space<hbm>> -> memref<40x128xf32, #tpu.memory_space<hbm>>
      %dma_wait3A_680 = arith.constant 0 : i32
      %dma_wait3A_681 = arith.constant 768 : i32
      %dma_wait3A_682 = tpu.memref_slice %arg7[%dma_wait3A_680, %dma_wait3A_681] : memref<40x1024xf32, #tpu.memory_space<vmem>> -> memref<40x128xf32, #tpu.memory_space<vmem>>
      tpu.wait_dma2 semaphore(%arg13 : memref<!tpu.dma_semaphore, #tpu.memory_space<semaphore_mem>>) src(%dma_wait3A_682 : memref<40x128xf32, #tpu.memory_space<vmem>>) dst(%dma_wait3A_679 : memref<40x128xf32, #tpu.memory_space<hbm>>)
      %dma_wait3A_683 = arith.constant 896 : i32
      %dma_wait3A_684 = tpu.memref_slice %arg4[%mul3A_2, %dma_wait3A_683] : memref<51200x1000xf32, #tpu.memory_space<hbm>> -> memref<40x104xf32, #tpu.memory_space<hbm>>
      %dma_wait3A_685 = arith.constant 896 : i32
      %dma_wait3A_686 = tpu.memref_slice %arg4[%mul3A_2, %dma_wait3A_685] : memref<51200x1000xf32, #tpu.memory_space<hbm>> -> memref<40x104xf32, #tpu.memory_space<hbm>>
      tpu.wait_dma2 semaphore(%arg13 : memref<!tpu.dma_semaphore, #tpu.memory_space<semaphore_mem>>) src(%arg9 : memref<40x104xf32, #tpu.memory_space<vmem>>) dst(%dma_wait3A_686 : memref<40x104xf32, #tpu.memory_space<hbm>>)
      %add3A_687 = arith.constant 3 : i32
      %add3A_688 = arith.addi %mul3A_348, %add3A_687 : i32
      %dma_start3A_689 = arith.constant 0 : i32
      %dma_start3A_690 = tpu.memref_slice %arg5[%add3A_688, %dma_start3A_689] : memref<40x40xi32, #tpu.memory_space<vmem>> -> memref<1x40xi32, #tpu.memory_space<vmem>>
      %dma_start3A_691 = tpu.memref_squeeze %dma_start3A_690 : memref<1x40xi32, #tpu.memory_space<vmem>> -> memref<40xi32, #tpu.memory_space<vmem>>
      %dma_start3A_692 = arith.constant 0 : i32
      %dma_start3A_693 = arith.constant 0 : i32
      %dma_start3A_694 = tpu.memref_slice %arg2[%dma_start3A_692, %dma_start3A_693] : memref<1000x1024xf32, #tpu.memory_space<hbm>> -> memref<1000x1024xf32, #tpu.memory_space<hbm>>
      tpu.enqueue_indirect_dma source(%dma_start3A_694 : memref<1000x1024xf32, #tpu.memory_space<hbm>>) target(%arg7 : memref<40x1024xf32, #tpu.memory_space<vmem>>) offsets(%dma_start3A_691 : memref<40xi32, #tpu.memory_space<vmem>>) semaphore(%arg11 : memref<!tpu.dma_semaphore, #tpu.memory_space<semaphore_mem>>)
    }
    %scan3A_20 = arith.constant 19 : i32
    %dma_wait3A = arith.constant 38 : i32
    %dma_wait3A_21 = arith.constant 0 : i32
    %dma_wait3A_22 = tpu.memref_slice %arg5[%dma_wait3A, %dma_wait3A_21] : memref<40x40xi32, #tpu.memory_space<vmem>> -> memref<1x40xi32, #tpu.memory_space<vmem>>
    %dma_wait3A_23 = tpu.memref_squeeze %dma_wait3A_22 : memref<1x40xi32, #tpu.memory_space<vmem>> -> memref<40xi32, #tpu.memory_space<vmem>>
    %dma_wait3A_24 = arith.constant 0 : i32
    %dma_wait3A_25 = arith.constant 0 : i32
    %dma_wait3A_26 = tpu.memref_slice %arg2[%dma_wait3A_24, %dma_wait3A_25] : memref<1000x1024xf32, #tpu.memory_space<hbm>> -> memref<1000x1024xf32, #tpu.memory_space<hbm>>
    tpu.wait_indirect_dma semaphore(%arg10 : memref<!tpu.dma_semaphore, #tpu.memory_space<semaphore_mem>>) src(%dma_wait3A_26 : memref<1000x1024xf32, #tpu.memory_space<hbm>>) dst(%arg6 : memref<40x1024xf32, #tpu.memory_space<vmem>>)
    %add3A_27 = arith.constant 1520 : i32
    %add3A_28 = arith.addi %mul3A_2, %add3A_27 : i32
    %dma_start3A_29 = arith.constant 0 : i32
    %dma_start3A_30 = arith.constant 0 : i32
    %dma_start3A_31 = tpu.memref_slice %arg6[%dma_start3A_29, %dma_start3A_30] : memref<40x1024xf32, #tpu.memory_space<vmem>> -> memref<40x128xf32, #tpu.memory_space<vmem>>
    %dma_start3A_32 = arith.constant 0 : i32
    %dma_start3A_33 = tpu.memref_slice %arg4[%add3A_28, %dma_start3A_32] : memref<51200x1000xf32, #tpu.memory_space<hbm>> -> memref<40x128xf32, #tpu.memory_space<hbm>>
    %dma_start3A_34 = arith.constant 0 : i32
    %dma_start3A_35 = tpu.memref_slice %arg4[%add3A_28, %dma_start3A_34] : memref<51200x1000xf32, #tpu.memory_space<hbm>> -> memref<40x128xf32, #tpu.memory_space<hbm>>
    %dma_start3A_36 = arith.constant 0 : i32
    %dma_start3A_37 = arith.constant 0 : i32
    %dma_start3A_38 = tpu.memref_slice %arg6[%dma_start3A_36, %dma_start3A_37] : memref<40x1024xf32, #tpu.memory_space<vmem>> -> memref<40x128xf32, #tpu.memory_space<vmem>>
    tpu.enqueue_dma source(%dma_start3A_38 : memref<40x128xf32, #tpu.memory_space<vmem>>) target(%dma_start3A_35 : memref<40x128xf32, #tpu.memory_space<hbm>>) target_semaphore(%arg12 : memref<!tpu.dma_semaphore, #tpu.memory_space<semaphore_mem>>)
    %dma_start3A_39 = arith.constant 0 : i32
    %dma_start3A_40 = arith.constant 128 : i32
    %dma_start3A_41 = tpu.memref_slice %arg6[%dma_start3A_39, %dma_start3A_40] : memref<40x1024xf32, #tpu.memory_space<vmem>> -> memref<40x128xf32, #tpu.memory_space<vmem>>
    %dma_start3A_42 = arith.constant 128 : i32
    %dma_start3A_43 = tpu.memref_slice %arg4[%add3A_28, %dma_start3A_42] : memref<51200x1000xf32, #tpu.memory_space<hbm>> -> memref<40x128xf32, #tpu.memory_space<hbm>>
    %dma_start3A_44 = arith.constant 128 : i32
    %dma_start3A_45 = tpu.memref_slice %arg4[%add3A_28, %dma_start3A_44] : memref<51200x1000xf32, #tpu.memory_space<hbm>> -> memref<40x128xf32, #tpu.memory_space<hbm>>
    %dma_start3A_46 = arith.constant 0 : i32
    %dma_start3A_47 = arith.constant 128 : i32
    %dma_start3A_48 = tpu.memref_slice %arg6[%dma_start3A_46, %dma_start3A_47] : memref<40x1024xf32, #tpu.memory_space<vmem>> -> memref<40x128xf32, #tpu.memory_space<vmem>>
    tpu.enqueue_dma source(%dma_start3A_48 : memref<40x128xf32, #tpu.memory_space<vmem>>) target(%dma_start3A_45 : memref<40x128xf32, #tpu.memory_space<hbm>>) target_semaphore(%arg12 : memref<!tpu.dma_semaphore, #tpu.memory_space<semaphore_mem>>)
    %dma_start3A_49 = arith.constant 0 : i32
    %dma_start3A_50 = arith.constant 256 : i32
    %dma_start3A_51 = tpu.memref_slice %arg6[%dma_start3A_49, %dma_start3A_50] : memref<40x1024xf32, #tpu.memory_space<vmem>> -> memref<40x128xf32, #tpu.memory_space<vmem>>
    %dma_start3A_52 = arith.constant 256 : i32
    %dma_start3A_53 = tpu.memref_slice %arg4[%add3A_28, %dma_start3A_52] : memref<51200x1000xf32, #tpu.memory_space<hbm>> -> memref<40x128xf32, #tpu.memory_space<hbm>>
    %dma_start3A_54 = arith.constant 256 : i32
    %dma_start3A_55 = tpu.memref_slice %arg4[%add3A_28, %dma_start3A_54] : memref<51200x1000xf32, #tpu.memory_space<hbm>> -> memref<40x128xf32, #tpu.memory_space<hbm>>
    %dma_start3A_56 = arith.constant 0 : i32
    %dma_start3A_57 = arith.constant 256 : i32
    %dma_start3A_58 = tpu.memref_slice %arg6[%dma_start3A_56, %dma_start3A_57] : memref<40x1024xf32, #tpu.memory_space<vmem>> -> memref<40x128xf32, #tpu.memory_space<vmem>>
    tpu.enqueue_dma source(%dma_start3A_58 : memref<40x128xf32, #tpu.memory_space<vmem>>) target(%dma_start3A_55 : memref<40x128xf32, #tpu.memory_space<hbm>>) target_semaphore(%arg12 : memref<!tpu.dma_semaphore, #tpu.memory_space<semaphore_mem>>)
    %dma_start3A_59 = arith.constant 0 : i32
    %dma_start3A_60 = arith.constant 384 : i32
    %dma_start3A_61 = tpu.memref_slice %arg6[%dma_start3A_59, %dma_start3A_60] : memref<40x1024xf32, #tpu.memory_space<vmem>> -> memref<40x128xf32, #tpu.memory_space<vmem>>
    %dma_start3A_62 = arith.constant 384 : i32
    %dma_start3A_63 = tpu.memref_slice %arg4[%add3A_28, %dma_start3A_62] : memref<51200x1000xf32, #tpu.memory_space<hbm>> -> memref<40x128xf32, #tpu.memory_space<hbm>>
    %dma_start3A_64 = arith.constant 384 : i32
    %dma_start3A_65 = tpu.memref_slice %arg4[%add3A_28, %dma_start3A_64] : memref<51200x1000xf32, #tpu.memory_space<hbm>> -> memref<40x128xf32, #tpu.memory_space<hbm>>
    %dma_start3A_66 = arith.constant 0 : i32
    %dma_start3A_67 = arith.constant 384 : i32
    %dma_start3A_68 = tpu.memref_slice %arg6[%dma_start3A_66, %dma_start3A_67] : memref<40x1024xf32, #tpu.memory_space<vmem>> -> memref<40x128xf32, #tpu.memory_space<vmem>>
    tpu.enqueue_dma source(%dma_start3A_68 : memref<40x128xf32, #tpu.memory_space<vmem>>) target(%dma_start3A_65 : memref<40x128xf32, #tpu.memory_space<hbm>>) target_semaphore(%arg12 : memref<!tpu.dma_semaphore, #tpu.memory_space<semaphore_mem>>)
    %dma_start3A_69 = arith.constant 0 : i32
    %dma_start3A_70 = arith.constant 512 : i32
    %dma_start3A_71 = tpu.memref_slice %arg6[%dma_start3A_69, %dma_start3A_70] : memref<40x1024xf32, #tpu.memory_space<vmem>> -> memref<40x128xf32, #tpu.memory_space<vmem>>
    %dma_start3A_72 = arith.constant 512 : i32
    %dma_start3A_73 = tpu.memref_slice %arg4[%add3A_28, %dma_start3A_72] : memref<51200x1000xf32, #tpu.memory_space<hbm>> -> memref<40x128xf32, #tpu.memory_space<hbm>>
    %dma_start3A_74 = arith.constant 512 : i32
    %dma_start3A_75 = tpu.memref_slice %arg4[%add3A_28, %dma_start3A_74] : memref<51200x1000xf32, #tpu.memory_space<hbm>> -> memref<40x128xf32, #tpu.memory_space<hbm>>
    %dma_start3A_76 = arith.constant 0 : i32
    %dma_start3A_77 = arith.constant 512 : i32
    %dma_start3A_78 = tpu.memref_slice %arg6[%dma_start3A_76, %dma_start3A_77] : memref<40x1024xf32, #tpu.memory_space<vmem>> -> memref<40x128xf32, #tpu.memory_space<vmem>>
    tpu.enqueue_dma source(%dma_start3A_78 : memref<40x128xf32, #tpu.memory_space<vmem>>) target(%dma_start3A_75 : memref<40x128xf32, #tpu.memory_space<hbm>>) target_semaphore(%arg12 : memref<!tpu.dma_semaphore, #tpu.memory_space<semaphore_mem>>)
    %dma_start3A_79 = arith.constant 0 : i32
    %dma_start3A_80 = arith.constant 640 : i32
    %dma_start3A_81 = tpu.memref_slice %arg6[%dma_start3A_79, %dma_start3A_80] : memref<40x1024xf32, #tpu.memory_space<vmem>> -> memref<40x128xf32, #tpu.memory_space<vmem>>
    %dma_start3A_82 = arith.constant 640 : i32
    %dma_start3A_83 = tpu.memref_slice %arg4[%add3A_28, %dma_start3A_82] : memref<51200x1000xf32, #tpu.memory_space<hbm>> -> memref<40x128xf32, #tpu.memory_space<hbm>>
    %dma_start3A_84 = arith.constant 640 : i32
    %dma_start3A_85 = tpu.memref_slice %arg4[%add3A_28, %dma_start3A_84] : memref<51200x1000xf32, #tpu.memory_space<hbm>> -> memref<40x128xf32, #tpu.memory_space<hbm>>
    %dma_start3A_86 = arith.constant 0 : i32
    %dma_start3A_87 = arith.constant 640 : i32
    %dma_start3A_88 = tpu.memref_slice %arg6[%dma_start3A_86, %dma_start3A_87] : memref<40x1024xf32, #tpu.memory_space<vmem>> -> memref<40x128xf32, #tpu.memory_space<vmem>>
    tpu.enqueue_dma source(%dma_start3A_88 : memref<40x128xf32, #tpu.memory_space<vmem>>) target(%dma_start3A_85 : memref<40x128xf32, #tpu.memory_space<hbm>>) target_semaphore(%arg12 : memref<!tpu.dma_semaphore, #tpu.memory_space<semaphore_mem>>)
    %dma_start3A_89 = arith.constant 0 : i32
    %dma_start3A_90 = arith.constant 768 : i32
    %dma_start3A_91 = tpu.memref_slice %arg6[%dma_start3A_89, %dma_start3A_90] : memref<40x1024xf32, #tpu.memory_space<vmem>> -> memref<40x128xf32, #tpu.memory_space<vmem>>
    %dma_start3A_92 = arith.constant 768 : i32
    %dma_start3A_93 = tpu.memref_slice %arg4[%add3A_28, %dma_start3A_92] : memref<51200x1000xf32, #tpu.memory_space<hbm>> -> memref<40x128xf32, #tpu.memory_space<hbm>>
    %dma_start3A_94 = arith.constant 768 : i32
    %dma_start3A_95 = tpu.memref_slice %arg4[%add3A_28, %dma_start3A_94] : memref<51200x1000xf32, #tpu.memory_space<hbm>> -> memref<40x128xf32, #tpu.memory_space<hbm>>
    %dma_start3A_96 = arith.constant 0 : i32
    %dma_start3A_97 = arith.constant 768 : i32
    %dma_start3A_98 = tpu.memref_slice %arg6[%dma_start3A_96, %dma_start3A_97] : memref<40x1024xf32, #tpu.memory_space<vmem>> -> memref<40x128xf32, #tpu.memory_space<vmem>>
    tpu.enqueue_dma source(%dma_start3A_98 : memref<40x128xf32, #tpu.memory_space<vmem>>) target(%dma_start3A_95 : memref<40x128xf32, #tpu.memory_space<hbm>>) target_semaphore(%arg12 : memref<!tpu.dma_semaphore, #tpu.memory_space<semaphore_mem>>)
    %scan3A_99 = arith.constant 0 : i32
    %scan3A_100 = arith.constant 0 : i32
    %scan3A_101 = arith.constant 40 : i32
    %scan3A_102 = arith.addi %scan3A_100, %scan3A_101 : i32
    %scan3A_103 = arith.constant 1 : i32
    scf.for %scan3A_346 = %scan3A_100 to %scan3A_102 step %scan3A_103  : i32 {
      %get3A = arith.index_cast %scan3A_346 : i32 to index
      %get3A_347 = arith.constant 896 : index
      %get3A_348 = tpu.vector_load %arg6[%get3A, %get3A_347] {strides = array<i32>} : memref<40x1024xf32, #tpu.memory_space<vmem>>, vector<1x16xf32>,
      %get3A_349 = vector.shape_cast %get3A_348 : vector<1x16xf32> to vector<16xf32>
      %swap3A = arith.index_cast %scan3A_346 : i32 to index
      %swap3A_350 = arith.constant 0 : index
      %swap3A_351 = tpu.vector_load %arg8[%swap3A, %swap3A_350] {strides = array<i32>} : memref<40x104xf32, #tpu.memory_space<vmem>>, vector<1x16xf32>,
      %swap3A_352 = vector.shape_cast %swap3A_351 : vector<1x16xf32> to vector<16xf32>
      %swap3A_353 = vector.shape_cast %get3A_349 : vector<16xf32> to vector<1x16xf32>
      tpu.vector_store %arg8[%swap3A, %swap3A_350], %swap3A_353 {strides = array<i32>} : memref<40x104xf32, #tpu.memory_space<vmem>>, vector<1x16xf32>,
      %get3A_354 = arith.index_cast %scan3A_346 : i32 to index
      %get3A_355 = arith.constant 912 : index
      %get3A_356 = tpu.vector_load %arg6[%get3A_354, %get3A_355] {strides = array<i32>} : memref<40x1024xf32, #tpu.memory_space<vmem>>, vector<1x16xf32>,
      %get3A_357 = vector.shape_cast %get3A_356 : vector<1x16xf32> to vector<16xf32>
      %swap3A_358 = arith.index_cast %scan3A_346 : i32 to index
      %swap3A_359 = arith.constant 16 : index
      %swap3A_360 = tpu.vector_load %arg8[%swap3A_358, %swap3A_359] {strides = array<i32>} : memref<40x104xf32, #tpu.memory_space<vmem>>, vector<1x16xf32>,
      %swap3A_361 = vector.shape_cast %swap3A_360 : vector<1x16xf32> to vector<16xf32>
      %swap3A_362 = vector.shape_cast %get3A_357 : vector<16xf32> to vector<1x16xf32>
      tpu.vector_store %arg8[%swap3A_358, %swap3A_359], %swap3A_362 {strides = array<i32>} : memref<40x104xf32, #tpu.memory_space<vmem>>, vector<1x16xf32>,
      %get3A_363 = arith.index_cast %scan3A_346 : i32 to index
      %get3A_364 = arith.constant 928 : index
      %get3A_365 = tpu.vector_load %arg6[%get3A_363, %get3A_364] {strides = array<i32>} : memref<40x1024xf32, #tpu.memory_space<vmem>>, vector<1x16xf32>,
      %get3A_366 = vector.shape_cast %get3A_365 : vector<1x16xf32> to vector<16xf32>
      %swap3A_367 = arith.index_cast %scan3A_346 : i32 to index
      %swap3A_368 = arith.constant 32 : index
      %swap3A_369 = tpu.vector_load %arg8[%swap3A_367, %swap3A_368] {strides = array<i32>} : memref<40x104xf32, #tpu.memory_space<vmem>>, vector<1x16xf32>,
      %swap3A_370 = vector.shape_cast %swap3A_369 : vector<1x16xf32> to vector<16xf32>
      %swap3A_371 = vector.shape_cast %get3A_366 : vector<16xf32> to vector<1x16xf32>
      tpu.vector_store %arg8[%swap3A_367, %swap3A_368], %swap3A_371 {strides = array<i32>} : memref<40x104xf32, #tpu.memory_space<vmem>>, vector<1x16xf32>,
      %get3A_372 = arith.index_cast %scan3A_346 : i32 to index
      %get3A_373 = arith.constant 944 : index
      %get3A_374 = tpu.vector_load %arg6[%get3A_372, %get3A_373] {strides = array<i32>} : memref<40x1024xf32, #tpu.memory_space<vmem>>, vector<1x16xf32>,
      %get3A_375 = vector.shape_cast %get3A_374 : vector<1x16xf32> to vector<16xf32>
      %swap3A_376 = arith.index_cast %scan3A_346 : i32 to index
      %swap3A_377 = arith.constant 48 : index
      %swap3A_378 = tpu.vector_load %arg8[%swap3A_376, %swap3A_377] {strides = array<i32>} : memref<40x104xf32, #tpu.memory_space<vmem>>, vector<1x16xf32>,
      %swap3A_379 = vector.shape_cast %swap3A_378 : vector<1x16xf32> to vector<16xf32>
      %swap3A_380 = vector.shape_cast %get3A_375 : vector<16xf32> to vector<1x16xf32>
      tpu.vector_store %arg8[%swap3A_376, %swap3A_377], %swap3A_380 {strides = array<i32>} : memref<40x104xf32, #tpu.memory_space<vmem>>, vector<1x16xf32>,
      %get3A_381 = arith.index_cast %scan3A_346 : i32 to index
      %get3A_382 = arith.constant 960 : index
      %get3A_383 = tpu.vector_load %arg6[%get3A_381, %get3A_382] {strides = array<i32>} : memref<40x1024xf32, #tpu.memory_space<vmem>>, vector<1x16xf32>,
      %get3A_384 = vector.shape_cast %get3A_383 : vector<1x16xf32> to vector<16xf32>
      %swap3A_385 = arith.index_cast %scan3A_346 : i32 to index
      %swap3A_386 = arith.constant 64 : index
      %swap3A_387 = tpu.vector_load %arg8[%swap3A_385, %swap3A_386] {strides = array<i32>} : memref<40x104xf32, #tpu.memory_space<vmem>>, vector<1x16xf32>,
      %swap3A_388 = vector.shape_cast %swap3A_387 : vector<1x16xf32> to vector<16xf32>
      %swap3A_389 = vector.shape_cast %get3A_384 : vector<16xf32> to vector<1x16xf32>
      tpu.vector_store %arg8[%swap3A_385, %swap3A_386], %swap3A_389 {strides = array<i32>} : memref<40x104xf32, #tpu.memory_space<vmem>>, vector<1x16xf32>,
      %get3A_390 = arith.index_cast %scan3A_346 : i32 to index
      %get3A_391 = arith.constant 976 : index
      %get3A_392 = tpu.vector_load %arg6[%get3A_390, %get3A_391] {strides = array<i32>} : memref<40x1024xf32, #tpu.memory_space<vmem>>, vector<1x16xf32>,
      %get3A_393 = vector.shape_cast %get3A_392 : vector<1x16xf32> to vector<16xf32>
      %swap3A_394 = arith.index_cast %scan3A_346 : i32 to index
      %swap3A_395 = arith.constant 80 : index
      %swap3A_396 = tpu.vector_load %arg8[%swap3A_394, %swap3A_395] {strides = array<i32>} : memref<40x104xf32, #tpu.memory_space<vmem>>, vector<1x16xf32>,
      %swap3A_397 = vector.shape_cast %swap3A_396 : vector<1x16xf32> to vector<16xf32>
      %swap3A_398 = vector.shape_cast %get3A_393 : vector<16xf32> to vector<1x16xf32>
      tpu.vector_store %arg8[%swap3A_394, %swap3A_395], %swap3A_398 {strides = array<i32>} : memref<40x104xf32, #tpu.memory_space<vmem>>, vector<1x16xf32>,
      %get3A_399 = arith.index_cast %scan3A_346 : i32 to index
      %get3A_400 = arith.constant 984 : index
      %get3A_401 = tpu.vector_load %arg6[%get3A_399, %get3A_400] {strides = array<i32>} : memref<40x1024xf32, #tpu.memory_space<vmem>>, vector<1x16xf32>,
      %get3A_402 = vector.shape_cast %get3A_401 : vector<1x16xf32> to vector<16xf32>
      %swap3A_403 = arith.index_cast %scan3A_346 : i32 to index
      %swap3A_404 = arith.constant 88 : index
      %swap3A_405 = tpu.vector_load %arg8[%swap3A_403, %swap3A_404] {strides = array<i32>} : memref<40x104xf32, #tpu.memory_space<vmem>>, vector<1x16xf32>,
      %swap3A_406 = vector.shape_cast %swap3A_405 : vector<1x16xf32> to vector<16xf32>
      %swap3A_407 = vector.shape_cast %get3A_402 : vector<16xf32> to vector<1x16xf32>
      tpu.vector_store %arg8[%swap3A_403, %swap3A_404], %swap3A_407 {strides = array<i32>} : memref<40x104xf32, #tpu.memory_space<vmem>>, vector<1x16xf32>,
    }
    %scan3A_104 = arith.constant 40 : i32
    %dma_start3A_105 = arith.constant 896 : i32
    %dma_start3A_106 = tpu.memref_slice %arg4[%add3A_28, %dma_start3A_105] : memref<51200x1000xf32, #tpu.memory_space<hbm>> -> memref<40x104xf32, #tpu.memory_space<hbm>>
    %dma_start3A_107 = arith.constant 896 : i32
    %dma_start3A_108 = tpu.memref_slice %arg4[%add3A_28, %dma_start3A_107] : memref<51200x1000xf32, #tpu.memory_space<hbm>> -> memref<40x104xf32, #tpu.memory_space<hbm>>
    tpu.enqueue_dma source(%arg8 : memref<40x104xf32, #tpu.memory_space<vmem>>) target(%dma_start3A_108 : memref<40x104xf32, #tpu.memory_space<hbm>>) target_semaphore(%arg12 : memref<!tpu.dma_semaphore, #tpu.memory_space<semaphore_mem>>)
    %dma_wait3A_109 = arith.constant 39 : i32
    %dma_wait3A_110 = arith.constant 0 : i32
    %dma_wait3A_111 = tpu.memref_slice %arg5[%dma_wait3A_109, %dma_wait3A_110] : memref<40x40xi32, #tpu.memory_space<vmem>> -> memref<1x40xi32, #tpu.memory_space<vmem>>
    %dma_wait3A_112 = tpu.memref_squeeze %dma_wait3A_111 : memref<1x40xi32, #tpu.memory_space<vmem>> -> memref<40xi32, #tpu.memory_space<vmem>>
    %dma_wait3A_113 = arith.constant 0 : i32
    %dma_wait3A_114 = arith.constant 0 : i32
    %dma_wait3A_115 = tpu.memref_slice %arg2[%dma_wait3A_113, %dma_wait3A_114] : memref<1000x1024xf32, #tpu.memory_space<hbm>> -> memref<1000x1024xf32, #tpu.memory_space<hbm>>
    tpu.wait_indirect_dma semaphore(%arg11 : memref<!tpu.dma_semaphore, #tpu.memory_space<semaphore_mem>>) src(%dma_wait3A_115 : memref<1000x1024xf32, #tpu.memory_space<hbm>>) dst(%arg7 : memref<40x1024xf32, #tpu.memory_space<vmem>>)
    %add3A_116 = arith.constant 1560 : i32
    %add3A_117 = arith.addi %mul3A_2, %add3A_116 : i32
    %dma_start3A_118 = arith.constant 0 : i32
    %dma_start3A_119 = arith.constant 0 : i32
    %dma_start3A_120 = tpu.memref_slice %arg7[%dma_start3A_118, %dma_start3A_119] : memref<40x1024xf32, #tpu.memory_space<vmem>> -> memref<40x128xf32, #tpu.memory_space<vmem>>
    %dma_start3A_121 = arith.constant 0 : i32
    %dma_start3A_122 = tpu.memref_slice %arg4[%add3A_117, %dma_start3A_121] : memref<51200x1000xf32, #tpu.memory_space<hbm>> -> memref<40x128xf32, #tpu.memory_space<hbm>>
    %dma_start3A_123 = arith.constant 0 : i32
    %dma_start3A_124 = tpu.memref_slice %arg4[%add3A_117, %dma_start3A_123] : memref<51200x1000xf32, #tpu.memory_space<hbm>> -> memref<40x128xf32, #tpu.memory_space<hbm>>
    %dma_start3A_125 = arith.constant 0 : i32
    %dma_start3A_126 = arith.constant 0 : i32
    %dma_start3A_127 = tpu.memref_slice %arg7[%dma_start3A_125, %dma_start3A_126] : memref<40x1024xf32, #tpu.memory_space<vmem>> -> memref<40x128xf32, #tpu.memory_space<vmem>>
    tpu.enqueue_dma source(%dma_start3A_127 : memref<40x128xf32, #tpu.memory_space<vmem>>) target(%dma_start3A_124 : memref<40x128xf32, #tpu.memory_space<hbm>>) target_semaphore(%arg13 : memref<!tpu.dma_semaphore, #tpu.memory_space<semaphore_mem>>)
    %dma_start3A_128 = arith.constant 0 : i32
    %dma_start3A_129 = arith.constant 128 : i32
    %dma_start3A_130 = tpu.memref_slice %arg7[%dma_start3A_128, %dma_start3A_129] : memref<40x1024xf32, #tpu.memory_space<vmem>> -> memref<40x128xf32, #tpu.memory_space<vmem>>
    %dma_start3A_131 = arith.constant 128 : i32
    %dma_start3A_132 = tpu.memref_slice %arg4[%add3A_117, %dma_start3A_131] : memref<51200x1000xf32, #tpu.memory_space<hbm>> -> memref<40x128xf32, #tpu.memory_space<hbm>>
    %dma_start3A_133 = arith.constant 128 : i32
    %dma_start3A_134 = tpu.memref_slice %arg4[%add3A_117, %dma_start3A_133] : memref<51200x1000xf32, #tpu.memory_space<hbm>> -> memref<40x128xf32, #tpu.memory_space<hbm>>
    %dma_start3A_135 = arith.constant 0 : i32
    %dma_start3A_136 = arith.constant 128 : i32
    %dma_start3A_137 = tpu.memref_slice %arg7[%dma_start3A_135, %dma_start3A_136] : memref<40x1024xf32, #tpu.memory_space<vmem>> -> memref<40x128xf32, #tpu.memory_space<vmem>>
    tpu.enqueue_dma source(%dma_start3A_137 : memref<40x128xf32, #tpu.memory_space<vmem>>) target(%dma_start3A_134 : memref<40x128xf32, #tpu.memory_space<hbm>>) target_semaphore(%arg13 : memref<!tpu.dma_semaphore, #tpu.memory_space<semaphore_mem>>)
    %dma_start3A_138 = arith.constant 0 : i32
    %dma_start3A_139 = arith.constant 256 : i32
    %dma_start3A_140 = tpu.memref_slice %arg7[%dma_start3A_138, %dma_start3A_139] : memref<40x1024xf32, #tpu.memory_space<vmem>> -> memref<40x128xf32, #tpu.memory_space<vmem>>
    %dma_start3A_141 = arith.constant 256 : i32
    %dma_start3A_142 = tpu.memref_slice %arg4[%add3A_117, %dma_start3A_141] : memref<51200x1000xf32, #tpu.memory_space<hbm>> -> memref<40x128xf32, #tpu.memory_space<hbm>>
    %dma_start3A_143 = arith.constant 256 : i32
    %dma_start3A_144 = tpu.memref_slice %arg4[%add3A_117, %dma_start3A_143] : memref<51200x1000xf32, #tpu.memory_space<hbm>> -> memref<40x128xf32, #tpu.memory_space<hbm>>
    %dma_start3A_145 = arith.constant 0 : i32
    %dma_start3A_146 = arith.constant 256 : i32
    %dma_start3A_147 = tpu.memref_slice %arg7[%dma_start3A_145, %dma_start3A_146] : memref<40x1024xf32, #tpu.memory_space<vmem>> -> memref<40x128xf32, #tpu.memory_space<vmem>>
    tpu.enqueue_dma source(%dma_start3A_147 : memref<40x128xf32, #tpu.memory_space<vmem>>) target(%dma_start3A_144 : memref<40x128xf32, #tpu.memory_space<hbm>>) target_semaphore(%arg13 : memref<!tpu.dma_semaphore, #tpu.memory_space<semaphore_mem>>)
    %dma_start3A_148 = arith.constant 0 : i32
    %dma_start3A_149 = arith.constant 384 : i32
    %dma_start3A_150 = tpu.memref_slice %arg7[%dma_start3A_148, %dma_start3A_149] : memref<40x1024xf32, #tpu.memory_space<vmem>> -> memref<40x128xf32, #tpu.memory_space<vmem>>
    %dma_start3A_151 = arith.constant 384 : i32
    %dma_start3A_152 = tpu.memref_slice %arg4[%add3A_117, %dma_start3A_151] : memref<51200x1000xf32, #tpu.memory_space<hbm>> -> memref<40x128xf32, #tpu.memory_space<hbm>>
    %dma_start3A_153 = arith.constant 384 : i32
    %dma_start3A_154 = tpu.memref_slice %arg4[%add3A_117, %dma_start3A_153] : memref<51200x1000xf32, #tpu.memory_space<hbm>> -> memref<40x128xf32, #tpu.memory_space<hbm>>
    %dma_start3A_155 = arith.constant 0 : i32
    %dma_start3A_156 = arith.constant 384 : i32
    %dma_start3A_157 = tpu.memref_slice %arg7[%dma_start3A_155, %dma_start3A_156] : memref<40x1024xf32, #tpu.memory_space<vmem>> -> memref<40x128xf32, #tpu.memory_space<vmem>>
    tpu.enqueue_dma source(%dma_start3A_157 : memref<40x128xf32, #tpu.memory_space<vmem>>) target(%dma_start3A_154 : memref<40x128xf32, #tpu.memory_space<hbm>>) target_semaphore(%arg13 : memref<!tpu.dma_semaphore, #tpu.memory_space<semaphore_mem>>)
    %dma_start3A_158 = arith.constant 0 : i32
    %dma_start3A_159 = arith.constant 512 : i32
    %dma_start3A_160 = tpu.memref_slice %arg7[%dma_start3A_158, %dma_start3A_159] : memref<40x1024xf32, #tpu.memory_space<vmem>> -> memref<40x128xf32, #tpu.memory_space<vmem>>
    %dma_start3A_161 = arith.constant 512 : i32
    %dma_start3A_162 = tpu.memref_slice %arg4[%add3A_117, %dma_start3A_161] : memref<51200x1000xf32, #tpu.memory_space<hbm>> -> memref<40x128xf32, #tpu.memory_space<hbm>>
    %dma_start3A_163 = arith.constant 512 : i32
    %dma_start3A_164 = tpu.memref_slice %arg4[%add3A_117, %dma_start3A_163] : memref<51200x1000xf32, #tpu.memory_space<hbm>> -> memref<40x128xf32, #tpu.memory_space<hbm>>
    %dma_start3A_165 = arith.constant 0 : i32
    %dma_start3A_166 = arith.constant 512 : i32
    %dma_start3A_167 = tpu.memref_slice %arg7[%dma_start3A_165, %dma_start3A_166] : memref<40x1024xf32, #tpu.memory_space<vmem>> -> memref<40x128xf32, #tpu.memory_space<vmem>>
    tpu.enqueue_dma source(%dma_start3A_167 : memref<40x128xf32, #tpu.memory_space<vmem>>) target(%dma_start3A_164 : memref<40x128xf32, #tpu.memory_space<hbm>>) target_semaphore(%arg13 : memref<!tpu.dma_semaphore, #tpu.memory_space<semaphore_mem>>)
    %dma_start3A_168 = arith.constant 0 : i32
    %dma_start3A_169 = arith.constant 640 : i32
    %dma_start3A_170 = tpu.memref_slice %arg7[%dma_start3A_168, %dma_start3A_169] : memref<40x1024xf32, #tpu.memory_space<vmem>> -> memref<40x128xf32, #tpu.memory_space<vmem>>
    %dma_start3A_171 = arith.constant 640 : i32
    %dma_start3A_172 = tpu.memref_slice %arg4[%add3A_117, %dma_start3A_171] : memref<51200x1000xf32, #tpu.memory_space<hbm>> -> memref<40x128xf32, #tpu.memory_space<hbm>>
    %dma_start3A_173 = arith.constant 640 : i32
    %dma_start3A_174 = tpu.memref_slice %arg4[%add3A_117, %dma_start3A_173] : memref<51200x1000xf32, #tpu.memory_space<hbm>> -> memref<40x128xf32, #tpu.memory_space<hbm>>
    %dma_start3A_175 = arith.constant 0 : i32
    %dma_start3A_176 = arith.constant 640 : i32
    %dma_start3A_177 = tpu.memref_slice %arg7[%dma_start3A_175, %dma_start3A_176] : memref<40x1024xf32, #tpu.memory_space<vmem>> -> memref<40x128xf32, #tpu.memory_space<vmem>>
    tpu.enqueue_dma source(%dma_start3A_177 : memref<40x128xf32, #tpu.memory_space<vmem>>) target(%dma_start3A_174 : memref<40x128xf32, #tpu.memory_space<hbm>>) target_semaphore(%arg13 : memref<!tpu.dma_semaphore, #tpu.memory_space<semaphore_mem>>)
    %dma_start3A_178 = arith.constant 0 : i32
    %dma_start3A_179 = arith.constant 768 : i32
    %dma_start3A_180 = tpu.memref_slice %arg7[%dma_start3A_178, %dma_start3A_179] : memref<40x1024xf32, #tpu.memory_space<vmem>> -> memref<40x128xf32, #tpu.memory_space<vmem>>
    %dma_start3A_181 = arith.constant 768 : i32
    %dma_start3A_182 = tpu.memref_slice %arg4[%add3A_117, %dma_start3A_181] : memref<51200x1000xf32, #tpu.memory_space<hbm>> -> memref<40x128xf32, #tpu.memory_space<hbm>>
    %dma_start3A_183 = arith.constant 768 : i32
    %dma_start3A_184 = tpu.memref_slice %arg4[%add3A_117, %dma_start3A_183] : memref<51200x1000xf32, #tpu.memory_space<hbm>> -> memref<40x128xf32, #tpu.memory_space<hbm>>
    %dma_start3A_185 = arith.constant 0 : i32
    %dma_start3A_186 = arith.constant 768 : i32
    %dma_start3A_187 = tpu.memref_slice %arg7[%dma_start3A_185, %dma_start3A_186] : memref<40x1024xf32, #tpu.memory_space<vmem>> -> memref<40x128xf32, #tpu.memory_space<vmem>>
    tpu.enqueue_dma source(%dma_start3A_187 : memref<40x128xf32, #tpu.memory_space<vmem>>) target(%dma_start3A_184 : memref<40x128xf32, #tpu.memory_space<hbm>>) target_semaphore(%arg13 : memref<!tpu.dma_semaphore, #tpu.memory_space<semaphore_mem>>)
    %scan3A_188 = arith.constant 0 : i32
    %scan3A_189 = arith.constant 0 : i32
    %scan3A_190 = arith.constant 40 : i32
    %scan3A_191 = arith.addi %scan3A_189, %scan3A_190 : i32
    %scan3A_192 = arith.constant 1 : i32
    scf.for %scan3A_346 = %scan3A_189 to %scan3A_191 step %scan3A_192  : i32 {
      %get3A = arith.index_cast %scan3A_346 : i32 to index
      %get3A_347 = arith.constant 896 : index
      %get3A_348 = tpu.vector_load %arg7[%get3A, %get3A_347] {strides = array<i32>} : memref<40x1024xf32, #tpu.memory_space<vmem>>, vector<1x16xf32>,
      %get3A_349 = vector.shape_cast %get3A_348 : vector<1x16xf32> to vector<16xf32>
      %swap3A = arith.index_cast %scan3A_346 : i32 to index
      %swap3A_350 = arith.constant 0 : index
      %swap3A_351 = tpu.vector_load %arg9[%swap3A, %swap3A_350] {strides = array<i32>} : memref<40x104xf32, #tpu.memory_space<vmem>>, vector<1x16xf32>,
      %swap3A_352 = vector.shape_cast %swap3A_351 : vector<1x16xf32> to vector<16xf32>
      %swap3A_353 = vector.shape_cast %get3A_349 : vector<16xf32> to vector<1x16xf32>
      tpu.vector_store %arg9[%swap3A, %swap3A_350], %swap3A_353 {strides = array<i32>} : memref<40x104xf32, #tpu.memory_space<vmem>>, vector<1x16xf32>,
      %get3A_354 = arith.index_cast %scan3A_346 : i32 to index
      %get3A_355 = arith.constant 912 : index
      %get3A_356 = tpu.vector_load %arg7[%get3A_354, %get3A_355] {strides = array<i32>} : memref<40x1024xf32, #tpu.memory_space<vmem>>, vector<1x16xf32>,
      %get3A_357 = vector.shape_cast %get3A_356 : vector<1x16xf32> to vector<16xf32>
      %swap3A_358 = arith.index_cast %scan3A_346 : i32 to index
      %swap3A_359 = arith.constant 16 : index
      %swap3A_360 = tpu.vector_load %arg9[%swap3A_358, %swap3A_359] {strides = array<i32>} : memref<40x104xf32, #tpu.memory_space<vmem>>, vector<1x16xf32>,
      %swap3A_361 = vector.shape_cast %swap3A_360 : vector<1x16xf32> to vector<16xf32>
      %swap3A_362 = vector.shape_cast %get3A_357 : vector<16xf32> to vector<1x16xf32>
      tpu.vector_store %arg9[%swap3A_358, %swap3A_359], %swap3A_362 {strides = array<i32>} : memref<40x104xf32, #tpu.memory_space<vmem>>, vector<1x16xf32>,
      %get3A_363 = arith.index_cast %scan3A_346 : i32 to index
      %get3A_364 = arith.constant 928 : index
      %get3A_365 = tpu.vector_load %arg7[%get3A_363, %get3A_364] {strides = array<i32>} : memref<40x1024xf32, #tpu.memory_space<vmem>>, vector<1x16xf32>,
      %get3A_366 = vector.shape_cast %get3A_365 : vector<1x16xf32> to vector<16xf32>
      %swap3A_367 = arith.index_cast %scan3A_346 : i32 to index
      %swap3A_368 = arith.constant 32 : index
      %swap3A_369 = tpu.vector_load %arg9[%swap3A_367, %swap3A_368] {strides = array<i32>} : memref<40x104xf32, #tpu.memory_space<vmem>>, vector<1x16xf32>,
      %swap3A_370 = vector.shape_cast %swap3A_369 : vector<1x16xf32> to vector<16xf32>
      %swap3A_371 = vector.shape_cast %get3A_366 : vector<16xf32> to vector<1x16xf32>
      tpu.vector_store %arg9[%swap3A_367, %swap3A_368], %swap3A_371 {strides = array<i32>} : memref<40x104xf32, #tpu.memory_space<vmem>>, vector<1x16xf32>,
      %get3A_372 = arith.index_cast %scan3A_346 : i32 to index
      %get3A_373 = arith.constant 944 : index
      %get3A_374 = tpu.vector_load %arg7[%get3A_372, %get3A_373] {strides = array<i32>} : memref<40x1024xf32, #tpu.memory_space<vmem>>, vector<1x16xf32>,
      %get3A_375 = vector.shape_cast %get3A_374 : vector<1x16xf32> to vector<16xf32>
      %swap3A_376 = arith.index_cast %scan3A_346 : i32 to index
      %swap3A_377 = arith.constant 48 : index
      %swap3A_378 = tpu.vector_load %arg9[%swap3A_376, %swap3A_377] {strides = array<i32>} : memref<40x104xf32, #tpu.memory_space<vmem>>, vector<1x16xf32>,
      %swap3A_379 = vector.shape_cast %swap3A_378 : vector<1x16xf32> to vector<16xf32>
      %swap3A_380 = vector.shape_cast %get3A_375 : vector<16xf32> to vector<1x16xf32>
      tpu.vector_store %arg9[%swap3A_376, %swap3A_377], %swap3A_380 {strides = array<i32>} : memref<40x104xf32, #tpu.memory_space<vmem>>, vector<1x16xf32>,
      %get3A_381 = arith.index_cast %scan3A_346 : i32 to index
      %get3A_382 = arith.constant 960 : index
      %get3A_383 = tpu.vector_load %arg7[%get3A_381, %get3A_382] {strides = array<i32>} : memref<40x1024xf32, #tpu.memory_space<vmem>>, vector<1x16xf32>,
      %get3A_384 = vector.shape_cast %get3A_383 : vector<1x16xf32> to vector<16xf32>
      %swap3A_385 = arith.index_cast %scan3A_346 : i32 to index
      %swap3A_386 = arith.constant 64 : index
      %swap3A_387 = tpu.vector_load %arg9[%swap3A_385, %swap3A_386] {strides = array<i32>} : memref<40x104xf32, #tpu.memory_space<vmem>>, vector<1x16xf32>,
      %swap3A_388 = vector.shape_cast %swap3A_387 : vector<1x16xf32> to vector<16xf32>
      %swap3A_389 = vector.shape_cast %get3A_384 : vector<16xf32> to vector<1x16xf32>
      tpu.vector_store %arg9[%swap3A_385, %swap3A_386], %swap3A_389 {strides = array<i32>} : memref<40x104xf32, #tpu.memory_space<vmem>>, vector<1x16xf32>,
      %get3A_390 = arith.index_cast %scan3A_346 : i32 to index
      %get3A_391 = arith.constant 976 : index
      %get3A_392 = tpu.vector_load %arg7[%get3A_390, %get3A_391] {strides = array<i32>} : memref<40x1024xf32, #tpu.memory_space<vmem>>, vector<1x16xf32>,
      %get3A_393 = vector.shape_cast %get3A_392 : vector<1x16xf32> to vector<16xf32>
      %swap3A_394 = arith.index_cast %scan3A_346 : i32 to index
      %swap3A_395 = arith.constant 80 : index
      %swap3A_396 = tpu.vector_load %arg9[%swap3A_394, %swap3A_395] {strides = array<i32>} : memref<40x104xf32, #tpu.memory_space<vmem>>, vector<1x16xf32>,
      %swap3A_397 = vector.shape_cast %swap3A_396 : vector<1x16xf32> to vector<16xf32>
      %swap3A_398 = vector.shape_cast %get3A_393 : vector<16xf32> to vector<1x16xf32>
      tpu.vector_store %arg9[%swap3A_394, %swap3A_395], %swap3A_398 {strides = array<i32>} : memref<40x104xf32, #tpu.memory_space<vmem>>, vector<1x16xf32>,
      %get3A_399 = arith.index_cast %scan3A_346 : i32 to index
      %get3A_400 = arith.constant 984 : index
      %get3A_401 = tpu.vector_load %arg7[%get3A_399, %get3A_400] {strides = array<i32>} : memref<40x1024xf32, #tpu.memory_space<vmem>>, vector<1x16xf32>,
      %get3A_402 = vector.shape_cast %get3A_401 : vector<1x16xf32> to vector<16xf32>
      %swap3A_403 = arith.index_cast %scan3A_346 : i32 to index
      %swap3A_404 = arith.constant 88 : index
      %swap3A_405 = tpu.vector_load %arg9[%swap3A_403, %swap3A_404] {strides = array<i32>} : memref<40x104xf32, #tpu.memory_space<vmem>>, vector<1x16xf32>,
      %swap3A_406 = vector.shape_cast %swap3A_405 : vector<1x16xf32> to vector<16xf32>
      %swap3A_407 = vector.shape_cast %get3A_402 : vector<16xf32> to vector<1x16xf32>
      tpu.vector_store %arg9[%swap3A_403, %swap3A_404], %swap3A_407 {strides = array<i32>} : memref<40x104xf32, #tpu.memory_space<vmem>>, vector<1x16xf32>,
    }
    %scan3A_193 = arith.constant 40 : i32
    %dma_start3A_194 = arith.constant 896 : i32
    %dma_start3A_195 = tpu.memref_slice %arg4[%add3A_117, %dma_start3A_194] : memref<51200x1000xf32, #tpu.memory_space<hbm>> -> memref<40x104xf32, #tpu.memory_space<hbm>>
    %dma_start3A_196 = arith.constant 896 : i32
    %dma_start3A_197 = tpu.memref_slice %arg4[%add3A_117, %dma_start3A_196] : memref<51200x1000xf32, #tpu.memory_space<hbm>> -> memref<40x104xf32, #tpu.memory_space<hbm>>
    tpu.enqueue_dma source(%arg9 : memref<40x104xf32, #tpu.memory_space<vmem>>) target(%dma_start3A_197 : memref<40x104xf32, #tpu.memory_space<hbm>>) target_semaphore(%arg13 : memref<!tpu.dma_semaphore, #tpu.memory_space<semaphore_mem>>)
    %dma_wait3A_198 = arith.constant 0 : i32
    %dma_wait3A_199 = arith.constant 0 : i32
    %dma_wait3A_200 = tpu.memref_slice %arg6[%dma_wait3A_198, %dma_wait3A_199] : memref<40x1024xf32, #tpu.memory_space<vmem>> -> memref<40x128xf32, #tpu.memory_space<vmem>>
    %dma_wait3A_201 = arith.constant 0 : i32
    %dma_wait3A_202 = tpu.memref_slice %arg4[%mul3A_2, %dma_wait3A_201] : memref<51200x1000xf32, #tpu.memory_space<hbm>> -> memref<40x128xf32, #tpu.memory_space<hbm>>
    %dma_wait3A_203 = arith.constant 0 : i32
    %dma_wait3A_204 = tpu.memref_slice %arg4[%mul3A_2, %dma_wait3A_203] : memref<51200x1000xf32, #tpu.memory_space<hbm>> -> memref<40x128xf32, #tpu.memory_space<hbm>>
    %dma_wait3A_205 = arith.constant 0 : i32
    %dma_wait3A_206 = arith.constant 0 : i32
    %dma_wait3A_207 = tpu.memref_slice %arg6[%dma_wait3A_205, %dma_wait3A_206] : memref<40x1024xf32, #tpu.memory_space<vmem>> -> memref<40x128xf32, #tpu.memory_space<vmem>>
    tpu.wait_dma2 semaphore(%arg12 : memref<!tpu.dma_semaphore, #tpu.memory_space<semaphore_mem>>) src(%dma_wait3A_207 : memref<40x128xf32, #tpu.memory_space<vmem>>) dst(%dma_wait3A_204 : memref<40x128xf32, #tpu.memory_space<hbm>>)
    %dma_wait3A_208 = arith.constant 0 : i32
    %dma_wait3A_209 = arith.constant 128 : i32
    %dma_wait3A_210 = tpu.memref_slice %arg6[%dma_wait3A_208, %dma_wait3A_209] : memref<40x1024xf32, #tpu.memory_space<vmem>> -> memref<40x128xf32, #tpu.memory_space<vmem>>
    %dma_wait3A_211 = arith.constant 128 : i32
    %dma_wait3A_212 = tpu.memref_slice %arg4[%mul3A_2, %dma_wait3A_211] : memref<51200x1000xf32, #tpu.memory_space<hbm>> -> memref<40x128xf32, #tpu.memory_space<hbm>>
    %dma_wait3A_213 = arith.constant 128 : i32
    %dma_wait3A_214 = tpu.memref_slice %arg4[%mul3A_2, %dma_wait3A_213] : memref<51200x1000xf32, #tpu.memory_space<hbm>> -> memref<40x128xf32, #tpu.memory_space<hbm>>
    %dma_wait3A_215 = arith.constant 0 : i32
    %dma_wait3A_216 = arith.constant 128 : i32
    %dma_wait3A_217 = tpu.memref_slice %arg6[%dma_wait3A_215, %dma_wait3A_216] : memref<40x1024xf32, #tpu.memory_space<vmem>> -> memref<40x128xf32, #tpu.memory_space<vmem>>
    tpu.wait_dma2 semaphore(%arg12 : memref<!tpu.dma_semaphore, #tpu.memory_space<semaphore_mem>>) src(%dma_wait3A_217 : memref<40x128xf32, #tpu.memory_space<vmem>>) dst(%dma_wait3A_214 : memref<40x128xf32, #tpu.memory_space<hbm>>)
    %dma_wait3A_218 = arith.constant 0 : i32
    %dma_wait3A_219 = arith.constant 256 : i32
    %dma_wait3A_220 = tpu.memref_slice %arg6[%dma_wait3A_218, %dma_wait3A_219] : memref<40x1024xf32, #tpu.memory_space<vmem>> -> memref<40x128xf32, #tpu.memory_space<vmem>>
    %dma_wait3A_221 = arith.constant 256 : i32
    %dma_wait3A_222 = tpu.memref_slice %arg4[%mul3A_2, %dma_wait3A_221] : memref<51200x1000xf32, #tpu.memory_space<hbm>> -> memref<40x128xf32, #tpu.memory_space<hbm>>
    %dma_wait3A_223 = arith.constant 256 : i32
    %dma_wait3A_224 = tpu.memref_slice %arg4[%mul3A_2, %dma_wait3A_223] : memref<51200x1000xf32, #tpu.memory_space<hbm>> -> memref<40x128xf32, #tpu.memory_space<hbm>>
    %dma_wait3A_225 = arith.constant 0 : i32
    %dma_wait3A_226 = arith.constant 256 : i32
    %dma_wait3A_227 = tpu.memref_slice %arg6[%dma_wait3A_225, %dma_wait3A_226] : memref<40x1024xf32, #tpu.memory_space<vmem>> -> memref<40x128xf32, #tpu.memory_space<vmem>>
    tpu.wait_dma2 semaphore(%arg12 : memref<!tpu.dma_semaphore, #tpu.memory_space<semaphore_mem>>) src(%dma_wait3A_227 : memref<40x128xf32, #tpu.memory_space<vmem>>) dst(%dma_wait3A_224 : memref<40x128xf32, #tpu.memory_space<hbm>>)
    %dma_wait3A_228 = arith.constant 0 : i32
    %dma_wait3A_229 = arith.constant 384 : i32
    %dma_wait3A_230 = tpu.memref_slice %arg6[%dma_wait3A_228, %dma_wait3A_229] : memref<40x1024xf32, #tpu.memory_space<vmem>> -> memref<40x128xf32, #tpu.memory_space<vmem>>
    %dma_wait3A_231 = arith.constant 384 : i32
    %dma_wait3A_232 = tpu.memref_slice %arg4[%mul3A_2, %dma_wait3A_231] : memref<51200x1000xf32, #tpu.memory_space<hbm>> -> memref<40x128xf32, #tpu.memory_space<hbm>>
    %dma_wait3A_233 = arith.constant 384 : i32
    %dma_wait3A_234 = tpu.memref_slice %arg4[%mul3A_2, %dma_wait3A_233] : memref<51200x1000xf32, #tpu.memory_space<hbm>> -> memref<40x128xf32, #tpu.memory_space<hbm>>
    %dma_wait3A_235 = arith.constant 0 : i32
    %dma_wait3A_236 = arith.constant 384 : i32
    %dma_wait3A_237 = tpu.memref_slice %arg6[%dma_wait3A_235, %dma_wait3A_236] : memref<40x1024xf32, #tpu.memory_space<vmem>> -> memref<40x128xf32, #tpu.memory_space<vmem>>
    tpu.wait_dma2 semaphore(%arg12 : memref<!tpu.dma_semaphore, #tpu.memory_space<semaphore_mem>>) src(%dma_wait3A_237 : memref<40x128xf32, #tpu.memory_space<vmem>>) dst(%dma_wait3A_234 : memref<40x128xf32, #tpu.memory_space<hbm>>)
    %dma_wait3A_238 = arith.constant 0 : i32
    %dma_wait3A_239 = arith.constant 512 : i32
    %dma_wait3A_240 = tpu.memref_slice %arg6[%dma_wait3A_238, %dma_wait3A_239] : memref<40x1024xf32, #tpu.memory_space<vmem>> -> memref<40x128xf32, #tpu.memory_space<vmem>>
    %dma_wait3A_241 = arith.constant 512 : i32
    %dma_wait3A_242 = tpu.memref_slice %arg4[%mul3A_2, %dma_wait3A_241] : memref<51200x1000xf32, #tpu.memory_space<hbm>> -> memref<40x128xf32, #tpu.memory_space<hbm>>
    %dma_wait3A_243 = arith.constant 512 : i32
    %dma_wait3A_244 = tpu.memref_slice %arg4[%mul3A_2, %dma_wait3A_243] : memref<51200x1000xf32, #tpu.memory_space<hbm>> -> memref<40x128xf32, #tpu.memory_space<hbm>>
    %dma_wait3A_245 = arith.constant 0 : i32
    %dma_wait3A_246 = arith.constant 512 : i32
    %dma_wait3A_247 = tpu.memref_slice %arg6[%dma_wait3A_245, %dma_wait3A_246] : memref<40x1024xf32, #tpu.memory_space<vmem>> -> memref<40x128xf32, #tpu.memory_space<vmem>>
    tpu.wait_dma2 semaphore(%arg12 : memref<!tpu.dma_semaphore, #tpu.memory_space<semaphore_mem>>) src(%dma_wait3A_247 : memref<40x128xf32, #tpu.memory_space<vmem>>) dst(%dma_wait3A_244 : memref<40x128xf32, #tpu.memory_space<hbm>>)
    %dma_wait3A_248 = arith.constant 0 : i32
    %dma_wait3A_249 = arith.constant 640 : i32
    %dma_wait3A_250 = tpu.memref_slice %arg6[%dma_wait3A_248, %dma_wait3A_249] : memref<40x1024xf32, #tpu.memory_space<vmem>> -> memref<40x128xf32, #tpu.memory_space<vmem>>
    %dma_wait3A_251 = arith.constant 640 : i32
    %dma_wait3A_252 = tpu.memref_slice %arg4[%mul3A_2, %dma_wait3A_251] : memref<51200x1000xf32, #tpu.memory_space<hbm>> -> memref<40x128xf32, #tpu.memory_space<hbm>>
    %dma_wait3A_253 = arith.constant 640 : i32
    %dma_wait3A_254 = tpu.memref_slice %arg4[%mul3A_2, %dma_wait3A_253] : memref<51200x1000xf32, #tpu.memory_space<hbm>> -> memref<40x128xf32, #tpu.memory_space<hbm>>
    %dma_wait3A_255 = arith.constant 0 : i32
    %dma_wait3A_256 = arith.constant 640 : i32
    %dma_wait3A_257 = tpu.memref_slice %arg6[%dma_wait3A_255, %dma_wait3A_256] : memref<40x1024xf32, #tpu.memory_space<vmem>> -> memref<40x128xf32, #tpu.memory_space<vmem>>
    tpu.wait_dma2 semaphore(%arg12 : memref<!tpu.dma_semaphore, #tpu.memory_space<semaphore_mem>>) src(%dma_wait3A_257 : memref<40x128xf32, #tpu.memory_space<vmem>>) dst(%dma_wait3A_254 : memref<40x128xf32, #tpu.memory_space<hbm>>)
    %dma_wait3A_258 = arith.constant 0 : i32
    %dma_wait3A_259 = arith.constant 768 : i32
    %dma_wait3A_260 = tpu.memref_slice %arg6[%dma_wait3A_258, %dma_wait3A_259] : memref<40x1024xf32, #tpu.memory_space<vmem>> -> memref<40x128xf32, #tpu.memory_space<vmem>>
    %dma_wait3A_261 = arith.constant 768 : i32
    %dma_wait3A_262 = tpu.memref_slice %arg4[%mul3A_2, %dma_wait3A_261] : memref<51200x1000xf32, #tpu.memory_space<hbm>> -> memref<40x128xf32, #tpu.memory_space<hbm>>
    %dma_wait3A_263 = arith.constant 768 : i32
    %dma_wait3A_264 = tpu.memref_slice %arg4[%mul3A_2, %dma_wait3A_263] : memref<51200x1000xf32, #tpu.memory_space<hbm>> -> memref<40x128xf32, #tpu.memory_space<hbm>>
    %dma_wait3A_265 = arith.constant 0 : i32
    %dma_wait3A_266 = arith.constant 768 : i32
    %dma_wait3A_267 = tpu.memref_slice %arg6[%dma_wait3A_265, %dma_wait3A_266] : memref<40x1024xf32, #tpu.memory_space<vmem>> -> memref<40x128xf32, #tpu.memory_space<vmem>>
    tpu.wait_dma2 semaphore(%arg12 : memref<!tpu.dma_semaphore, #tpu.memory_space<semaphore_mem>>) src(%dma_wait3A_267 : memref<40x128xf32, #tpu.memory_space<vmem>>) dst(%dma_wait3A_264 : memref<40x128xf32, #tpu.memory_space<hbm>>)
    %dma_wait3A_268 = arith.constant 896 : i32
    %dma_wait3A_269 = tpu.memref_slice %arg4[%mul3A_2, %dma_wait3A_268] : memref<51200x1000xf32, #tpu.memory_space<hbm>> -> memref<40x104xf32, #tpu.memory_space<hbm>>
    %dma_wait3A_270 = arith.constant 896 : i32
    %dma_wait3A_271 = tpu.memref_slice %arg4[%mul3A_2, %dma_wait3A_270] : memref<51200x1000xf32, #tpu.memory_space<hbm>> -> memref<40x104xf32, #tpu.memory_space<hbm>>
    tpu.wait_dma2 semaphore(%arg12 : memref<!tpu.dma_semaphore, #tpu.memory_space<semaphore_mem>>) src(%arg8 : memref<40x104xf32, #tpu.memory_space<vmem>>) dst(%dma_wait3A_271 : memref<40x104xf32, #tpu.memory_space<hbm>>)
    %dma_wait3A_272 = arith.constant 0 : i32
    %dma_wait3A_273 = arith.constant 0 : i32
    %dma_wait3A_274 = tpu.memref_slice %arg7[%dma_wait3A_272, %dma_wait3A_273] : memref<40x1024xf32, #tpu.memory_space<vmem>> -> memref<40x128xf32, #tpu.memory_space<vmem>>
    %dma_wait3A_275 = arith.constant 0 : i32
    %dma_wait3A_276 = tpu.memref_slice %arg4[%mul3A_2, %dma_wait3A_275] : memref<51200x1000xf32, #tpu.memory_space<hbm>> -> memref<40x128xf32, #tpu.memory_space<hbm>>
    %dma_wait3A_277 = arith.constant 0 : i32
    %dma_wait3A_278 = tpu.memref_slice %arg4[%mul3A_2, %dma_wait3A_277] : memref<51200x1000xf32, #tpu.memory_space<hbm>> -> memref<40x128xf32, #tpu.memory_space<hbm>>
    %dma_wait3A_279 = arith.constant 0 : i32
    %dma_wait3A_280 = arith.constant 0 : i32
    %dma_wait3A_281 = tpu.memref_slice %arg7[%dma_wait3A_279, %dma_wait3A_280] : memref<40x1024xf32, #tpu.memory_space<vmem>> -> memref<40x128xf32, #tpu.memory_space<vmem>>
    tpu.wait_dma2 semaphore(%arg13 : memref<!tpu.dma_semaphore, #tpu.memory_space<semaphore_mem>>) src(%dma_wait3A_281 : memref<40x128xf32, #tpu.memory_space<vmem>>) dst(%dma_wait3A_278 : memref<40x128xf32, #tpu.memory_space<hbm>>)
    %dma_wait3A_282 = arith.constant 0 : i32
    %dma_wait3A_283 = arith.constant 128 : i32
    %dma_wait3A_284 = tpu.memref_slice %arg7[%dma_wait3A_282, %dma_wait3A_283] : memref<40x1024xf32, #tpu.memory_space<vmem>> -> memref<40x128xf32, #tpu.memory_space<vmem>>
    %dma_wait3A_285 = arith.constant 128 : i32
    %dma_wait3A_286 = tpu.memref_slice %arg4[%mul3A_2, %dma_wait3A_285] : memref<51200x1000xf32, #tpu.memory_space<hbm>> -> memref<40x128xf32, #tpu.memory_space<hbm>>
    %dma_wait3A_287 = arith.constant 128 : i32
    %dma_wait3A_288 = tpu.memref_slice %arg4[%mul3A_2, %dma_wait3A_287] : memref<51200x1000xf32, #tpu.memory_space<hbm>> -> memref<40x128xf32, #tpu.memory_space<hbm>>
    %dma_wait3A_289 = arith.constant 0 : i32
    %dma_wait3A_290 = arith.constant 128 : i32
    %dma_wait3A_291 = tpu.memref_slice %arg7[%dma_wait3A_289, %dma_wait3A_290] : memref<40x1024xf32, #tpu.memory_space<vmem>> -> memref<40x128xf32, #tpu.memory_space<vmem>>
    tpu.wait_dma2 semaphore(%arg13 : memref<!tpu.dma_semaphore, #tpu.memory_space<semaphore_mem>>) src(%dma_wait3A_291 : memref<40x128xf32, #tpu.memory_space<vmem>>) dst(%dma_wait3A_288 : memref<40x128xf32, #tpu.memory_space<hbm>>)
    %dma_wait3A_292 = arith.constant 0 : i32
    %dma_wait3A_293 = arith.constant 256 : i32
    %dma_wait3A_294 = tpu.memref_slice %arg7[%dma_wait3A_292, %dma_wait3A_293] : memref<40x1024xf32, #tpu.memory_space<vmem>> -> memref<40x128xf32, #tpu.memory_space<vmem>>
    %dma_wait3A_295 = arith.constant 256 : i32
    %dma_wait3A_296 = tpu.memref_slice %arg4[%mul3A_2, %dma_wait3A_295] : memref<51200x1000xf32, #tpu.memory_space<hbm>> -> memref<40x128xf32, #tpu.memory_space<hbm>>
    %dma_wait3A_297 = arith.constant 256 : i32
    %dma_wait3A_298 = tpu.memref_slice %arg4[%mul3A_2, %dma_wait3A_297] : memref<51200x1000xf32, #tpu.memory_space<hbm>> -> memref<40x128xf32, #tpu.memory_space<hbm>>
    %dma_wait3A_299 = arith.constant 0 : i32
    %dma_wait3A_300 = arith.constant 256 : i32
    %dma_wait3A_301 = tpu.memref_slice %arg7[%dma_wait3A_299, %dma_wait3A_300] : memref<40x1024xf32, #tpu.memory_space<vmem>> -> memref<40x128xf32, #tpu.memory_space<vmem>>
    tpu.wait_dma2 semaphore(%arg13 : memref<!tpu.dma_semaphore, #tpu.memory_space<semaphore_mem>>) src(%dma_wait3A_301 : memref<40x128xf32, #tpu.memory_space<vmem>>) dst(%dma_wait3A_298 : memref<40x128xf32, #tpu.memory_space<hbm>>)
    %dma_wait3A_302 = arith.constant 0 : i32
    %dma_wait3A_303 = arith.constant 384 : i32
    %dma_wait3A_304 = tpu.memref_slice %arg7[%dma_wait3A_302, %dma_wait3A_303] : memref<40x1024xf32, #tpu.memory_space<vmem>> -> memref<40x128xf32, #tpu.memory_space<vmem>>
    %dma_wait3A_305 = arith.constant 384 : i32
    %dma_wait3A_306 = tpu.memref_slice %arg4[%mul3A_2, %dma_wait3A_305] : memref<51200x1000xf32, #tpu.memory_space<hbm>> -> memref<40x128xf32, #tpu.memory_space<hbm>>
    %dma_wait3A_307 = arith.constant 384 : i32
    %dma_wait3A_308 = tpu.memref_slice %arg4[%mul3A_2, %dma_wait3A_307] : memref<51200x1000xf32, #tpu.memory_space<hbm>> -> memref<40x128xf32, #tpu.memory_space<hbm>>
    %dma_wait3A_309 = arith.constant 0 : i32
    %dma_wait3A_310 = arith.constant 384 : i32
    %dma_wait3A_311 = tpu.memref_slice %arg7[%dma_wait3A_309, %dma_wait3A_310] : memref<40x1024xf32, #tpu.memory_space<vmem>> -> memref<40x128xf32, #tpu.memory_space<vmem>>
    tpu.wait_dma2 semaphore(%arg13 : memref<!tpu.dma_semaphore, #tpu.memory_space<semaphore_mem>>) src(%dma_wait3A_311 : memref<40x128xf32, #tpu.memory_space<vmem>>) dst(%dma_wait3A_308 : memref<40x128xf32, #tpu.memory_space<hbm>>)
    %dma_wait3A_312 = arith.constant 0 : i32
    %dma_wait3A_313 = arith.constant 512 : i32
    %dma_wait3A_314 = tpu.memref_slice %arg7[%dma_wait3A_312, %dma_wait3A_313] : memref<40x1024xf32, #tpu.memory_space<vmem>> -> memref<40x128xf32, #tpu.memory_space<vmem>>
    %dma_wait3A_315 = arith.constant 512 : i32
    %dma_wait3A_316 = tpu.memref_slice %arg4[%mul3A_2, %dma_wait3A_315] : memref<51200x1000xf32, #tpu.memory_space<hbm>> -> memref<40x128xf32, #tpu.memory_space<hbm>>
    %dma_wait3A_317 = arith.constant 512 : i32
    %dma_wait3A_318 = tpu.memref_slice %arg4[%mul3A_2, %dma_wait3A_317] : memref<51200x1000xf32, #tpu.memory_space<hbm>> -> memref<40x128xf32, #tpu.memory_space<hbm>>
    %dma_wait3A_319 = arith.constant 0 : i32
    %dma_wait3A_320 = arith.constant 512 : i32
    %dma_wait3A_321 = tpu.memref_slice %arg7[%dma_wait3A_319, %dma_wait3A_320] : memref<40x1024xf32, #tpu.memory_space<vmem>> -> memref<40x128xf32, #tpu.memory_space<vmem>>
    tpu.wait_dma2 semaphore(%arg13 : memref<!tpu.dma_semaphore, #tpu.memory_space<semaphore_mem>>) src(%dma_wait3A_321 : memref<40x128xf32, #tpu.memory_space<vmem>>) dst(%dma_wait3A_318 : memref<40x128xf32, #tpu.memory_space<hbm>>)
    %dma_wait3A_322 = arith.constant 0 : i32
    %dma_wait3A_323 = arith.constant 640 : i32
    %dma_wait3A_324 = tpu.memref_slice %arg7[%dma_wait3A_322, %dma_wait3A_323] : memref<40x1024xf32, #tpu.memory_space<vmem>> -> memref<40x128xf32, #tpu.memory_space<vmem>>
    %dma_wait3A_325 = arith.constant 640 : i32
    %dma_wait3A_326 = tpu.memref_slice %arg4[%mul3A_2, %dma_wait3A_325] : memref<51200x1000xf32, #tpu.memory_space<hbm>> -> memref<40x128xf32, #tpu.memory_space<hbm>>
    %dma_wait3A_327 = arith.constant 640 : i32
    %dma_wait3A_328 = tpu.memref_slice %arg4[%mul3A_2, %dma_wait3A_327] : memref<51200x1000xf32, #tpu.memory_space<hbm>> -> memref<40x128xf32, #tpu.memory_space<hbm>>
    %dma_wait3A_329 = arith.constant 0 : i32
    %dma_wait3A_330 = arith.constant 640 : i32
    %dma_wait3A_331 = tpu.memref_slice %arg7[%dma_wait3A_329, %dma_wait3A_330] : memref<40x1024xf32, #tpu.memory_space<vmem>> -> memref<40x128xf32, #tpu.memory_space<vmem>>
    tpu.wait_dma2 semaphore(%arg13 : memref<!tpu.dma_semaphore, #tpu.memory_space<semaphore_mem>>) src(%dma_wait3A_331 : memref<40x128xf32, #tpu.memory_space<vmem>>) dst(%dma_wait3A_328 : memref<40x128xf32, #tpu.memory_space<hbm>>)
    %dma_wait3A_332 = arith.constant 0 : i32
    %dma_wait3A_333 = arith.constant 768 : i32
    %dma_wait3A_334 = tpu.memref_slice %arg7[%dma_wait3A_332, %dma_wait3A_333] : memref<40x1024xf32, #tpu.memory_space<vmem>> -> memref<40x128xf32, #tpu.memory_space<vmem>>
    %dma_wait3A_335 = arith.constant 768 : i32
    %dma_wait3A_336 = tpu.memref_slice %arg4[%mul3A_2, %dma_wait3A_335] : memref<51200x1000xf32, #tpu.memory_space<hbm>> -> memref<40x128xf32, #tpu.memory_space<hbm>>
    %dma_wait3A_337 = arith.constant 768 : i32
    %dma_wait3A_338 = tpu.memref_slice %arg4[%mul3A_2, %dma_wait3A_337] : memref<51200x1000xf32, #tpu.memory_space<hbm>> -> memref<40x128xf32, #tpu.memory_space<hbm>>
    %dma_wait3A_339 = arith.constant 0 : i32
    %dma_wait3A_340 = arith.constant 768 : i32
    %dma_wait3A_341 = tpu.memref_slice %arg7[%dma_wait3A_339, %dma_wait3A_340] : memref<40x1024xf32, #tpu.memory_space<vmem>> -> memref<40x128xf32, #tpu.memory_space<vmem>>
    tpu.wait_dma2 semaphore(%arg13 : memref<!tpu.dma_semaphore, #tpu.memory_space<semaphore_mem>>) src(%dma_wait3A_341 : memref<40x128xf32, #tpu.memory_space<vmem>>) dst(%dma_wait3A_338 : memref<40x128xf32, #tpu.memory_space<hbm>>)
    %dma_wait3A_342 = arith.constant 896 : i32
    %dma_wait3A_343 = tpu.memref_slice %arg4[%mul3A_2, %dma_wait3A_342] : memref<51200x1000xf32, #tpu.memory_space<hbm>> -> memref<40x104xf32, #tpu.memory_space<hbm>>
    %dma_wait3A_344 = arith.constant 896 : i32
    %dma_wait3A_345 = tpu.memref_slice %arg4[%mul3A_2, %dma_wait3A_344] : memref<51200x1000xf32, #tpu.memory_space<hbm>> -> memref<40x104xf32, #tpu.memory_space<hbm>>
    tpu.wait_dma2 semaphore(%arg13 : memref<!tpu.dma_semaphore, #tpu.memory_space<semaphore_mem>>) src(%arg9 : memref<40x104xf32, #tpu.memory_space<vmem>>) dst(%dma_wait3A_345 : memref<40x104xf32, #tpu.memory_space<hbm>>)
    return
  }
}

</mosaic_0001>

<sc_bundles>
// kernel: kernel.3.cloned.1.call-start
scs
__scs_entry_jumppad:
0x0: {  	(pc) =	sbr.rel $0x88, $3  }
0x1: {  	(tag) =	ssettag $0x0;
	lr =	simm.s32 $0x1  }
0x2: {  	[smem:$0x3F9F] =	sst lr;
	_ =	strace $0xD0000000  }
0x3: {  	_ = 	snop  }
0x4: {  	_ = 	snop  }
0x5: {  	_ = 	snop  }
0x6: {  	_ = 	snop  }
0x7: {  	_ = 	snop  }
__scs_overlays_trampoline_lowered:
0x8: {  	[smem:$0x3FAE] =	sst s0  }
0x9: {  	[smem:$0x3FAF] =	sst s1  }
0xa: {  	[smem:$0x3FB0] =	sst s2  }
0xb: {  	[smem:$0x3FB1] =	sst s3  }
0xc: {  	[smem:$0x3FB2] =	sst s4  }
0xd: {  	[smem:$0x3FB3] =	sst s5  }
0xe: {  	[smem:$0x3FB4] =	sst s6  }
0xf: {  	[smem:$0x3FB5] =	sst s7  }
0x10: {  	[smem:$0x3FB6] =	sst s8  }
0x11: {  	[smem:$0x3FB7] =	sst s9;
	s0 =	simm.s32 @!p0 $0x0  }
0x12: {  	s1 =	sld [smem:$0x3F9D];
	s0 =	simm.s32 @p0 $0x1  }
0x13: {  	[smem:$0x3FB8] =	sst s0;
	s0 =	simm.s32 @!p1 $0x0  }
0x14: {  	s2 =	sld [smem:$0x3F9C];
	s0 =	simm.s32 @p1 $0x1  }
0x15: {  	[smem:$0x3FB9] =	sst s0;
	s0 =	simm.s32 @!p2 $0x0  }
0x16: {  	s3 =	sld [smem:$0x3FDB];
	s0 =	simm.s32 @p2 $0x1  }
0x17: {  	s4 =	simm.s32 $0x1BF5;
	[smem:$0x3FBB] =	sst s0  }
0x18: {  	s0 =	sld [smem:$0x3F9E];
	_ =	swait.ge [sflag:s4], $0x0  }
0x19: {  	s7 =	sld [smem:$0x3F9F]  }
0x1a: {  	s8 =	sadd.s32 $0xFFFFE003, lr  }
0x1b: {  	s9 =	sadd.s32 $0xFFFFFEF7, lr;
	s5 =	simm.s32 $0xFFFFFFFF;
	p2 =	slt.u32 s8, $0xFFFFF086  }
0x1c: {  	p1 =	slt.u32 s9, $0xF7A;
	s5 =	simm.s32 @!p2 $0x0  }
0x1d: {  	s5 =	simm.s32 @p1 $0x1;
	p0 =	seq.s32 s7, s2  }
0x1e: {  	s7 =	smul.u32 @!p0 $0xF7A, s2;
	p2 =	seq.s32 @!p0 s5, $0x0  }
0x1f: {  	s9 =	smul.u32 $0xF7A, s1;
	s8 =	simm.s32 @!p0 $0x1BF5;
	p2 =	por !p2, p0  }
0x20: {  	[sflag:s8] =	ssyncset.s32 @!p0 $0xFFFFF086;
	s6 =	sadd.s32 @!p0 s3, s7;
	s7 =	simm.s32 @!p0 $0x108  }
0x21: {  	s3 =	sadd.s32 s3, s9;
	s6 =	sadd.s32 @!p0 $0x88, s6;
	s7 =	simm.s32 @p2 $0x1082  }
0x22: {  	[simem:s7], [sflag:s8] =	dma.local @!p0 [hbm:s6], $0xF7A  }
0x23: {  	s9 =	sor.u32 $0xD0000000, s2;
	s6 =	simm.s32 $0x108;
	_ =	swait.ge @!p0 [sflag:s8], $0x0  }
0x24: {  	s3 =	sadd.s32 $0x88, s3;
	s6 =	simm.s32 @!p1 $0x1082;
	[sflag:s4] =	ssyncset.s32 $0xFFFFF086  }
0x25: {  	[simem:s6], [sflag:s4] =	dma.local [hbm:s3], $0xF7A  }
0x26: {  	[smem:$0x3F9F] =	sst s1;
	(tag) =	ssettag s2;
	_ =	strace s9  }
0x27: {  	s1 =	sld [smem:$0x3FAF]  }
0x28: {  	s2 =	sld [smem:$0x3FB0]  }
0x29: {  	s4 =	sld [smem:$0x3FB2]  }
0x2a: {  	p0 =	seq.s32 s5, $0x0;
	s5 =	sld [smem:$0x3FB3]  }
0x2b: {  	s6 =	sld [smem:$0x3FB4]  }
0x2c: {  	s7 =	sld [smem:$0x3FB5]  }
0x2d: {  	s3 =	simm.s32 $0x108;
	s8 =	sld [smem:$0x3FB6]  }
0x2e: {  	s3 =	simm.s32 @!p0 $0x1082;
	s9 =	sld [smem:$0x3FB7]  }
0x2f: {  	lr =	sadd.s32 s0, s3;
	s0 =	sld [smem:$0x3FAE]  }
0x30: {  	s3 =	sld [smem:$0x3FB1]  }
0x31: {  	[smem:$0x3FBA] =	sst s10  }
0x32: {  	s10 =	sld [smem:$0x3FB8];
	_ =	sdelay $0x3  }
0x33: {  	p0 =	seq.s32 s10, $0x1;
	s10 =	sld [smem:$0x3FBA];
	_ =	sdelay $0x3  }
0x34: {  	[smem:$0x3FBA] =	sst s10  }
0x35: {  	s10 =	sld [smem:$0x3FB9];
	_ =	sdelay $0x3  }
0x36: {  	p1 =	seq.s32 s10, $0x1;
	s10 =	sld [smem:$0x3FBA];
	_ =	sdelay $0x3  }
0x37: {  	[smem:$0x3FBA] =	sst s10  }
0x38: {  	s10 =	sld [smem:$0x3FBB]  }
0x39: {  	_ = 	snop;
	(pc) =	sbr.ind lr, $3  }
0x3a: {  	_ = 	snop  }
0x3b: {  	_ = 	snop  }
0x3c: {  	p2 =	seq.s32 s10, $0x1;
	s10 =	sld [smem:$0x3FBA]  }
0x3d: {  	_ =	shalt  }
0x3e: {  	_ =	shalt  }
0x3f: {  	_ =	shalt  }
0x40: {  	_ =	shalt  }
0x41: {  	_ =	shalt  }
0x42: {  	_ =	shalt  }
0x43: {  	_ =	shalt  }
0x44: {  	_ =	shalt  }
0x45: {  	_ =	shalt  }
0x46: {  	_ =	shalt  }
0x47: {  	_ =	shalt  }
0x48: {  	_ =	shalt  }
0x49: {  	_ =	shalt  }
0x4a: {  	_ =	shalt  }
0x4b: {  	_ =	shalt  }
0x4c: {  	_ =	shalt  }
0x4d: {  	_ =	shalt  }
0x4e: {  	_ =	shalt  }
0x4f: {  	_ =	shalt  }
0x50: {  	_ =	shalt  }
0x51: {  	_ =	shalt  }
0x52: {  	_ =	shalt  }
0x53: {  	_ =	shalt  }
0x54: {  	_ =	shalt  }
0x55: {  	_ =	shalt  }
0x56: {  	_ =	shalt  }
0x57: {  	_ =	shalt  }
0x58: {  	_ =	shalt  }
0x59: {  	_ =	shalt  }
0x5a: {  	_ =	shalt  }
0x5b: {  	_ =	shalt  }
0x5c: {  	_ =	shalt  }
0x5d: {  	_ =	shalt  }
0x5e: {  	_ =	shalt  }
0x5f: {  	_ =	shalt  }
0x60: {  	_ =	shalt  }
0x61: {  	_ =	shalt  }
0x62: {  	_ =	shalt  }
0x63: {  	_ =	shalt  }
0x64: {  	_ =	shalt  }
0x65: {  	_ =	shalt  }
0x66: {  	_ =	shalt  }
0x67: {  	_ =	shalt  }
0x68: {  	_ =	shalt  }
0x69: {  	_ =	shalt  }
0x6a: {  	_ =	shalt  }
0x6b: {  	_ =	shalt  }
0x6c: {  	_ =	shalt  }
0x6d: {  	_ =	shalt  }
0x6e: {  	_ =	shalt  }
0x6f: {  	_ =	shalt  }
0x70: {  	_ =	shalt  }
0x71: {  	_ =	shalt  }
0x72: {  	_ =	shalt  }
0x73: {  	_ =	shalt  }
0x74: {  	_ =	shalt  }
0x75: {  	_ =	shalt  }
0x76: {  	_ =	shalt  }
0x77: {  	_ =	shalt  }
0x78: {  	_ =	shalt  }
0x79: {  	_ =	shalt  }
0x7a: {  	_ =	shalt  }
0x7b: {  	_ =	shalt  }
0x7c: {  	_ =	shalt  }
0x7d: {  	_ =	shalt  }
0x7e: {  	_ =	shalt  }
0x7f: {  	_ =	shalt  }
0x80: {  	_ =	shalt  }
0x81: {  	_ =	shalt  }
0x82: {  	_ =	shalt  }
0x83: {  	_ =	shalt  }
0x84: {  	_ =	shalt  }
0x85: {  	_ =	shalt  }
0x86: {  	_ =	shalt  }
0x87: {  	_ =	shalt  }
.Lfunc_end0:
.L_simem_size_0:
called_computation_lowered:
.L_overlay_start_0:
0x88: {  	s2 =	sld [smem:$0x3FD9]  }
0x89: {  	s3 =	sld [smem:$0x3FFE];
	_ =	sdelay $0x1  }
0x8a: {  	s1 =	srdreg.scid  }
0x8b: {  	s0 =	sand.u32 $0x1, s1  }
0x8c: {  	s17 =	sshll.u32 s0, $0xA;
	s2 =	sadd.s32 s3, s2  }
0x8d: {  	s2 =	sadd.s32 s2, s17  }
0x8e: {  	[smem:$0x3FC6] =	sst s2  }
0x8f: {  	_ = 	snop  }
0x90: {  	s2 =	sld [smem:$0x3FD0];
	(tm) =	ssettm $0x1  }
0x91: {  	s18 =	sld [smem:$0x3FFB];
	_ =	sdelay $0x3  }
0x92: {  	_ =	strace s18  }
0x93: {  	s3 =	sld [smem:$0x3FFC];
	_ =	sdelay $0x3  }
0x94: {  	_ =	strace s3  }
0x95: {  	s3 =	sld [smem:$0x3FFD];
	_ =	sdelay $0x3  }
0x96: {  	_ =	strace s3  }
0x97: {  	_ =	strace $0x8FFFFFFF  }
0x98: {  	s19 =	sld [smem:$0x3FDB];
	_ =	sdelay $0x1  }
0x99: {  	s4 =	simm.s32 $_scs_section_size  }
0x9a: {  	s5 =	simm.s32 $_size__tile_overlayer_lowered;
	s6 =	simm.s32 $_tile_overlayer_lowered  }
0x9b: {  	s22 =	simm.s32 $0x1BFF;
	s21 =	sshll.u32 s6, $0x1;
	s3 =	sadd.s32 s4, s19  }
0x9c: {  	s7 =	simm.s32 $0x0;
	s20 =	sshll.u32 s5, $0x1;
	s5 =	sadd.s32 s21, s3  }
0x9d: {  	[timem:s7], [sflag:s22] =	dma.local [hbm:s5], s20  }
0x9e: {  	_ =	swait.ge [sflag:s22], s20  }
0x9f: {  	s4 =	ssub.s32 $0x0, s20;
	[sflag:s22] =	ssyncset.done $0x0  }
0xa0: {  	[sflag:s22] =	ssyncadd.s32 s4;
	_ =	sdelay $0x1  }
0xa1: {  	s23 =	simm.s32 $0x1B8B  }
0xa2: {  	_ =	swait.ge [sflag:s23], $0x1  }
0xa3: {  	[sflag:s23] =	ssyncset.done $0x0  }
0xa4: {  	s25 =	simm.s32 $0x1B8E;
	s24 =	sld [smem:$0x3FFE];
	[sflag:s23] =	ssyncadd.s32 $0xFFFFFFFF  }
0xa5: {  	s26 =	simm.s32 $execute0_lowered;
	[smem:$0x3FD2] =	sst s25  }
0xa6: {  	s5 =	sshll.u32 s26, $0x1;
	_ =	strace $0x80000046;
	[dreg:$0x1] =	wrdreg $0xFFFFFFFF  }
0xa7: {  	s28 =	simm.s32 $_size_execute0_lowered;
	s3 =	sadd.s32 s3, s5;
	[dreg:$0x0] =	wrdreg $0x0  }
0xa8: {  	s5 =	sshll.u32 s28, $0x1;
	[dreg:$0x2] =	wrdreg s3  }
0xa9: {  	[dreg:$0x3] =	wrdreg s5  }
0xaa: {  	[dreg:$0x4] =	wrdreg $0xC0  }
0xab: {  	_ =	task [dreg:s7], $0x5FFFF  }
0xac: {  	[dreg:$0x1] =	wrdreg $0xFFFFFFFF  }
0xad: {  	[dreg:$0x0] =	wrdreg $0x60  }
0xae: {  	[dreg:$0x2] =	wrdreg s2  }
0xaf: {  	[dreg:$0x3] =	wrdreg s24  }
0xb0: {  	[dreg:$0x4] =	wrdreg $0x9  }
0xb1: {  	_ =	task.clear_ibuf [dreg:s7], $0x5FFFF;
	_ =	strace $0x90000046  }
0xb2: {  	s29 =	simm.s32 $0x9;
	_ =	strace $0x80000048  }
0xb3: {  	_ =	swait.ge [sflag:s29], $0x1  }
0xb4: {  	[sflag:s29] =	ssyncadd.s32 $0xFFFFFFFF  }
0xb5: {  	_ =	strace $0x90000048  }
0xb6: {  	_ =	sfence  }
0xb7: {  	s30 =	sld [smem:$0x0];
	_ =	sdelay $0x2  }
0xb8: {  	s31 =	sshll.u32 s1, $0xD;
	s1 =	sshrl.u32 s1, $0x2  }
0xb9: {  	s3 =	sand.u32 $0x4000, s31;
	s1 =	sadd.s32 s1, s30  }
0xba: {  	s0 =	sor.u32 s3, s0;
	s1 =	sshll.u32 s1, $0x11  }
0xbb: {  	s0 =	sor.u32 s1, s0  }
0xbc: {  	s0 =	sadd.s32 $0x8F2B, s0  }
0xbd: {  	[sflag:s0] =	ssyncadd.remote.s32 $0x1  }
0xbe: {  	_ =	sfence.sel $0xFFFF  }
0xbf: {  	[dreg:$0x0] =	wrdreg $0xFFFFFFFF;
	(pc) =	sbr.abs _section_cstart, $3  }
0xc0: {  	[dreg:$0x1] =	wrdreg $0xFFFFFFFF  }
0xc1: {  	_ =	task.clear_ibuf [dreg:s7], $0x2FFFF;
	_ =	strace $0x9FFFFFFF  }
0xc2: {  	(tm) =	ssettm $0x7FFFFFFF  }
0xc3: {  	_ =	shalt  }
tec
execute0_lowered:
.L_overlay_start_1:
0x0: {  	(tag) =	ssettag $0x1  }
0x1: {  	s2 =	rddreg [dreg:$0x0]  }
0x2: {  	s5 =	rddreg [dreg:$0x1];
	s3 =	simm.s32 $0x0  }
0x3: {  	s0 =	srdreg.scid;
	[smem:$0x7FF] =	sst s3;
	s22 =	sadd.s32 $0x5480, s5  }
0x4: {  	s23 =	sadd.s32 $0x5500, s5;
	_ =	strace $0x80000047;
	[dreg:$0x17] =	wrdreg s22  }
0x5: {  	s1 =	stileid.u32;
	s24 =	sadd.s32 $0x5580, s5;
	[dreg:$0x18] =	wrdreg s23  }
0x6: {  	s0 =	sand.u32 $0x1, s0;
	s26 =	sadd.s32 $0x5600, s5;
	[dreg:$0x19] =	wrdreg s24  }
0x7: {  	s1 =	sshll.u32 s1, $0x1;
	s20 =	sadd.s32 $0x5400, s5;
	[dreg:$0x1a] =	wrdreg s26  }
0x8: {  	s8 =	sadd.s32 $0x5700, s5;
	s9 =	sadd.s32 $0x5780, s5;
	[dreg:$0x1e] =	wrdreg s20  }
0x9: {  	s1 =	sor.u32 s0, s1;
	s0 =	ssub.s32 $0x2, s0;
	[dreg:$0x1c] =	wrdreg s8  }
0xa: {  	[dreg:$0x1d] =	wrdreg s9;
	s4 =	smul.u32 $0x280, s1;
	s7 =	sshrl.u32 s0, $0x1  }
0xb: {  	s14 =	smul.u32 $0x640, s1;
	s0 =	ssub.s32 s0, s7;
	s7 =	sadd.s32 $0x5680, s5  }
0xc: {  	s10 =	smul.u32 $0x190000, s1;
	[dreg:$0x1b] =	wrdreg s7  }
0xd: {  	s6 =	sadd.s32 s4, s5;
	s0 =	smax.u32 s0, $0x1;
	[dreg:$0x3] =	wrdreg s14  }
0xe: {  	s25 =	sshrl.u32 s10, $0x3;
	s26 =	sor.u32 $0x28, s14;
	[dreg:$0x15] =	wrdreg s0  }
0xf: {  	s21 =	sadd.s32 $0x400, s6;
	s1 =	sadd.s32 s20, s25;
	[dreg:$0x16] =	wrdreg s26  }
0x10: {  	[dreg:$0x4] =	wrdreg s21;
	s10 =	sadd.s32 $0x2F800, s1  }
0x11: {  	s11 =	sadd.s32 $0x2F880, s1;
	[dreg:$0x5] =	wrdreg s10  }
0x12: {  	s12 =	sadd.s32 $0x2F900, s1;
	[dreg:$0x6] =	wrdreg s11  }
0x13: {  	s13 =	sadd.s32 $0x2F980, s1;
	[dreg:$0x7] =	wrdreg s12  }
0x14: {  	s15 =	sadd.s32 $0x2FA00, s1;
	[dreg:$0x8] =	wrdreg s13  }
0x15: {  	s16 =	sadd.s32 $0x2FA80, s1;
	[dreg:$0x9] =	wrdreg s15  }
0x16: {  	s17 =	sadd.s32 $0x2FB00, s1;
	[dreg:$0xa] =	wrdreg s16  }
0x17: {  	s28 =	simm.s32 $0x1400;
	s18 =	sadd.s32 $0x2FB80, s1;
	[dreg:$0xb] =	wrdreg s17  }
0x18: {  	s29 =	simm.s32 $0x1C00;
	s19 =	sadd.s32 $0x30C00, s1;
	[dreg:$0xc] =	wrdreg s18  }
0x19: {  	s31 =	simm.s32 $0x2400;
	s20 =	sadd.s32 $0x30C80, s1;
	[dreg:$0xd] =	wrdreg s19  }
0x1a: {  	s30 =	simm.s32 $0x3400;
	s21 =	sadd.s32 $0x30D00, s1;
	[dreg:$0xe] =	wrdreg s20  }
0x1b: {  	s8 =	simm.s32 $0x8400;
	s22 =	sadd.s32 $0x30D80, s1;
	[dreg:$0xf] =	wrdreg s21  }
0x1c: {  	s9 =	simm.s32 $0x8C00;
	s23 =	sadd.s32 $0x30E00, s1;
	[dreg:$0x10] =	wrdreg s22  }
0x1d: {  	s14 =	simm.s32 $0x3C00;
	s24 =	sadd.s32 $0x30E80, s1;
	[dreg:$0x11] =	wrdreg s23  }
0x1e: {  	s4 =	simm.s32 $0x7C00;
	s25 =	sadd.s32 $0x30F00, s1;
	[dreg:$0x12] =	wrdreg s24  }
0x1f: {  	v0 =	vimm.s32 $0xFEDCBA98;
	s0 =	sadd.s32 $0x200, s2;
	s1 =	sadd.s32 $0x30F80, s1;
	[dreg:$0x13] =	wrdreg s25  }
0x20: {  	v1 =	vimm.s32 $0x76543210;
	v0 =	vunpack.c.l.s4.s8 v0;
	s6 =	sadd.s32 $0x300, s2;
	[dreg:$0x14] =	wrdreg s1;
	s1 =	sadd.s32 $0x100, s2  }
0x21: {  	v1 =	vunpack.c.l.s4.s8 v1;
	s21 =	simm.s32 $0x2C00;
	s23 =	simm.s32 $0x4400;
	s15 =	simm.s32 $0x4C00  }
0x22: {  	v2 =	vlaneseq.u32;
	v3 =	vunpack.c.0.s8.s32 v0;
	s18 =	simm.s32 $0x5400;
	s16 =	simm.s32 $0x5C00;
	s17 =	simm.s32 $0x6400  }
0x23: {  	vm0 =	vmmov $0xffff;
	vm1 =	vmmov $0xff;
	v5 =	vunpack.c.0.s8.s32 v1;
	s19 =	simm.s32 $0x6C00;
	s24 =	simm.s32 $0x7400;
	s10 =	simm.s32 $0x9400  }
0x24: {  	v4 =	vshrl.u32 v2, $0x3;
	v0 =	vand.u32 $0x7, v2;
	v3 =	vand.u32 $0xF, v3;
	s11 =	simm.s32 $0x9C00;
	s12 =	simm.s32 $0xA400;
	s13 =	simm.s32 $0xAC00  }
0x25: {  	v1 =	vmul.u32 $0x8, v4;
	v2 =	vor.u32 $0x8, v2;
	v3 =	vcombine.low v3, v5;
	s20 =	simm.s32 $0x3;
	s22 =	simm.s32 $0x4;
	s2 =	simm.s32 $0x0  }
.LBB2_1:
0x26: {  	[dreg:$0x1f] =	wrdreg s2  }
0x27: {  	s5 =	rddreg [dreg:$0x4];
	s25 =	simm.s32 $0x5  }
0x28: {  	[tilespmem:s3], [sflag:$0x5] =	stream.linear.gather [hbm4b:s5+s3], $0x1400, $0x38;
	[tilespmem:$0x17C00] =	vst v63  }
0x29: {  	_ =	swait.ge [sflag:s25], $0x1400  }
0x2a: {  	[sflag:s25] =	ssyncset.done $0x0  }
0x2b: {  	[sflag:s25] =	ssyncadd.s32 $0xFFFFEC00  }
0x2c: {  	v4 =	vld [tilespmem:$0x0];
	_ =	sdelay $0x4  }
0x2d: {  	v5 =	vshll.u32 v4, $0x3  }
0x2e: {  	v4 =	vand.u32 $0x7, v4;
	v5 =	vand.u32 $0xFFFFFFC0, v5  }
0x2f: {  	v4 =	vor.u32 v4, v5  }
0x30: {  	v5 =	vperm.xlane v4, v0;
	_ =	sdelay $0x1  }
0x31: {  	v5 =	vadd.s32 v1, v5;
	_ =	sdelay $0x3  }
0x32: {  	s26 =	rddreg [dreg:$0x0]  }
0x33: {  	[tilespmem:s28], [sflag:$0x1] =	stream.indirect_vreg.gather [hbm4b:s26+s3], $0x80, v5, vm0, $0xb8;
	[tilespmem:$0x17C00] =	vst v63  }
0x34: {  	v4 =	vperm.xlane v4, v2  }
0x35: {  	[tilespmem:s29], [sflag:$0x1] =	stream.indirect_vreg.gather [hbm4b:s1+s3], $0x80, v5, vm0, $0xb8;
	[tilespmem:$0x17C00] =	vst v63  }
0x36: {  	v4 =	vadd.s32 v1, v4  }
0x37: {  	[tilespmem:s31], [sflag:$0x1] =	stream.indirect_vreg.gather [hbm4b:s0+s3], $0x80, v5, vm0, $0xb8;
	[tilespmem:$0x17C00] =	vst v63  }
0x38: {  	_ = 	snop  }
0x39: {  	[tilespmem:s21], [sflag:$0x1] =	stream.indirect_vreg.gather [hbm4b:s6+s3], $0x80, v5, vm0, $0xb8;
	[tilespmem:$0x17C00] =	vst v63  }
0x3a: {  	_ = 	snop  }
0x3b: {  	[tilespmem:s30], [sflag:$0x1] =	stream.indirect_vreg.gather [hbm4b:s26+s3], $0x80, v4, vm0, $0xb8;
	[tilespmem:$0x17C00] =	vst v63  }
0x3c: {  	_ = 	snop  }
0x3d: {  	[tilespmem:s14], [sflag:$0x1] =	stream.indirect_vreg.gather [hbm4b:s1+s3], $0x80, v4, vm0, $0xb8;
	[tilespmem:$0x17C00] =	vst v63  }
0x3e: {  	_ = 	snop  }
0x3f: {  	[tilespmem:s23], [sflag:$0x1] =	stream.indirect_vreg.gather [hbm4b:s0+s3], $0x80, v4, vm0, $0xb8;
	[tilespmem:$0x17C00] =	vst v63  }
0x40: {  	_ = 	snop  }
0x41: {  	[tilespmem:s15], [sflag:$0x1] =	stream.indirect_vreg.gather [hbm4b:s6+s3], $0x80, v4, vm0, $0xb8;
	[tilespmem:$0x17C00] =	vst v63  }
0x42: {  	v4 =	vld [tilespmem:$0x10];
	_ =	sdelay $0x4  }
0x43: {  	v5 =	vshll.u32 v4, $0x3  }
0x44: {  	v4 =	vand.u32 $0x7, v4;
	v5 =	vand.u32 $0xFFFFFFC0, v5  }
0x45: {  	v4 =	vor.u32 v4, v5  }
0x46: {  	v5 =	vperm.xlane v4, v0;
	_ =	sdelay $0x1  }
0x47: {  	v5 =	vadd.s32 v1, v5;
	_ =	sdelay $0x4  }
0x48: {  	[tilespmem:s18], [sflag:$0x1] =	stream.indirect_vreg.gather [hbm4b:s26+s3], $0x80, v5, vm0, $0xb8;
	[tilespmem:$0x17C00] =	vst v63  }
0x49: {  	v4 =	vperm.xlane v4, v2  }
0x4a: {  	[tilespmem:s16], [sflag:$0x1] =	stream.indirect_vreg.gather [hbm4b:s1+s3], $0x80, v5, vm0, $0xb8;
	[tilespmem:$0x17C00] =	vst v63  }
0x4b: {  	v4 =	vadd.s32 v1, v4  }
0x4c: {  	[tilespmem:s17], [sflag:$0x1] =	stream.indirect_vreg.gather [hbm4b:s0+s3], $0x80, v5, vm0, $0xb8;
	[tilespmem:$0x17C00] =	vst v63  }
0x4d: {  	_ = 	snop  }
0x4e: {  	[tilespmem:s19], [sflag:$0x1] =	stream.indirect_vreg.gather [hbm4b:s6+s3], $0x80, v5, vm0, $0xb8;
	[tilespmem:$0x17C00] =	vst v63  }
0x4f: {  	_ = 	snop  }
0x50: {  	[tilespmem:s24], [sflag:$0x1] =	stream.indirect_vreg.gather [hbm4b:s26+s3], $0x80, v4, vm0, $0xb8;
	[tilespmem:$0x17C00] =	vst v63  }
0x51: {  	_ = 	snop  }
0x52: {  	[tilespmem:s4], [sflag:$0x1] =	stream.indirect_vreg.gather [hbm4b:s1+s3], $0x80, v4, vm0, $0xb8;
	[tilespmem:$0x17C00] =	vst v63  }
0x53: {  	_ = 	snop  }
0x54: {  	[tilespmem:s8], [sflag:$0x1] =	stream.indirect_vreg.gather [hbm4b:s0+s3], $0x80, v4, vm0, $0xb8;
	[tilespmem:$0x17C00] =	vst v63  }
0x55: {  	_ = 	snop  }
0x56: {  	[tilespmem:s9], [sflag:$0x1] =	stream.indirect_vreg.gather [hbm4b:s6+s3], $0x80, v4, vm0, $0xb8;
	[tilespmem:$0x17C00] =	vst v63  }
0x57: {  	v4 =	vld.msk [tilespmem:$0x20], $0xff;
	_ =	sdelay $0x4  }
0x58: {  	v5 =	vshll.u32 v4, $0x3  }
0x59: {  	v4 =	vand.u32 $0x7, v4;
	v5 =	vand.u32 $0xFFFFFFC0, v5  }
0x5a: {  	v4 =	vor.u32 v4, v5  }
0x5b: {  	v4 =	vperm.xlane v4, v0;
	_ =	sdelay $0x1  }
0x5c: {  	v4 =	vadd.s32 v1, v4;
	_ =	sdelay $0x4  }
0x5d: {  	[tilespmem:s10], [sflag:$0x1] =	stream.indirect_vreg.gather [hbm4b:s26+s3], $0x80, v4, vm0, $0xb8;
	[tilespmem:$0x17C00] =	vst v63  }
0x5e: {  	_ = 	snop  }
0x5f: {  	[tilespmem:s11], [sflag:$0x1] =	stream.indirect_vreg.gather [hbm4b:s1+s3], $0x80, v4, vm0, $0xb8;
	[tilespmem:$0x17C00] =	vst v63  }
0x60: {  	_ = 	snop  }
0x61: {  	[tilespmem:s12], [sflag:$0x1] =	stream.indirect_vreg.gather [hbm4b:s0+s3], $0x80, v4, vm0, $0xb8;
	[tilespmem:$0x17C00] =	vst v63  }
0x62: {  	_ = 	snop  }
0x63: {  	[tilespmem:s13], [sflag:$0x1] =	stream.indirect_vreg.gather [hbm4b:s6+s3], $0x80, v4, vm0, $0xb8;
	[tilespmem:$0x17C00] =	vst v63  }
0x64: {  	v4 =	vld [tilespmem:$0x80];
	_ =	sdelay $0x4  }
0x65: {  	v5 =	vshll.u32 v4, $0x3  }
0x66: {  	v4 =	vand.u32 $0x7, v4;
	v5 =	vand.u32 $0xFFFFFFC0, v5  }
0x67: {  	v4 =	vor.u32 v4, v5  }
0x68: {  	v5 =	vperm.xlane v4, v0;
	_ =	sdelay $0x1  }
0x69: {  	v5 =	vadd.s32 v1, v5;
	_ =	sdelay $0x3  }
0x6a: {  	s5 =	simm.s32 $0xB400  }
0x6b: {  	[tilespmem:s5], [sflag:$0x2] =	stream.indirect_vreg.gather [hbm4b:s26+s3], $0x80, v5, vm0, $0xb8;
	[tilespmem:$0x17C00] =	vst v63  }
0x6c: {  	s7 =	simm.s32 $0xBC00;
	v4 =	vperm.xlane v4, v2  }
0x6d: {  	[tilespmem:s7], [sflag:$0x2] =	stream.indirect_vreg.gather [hbm4b:s1+s3], $0x80, v5, vm0, $0xb8;
	[tilespmem:$0x17C00] =	vst v63  }
0x6e: {  	s8 =	simm.s32 $0xC400;
	v4 =	vadd.s32 v1, v4  }
0x6f: {  	[tilespmem:s8], [sflag:$0x2] =	stream.indirect_vreg.gather [hbm4b:s0+s3], $0x80, v5, vm0, $0xb8;
	[tilespmem:$0x17C00] =	vst v63  }
0x70: {  	s9 =	simm.s32 $0xCC00  }
0x71: {  	[tilespmem:s9], [sflag:$0x2] =	stream.indirect_vreg.gather [hbm4b:s6+s3], $0x80, v5, vm0, $0xb8;
	[tilespmem:$0x17C00] =	vst v63  }
0x72: {  	s10 =	simm.s32 $0xD400  }
0x73: {  	[tilespmem:s10], [sflag:$0x2] =	stream.indirect_vreg.gather [hbm4b:s26+s3], $0x80, v4, vm0, $0xb8;
	[tilespmem:$0x17C00] =	vst v63  }
0x74: {  	s11 =	simm.s32 $0xDC00  }
0x75: {  	[tilespmem:s11], [sflag:$0x2] =	stream.indirect_vreg.gather [hbm4b:s1+s3], $0x80, v4, vm0, $0xb8;
	[tilespmem:$0x17C00] =	vst v63  }
0x76: {  	s12 =	simm.s32 $0xE400  }
0x77: {  	[tilespmem:s12], [sflag:$0x2] =	stream.indirect_vreg.gather [hbm4b:s0+s3], $0x80, v4, vm0, $0xb8;
	[tilespmem:$0x17C00] =	vst v63  }
0x78: {  	s13 =	simm.s32 $0xEC00  }
0x79: {  	[tilespmem:s13], [sflag:$0x2] =	stream.indirect_vreg.gather [hbm4b:s6+s3], $0x80, v4, vm0, $0xb8;
	[tilespmem:$0x17C00] =	vst v63  }
0x7a: {  	v4 =	vld [tilespmem:$0x90];
	_ =	sdelay $0x4  }
0x7b: {  	v5 =	vshll.u32 v4, $0x3  }
0x7c: {  	v4 =	vand.u32 $0x7, v4;
	v5 =	vand.u32 $0xFFFFFFC0, v5  }
0x7d: {  	v4 =	vor.u32 v4, v5  }
0x7e: {  	v5 =	vperm.xlane v4, v0;
	_ =	sdelay $0x1  }
0x7f: {  	v5 =	vadd.s32 v1, v5;
	_ =	sdelay $0x3  }
0x80: {  	s14 =	simm.s32 $0xF400  }
0x81: {  	[tilespmem:s14], [sflag:$0x2] =	stream.indirect_vreg.gather [hbm4b:s26+s3], $0x80, v5, vm0, $0xb8;
	[tilespmem:$0x17C00] =	vst v63  }
0x82: {  	s15 =	simm.s32 $0xFC00;
	v4 =	vperm.xlane v4, v2  }
0x83: {  	[tilespmem:s15], [sflag:$0x2] =	stream.indirect_vreg.gather [hbm4b:s1+s3], $0x80, v5, vm0, $0xb8;
	[tilespmem:$0x17C00] =	vst v63  }
0x84: {  	s16 =	simm.s32 $0x10400;
	v4 =	vadd.s32 v1, v4  }
0x85: {  	[tilespmem:s16], [sflag:$0x2] =	stream.indirect_vreg.gather [hbm4b:s0+s3], $0x80, v5, vm0, $0xb8;
	[tilespmem:$0x17C00] =	vst v63  }
0x86: {  	s17 =	simm.s32 $0x10C00  }
0x87: {  	[tilespmem:s17], [sflag:$0x2] =	stream.indirect_vreg.gather [hbm4b:s6+s3], $0x80, v5, vm0, $0xb8;
	[tilespmem:$0x17C00] =	vst v63  }
0x88: {  	s18 =	simm.s32 $0x11400  }
0x89: {  	[tilespmem:s18], [sflag:$0x2] =	stream.indirect_vreg.gather [hbm4b:s26+s3], $0x80, v4, vm0, $0xb8;
	[tilespmem:$0x17C00] =	vst v63  }
0x8a: {  	s19 =	simm.s32 $0x11C00  }
0x8b: {  	[tilespmem:s19], [sflag:$0x2] =	stream.indirect_vreg.gather [hbm4b:s1+s3], $0x80, v4, vm0, $0xb8;
	[tilespmem:$0x17C00] =	vst v63  }
0x8c: {  	s21 =	simm.s32 $0x12400  }
0x8d: {  	[tilespmem:s21], [sflag:$0x2] =	stream.indirect_vreg.gather [hbm4b:s0+s3], $0x80, v4, vm0, $0xb8;
	[tilespmem:$0x17C00] =	vst v63  }
0x8e: {  	s23 =	simm.s32 $0x12C00  }
0x8f: {  	[tilespmem:s23], [sflag:$0x2] =	stream.indirect_vreg.gather [hbm4b:s6+s3], $0x80, v4, vm0, $0xb8;
	[tilespmem:$0x17C00] =	vst v63  }
0x90: {  	v4 =	vld.msk [tilespmem:$0xA0], $0xff;
	_ =	sdelay $0x4  }
0x91: {  	v5 =	vshll.u32 v4, $0x3  }
0x92: {  	v4 =	vand.u32 $0x7, v4;
	v5 =	vand.u32 $0xFFFFFFC0, v5  }
0x93: {  	v4 =	vor.u32 v4, v5  }
0x94: {  	v4 =	vperm.xlane v4, v0;
	_ =	sdelay $0x1  }
0x95: {  	v4 =	vadd.s32 v1, v4;
	_ =	sdelay $0x1  }
0x96: {  	s2 =	simm.s32 $0x2000;
	s25 =	simm.s32 $0x13C00;
	s30 =	simm.s32 $0x14C00  }
0x97: {  	s24 =	simm.s32 $0x13400;
	s4 =	simm.s32 $0x7400;
	s7 =	simm.s32 $0xAC00  }
0x98: {  	s8 =	simm.s32 $0x7C00;
	s9 =	simm.s32 $0x8400;
	s10 =	simm.s32 $0x8C00  }
0x99: {  	[tilespmem:s24], [sflag:$0x2] =	stream.indirect_vreg.gather [hbm4b:s26+s3], $0x80, v4, vm0, $0xb8;
	[tilespmem:$0x17C00] =	vst v63  }
0x9a: {  	s11 =	simm.s32 $0x9400;
	s12 =	simm.s32 $0x9C00;
	s13 =	simm.s32 $0xA400  }
0x9b: {  	[tilespmem:s25], [sflag:$0x2] =	stream.indirect_vreg.gather [hbm4b:s1+s3], $0x80, v4, vm0, $0xb8;
	[tilespmem:$0x17C00] =	vst v63  }
0x9c: {  	s16 =	simm.s32 $0x5C00;
	s17 =	simm.s32 $0x6400;
	s26 =	simm.s32 $0x14400  }
0x9d: {  	[tilespmem:s26], [sflag:$0x2] =	stream.indirect_vreg.gather [hbm4b:s0+s3], $0x80, v4, vm0, $0xb8;
	[tilespmem:$0x17C00] =	vst v63  }
0x9e: {  	s18 =	simm.s32 $0x5400;
	s19 =	simm.s32 $0x6C00;
	s23 =	simm.s32 $0x0  }
0x9f: {  	[tilespmem:s30], [sflag:$0x2] =	stream.indirect_vreg.gather [hbm4b:s6+s3], $0x80, v4, vm0, $0xb8;
	[tilespmem:$0x17C00] =	vst v63  }
.LBB2_2:
0xa0: {  	s15 =	simm.s32 $0x1  }
0xa1: {  	s24 =	smul.u32 $0x50, s23;
	_ =	swait.ge [sflag:s15], $0xA000  }
0xa2: {  	s5 =	rddreg [dreg:$0x3]  }
0xa3: {  	[sflag:s15] =	ssyncset.done $0x0;
	s5 =	sadd.s32 s5, s24  }
0xa4: {  	[sflag:s15] =	ssyncadd.s32 $0xFFFF6000;
	s15 =	rddreg [dreg:$0x1e];
	s25 =	sshll.u32 s5, $0x7  }
0xa5: {  	s26 =	simm.s32 $0x0;
	s5 =	sadd.s32 s15, s25  }
0xa6: {  	[hbm4b:s5+s26] =	stream.linear.scatter [tilespmem:s28], [sflag:$0x3], $0x400, $0x38;
	[tilespmem:$0x17C00] =	vst v63  }
0xa7: {  	s14 =	simm.s32 $0x3400;
	s21 =	sadd.s32 $0x400, s5  }
0xa8: {  	[hbm4b:s21+s26] =	stream.linear.scatter [tilespmem:s14], [sflag:$0x3], $0x400, $0x38;
	[tilespmem:$0x17C00] =	vst v63  }
0xa9: {  	s21 =	sadd.s32 $0x800, s5  }
0xaa: {  	[hbm4b:s21+s26] =	stream.linear.scatter [tilespmem:s18], [sflag:$0x3], $0x400, $0x38;
	[tilespmem:$0x17C00] =	vst v63  }
0xab: {  	s18 =	sadd.s32 $0xC00, s5  }
0xac: {  	[hbm4b:s18+s26] =	stream.linear.scatter [tilespmem:s4], [sflag:$0x3], $0x400, $0x38;
	[tilespmem:$0x17C00] =	vst v63  }
0xad: {  	s5 =	sadd.s32 $0x1000, s5;
	s18 =	rddreg [dreg:$0x17]  }
0xae: {  	[hbm4b:s5+s26] =	stream.linear.scatter [tilespmem:s11], [sflag:$0x3], $0x400, $0x38;
	[tilespmem:$0x17C00] =	vst v63  }
0xaf: {  	s21 =	simm.s32 $0x1800;
	s5 =	sadd.s32 s25, s18  }
0xb0: {  	[hbm4b:s5+s26] =	stream.linear.scatter [tilespmem:s21], [sflag:$0x3], $0x400, $0x38;
	[tilespmem:$0x17C00] =	vst v63  }
0xb1: {  	s18 =	simm.s32 $0x3800;
	s11 =	sadd.s32 $0x400, s5  }
0xb2: {  	[hbm4b:s11+s26] =	stream.linear.scatter [tilespmem:s18], [sflag:$0x3], $0x400, $0x38;
	[tilespmem:$0x17C00] =	vst v63  }
0xb3: {  	s11 =	sadd.s32 $0x800, s5;
	s18 =	simm.s32 $0x5800  }
0xb4: {  	[hbm4b:s11+s26] =	stream.linear.scatter [tilespmem:s18], [sflag:$0x3], $0x400, $0x38;
	[tilespmem:$0x17C00] =	vst v63  }
0xb5: {  	s11 =	sadd.s32 $0xC00, s5;
	s18 =	simm.s32 $0x7800  }
0xb6: {  	[hbm4b:s11+s26] =	stream.linear.scatter [tilespmem:s18], [sflag:$0x3], $0x400, $0x38;
	[tilespmem:$0x17C00] =	vst v63  }
0xb7: {  	s21 =	simm.s32 $0x9800;
	s5 =	sadd.s32 $0x1000, s5  }
0xb8: {  	[hbm4b:s5+s26] =	stream.linear.scatter [tilespmem:s21], [sflag:$0x3], $0x400, $0x38;
	[tilespmem:$0x17C00] =	vst v63  }
0xb9: {  	s5 =	rddreg [dreg:$0x18]  }
0xba: {  	s5 =	sadd.s32 s25, s5  }
0xbb: {  	[hbm4b:s5+s26] =	stream.linear.scatter [tilespmem:s29], [sflag:$0x3], $0x400, $0x38;
	[tilespmem:$0x17C00] =	vst v63  }
0xbc: {  	s14 =	simm.s32 $0x3C00;
	s11 =	sadd.s32 $0x400, s5  }
0xbd: {  	[hbm4b:s11+s26] =	stream.linear.scatter [tilespmem:s14], [sflag:$0x3], $0x400, $0x38;
	[tilespmem:$0x17C00] =	vst v63  }
0xbe: {  	s18 =	sadd.s32 $0x800, s5  }
0xbf: {  	[hbm4b:s18+s26] =	stream.linear.scatter [tilespmem:s16], [sflag:$0x3], $0x400, $0x38;
	[tilespmem:$0x17C00] =	vst v63  }
0xc0: {  	s4 =	sadd.s32 $0xC00, s5  }
0xc1: {  	[hbm4b:s4+s26] =	stream.linear.scatter [tilespmem:s8], [sflag:$0x3], $0x400, $0x38;
	[tilespmem:$0x17C00] =	vst v63  }
0xc2: {  	s5 =	sadd.s32 $0x1000, s5;
	s11 =	rddreg [dreg:$0x19]  }
0xc3: {  	[hbm4b:s5+s26] =	stream.linear.scatter [tilespmem:s12], [sflag:$0x3], $0x400, $0x38;
	[tilespmem:$0x17C00] =	vst v63  }
0xc4: {  	s12 =	sadd.s32 s25, s11  }
0xc5: {  	[hbm4b:s12+s26] =	stream.linear.scatter [tilespmem:s2], [sflag:$0x3], $0x400, $0x38;
	[tilespmem:$0x17C00] =	vst v63  }
0xc6: {  	s18 =	simm.s32 $0x4000;
	s16 =	sadd.s32 $0x400, s12  }
0xc7: {  	[hbm4b:s16+s26] =	stream.linear.scatter [tilespmem:s18], [sflag:$0x3], $0x400, $0x38;
	[tilespmem:$0x17C00] =	vst v63  }
0xc8: {  	s4 =	simm.s32 $0x6000;
	s2 =	sadd.s32 $0x800, s12  }
0xc9: {  	[hbm4b:s2+s26] =	stream.linear.scatter [tilespmem:s4], [sflag:$0x3], $0x400, $0x38;
	[tilespmem:$0x17C00] =	vst v63  }
0xca: {  	s11 =	simm.s32 $0x8000;
	s8 =	sadd.s32 $0xC00, s12  }
0xcb: {  	[hbm4b:s8+s26] =	stream.linear.scatter [tilespmem:s11], [sflag:$0x3], $0x400, $0x38;
	[tilespmem:$0x17C00] =	vst v63  }
0xcc: {  	s5 =	sadd.s32 $0x1000, s12;
	s12 =	simm.s32 $0xA000;
	s16 =	rddreg [dreg:$0x1a]  }
0xcd: {  	[hbm4b:s5+s26] =	stream.linear.scatter [tilespmem:s12], [sflag:$0x3], $0x400, $0x38;
	[tilespmem:$0x17C00] =	vst v63  }
0xce: {  	s18 =	sadd.s32 s25, s16  }
0xcf: {  	[hbm4b:s18+s26] =	stream.linear.scatter [tilespmem:s31], [sflag:$0x3], $0x400, $0x38;
	[tilespmem:$0x17C00] =	vst v63  }
0xd0: {  	s15 =	simm.s32 $0x4400;
	s31 =	sadd.s32 $0x400, s18  }
0xd1: {  	[hbm4b:s31+s26] =	stream.linear.scatter [tilespmem:s15], [sflag:$0x3], $0x400, $0x38;
	[tilespmem:$0x17C00] =	vst v63  }
0xd2: {  	s2 =	sadd.s32 $0x800, s18  }
0xd3: {  	[hbm4b:s2+s26] =	stream.linear.scatter [tilespmem:s17], [sflag:$0x3], $0x400, $0x38;
	[tilespmem:$0x17C00] =	vst v63  }
0xd4: {  	s4 =	sadd.s32 $0xC00, s18  }
0xd5: {  	[hbm4b:s4+s26] =	stream.linear.scatter [tilespmem:s9], [sflag:$0x3], $0x400, $0x38;
	[tilespmem:$0x17C00] =	vst v63  }
0xd6: {  	s8 =	rddreg [dreg:$0x1b];
	s5 =	sadd.s32 $0x1000, s18  }
0xd7: {  	[hbm4b:s5+s26] =	stream.linear.scatter [tilespmem:s13], [sflag:$0x3], $0x400, $0x38;
	[tilespmem:$0x17C00] =	vst v63  }
0xd8: {  	s11 =	simm.s32 $0x2800;
	s9 =	sadd.s32 s25, s8  }
0xd9: {  	[hbm4b:s9+s26] =	stream.linear.scatter [tilespmem:s11], [sflag:$0x3], $0x400, $0x38;
	[tilespmem:$0x17C00] =	vst v63  }
0xda: {  	s12 =	sadd.s32 $0x400, s9;
	s13 =	simm.s32 $0x4800  }
0xdb: {  	[hbm4b:s12+s26] =	stream.linear.scatter [tilespmem:s13], [sflag:$0x3], $0x400, $0x38;
	[tilespmem:$0x17C00] =	vst v63  }
0xdc: {  	s17 =	simm.s32 $0x6800;
	s16 =	sadd.s32 $0x800, s9  }
0xdd: {  	[hbm4b:s16+s26] =	stream.linear.scatter [tilespmem:s17], [sflag:$0x3], $0x400, $0x38;
	[tilespmem:$0x17C00] =	vst v63  }
0xde: {  	s31 =	simm.s32 $0x8800;
	s18 =	sadd.s32 $0xC00, s9  }
0xdf: {  	[hbm4b:s18+s26] =	stream.linear.scatter [tilespmem:s31], [sflag:$0x3], $0x400, $0x38;
	[tilespmem:$0x17C00] =	vst v63  }
0xe0: {  	s4 =	simm.s32 $0xA800;
	s5 =	sadd.s32 $0x1000, s9  }
0xe1: {  	[hbm4b:s5+s26] =	stream.linear.scatter [tilespmem:s4], [sflag:$0x3], $0x400, $0x38;
	[tilespmem:$0x17C00] =	vst v63  }
0xe2: {  	s5 =	rddreg [dreg:$0x1c]  }
0xe3: {  	s30 =	simm.s32 $0x2C00;
	s8 =	sadd.s32 s25, s5  }
0xe4: {  	[hbm4b:s8+s26] =	stream.linear.scatter [tilespmem:s30], [sflag:$0x3], $0x400, $0x38;
	[tilespmem:$0x17C00] =	vst v63  }
0xe5: {  	s15 =	simm.s32 $0x4C00;
	s9 =	sadd.s32 $0x400, s8  }
0xe6: {  	[hbm4b:s9+s26] =	stream.linear.scatter [tilespmem:s15], [sflag:$0x3], $0x400, $0x38;
	[tilespmem:$0x17C00] =	vst v63  }
0xe7: {  	s11 =	sadd.s32 $0x800, s8  }
0xe8: {  	[hbm4b:s11+s26] =	stream.linear.scatter [tilespmem:s19], [sflag:$0x3], $0x400, $0x38;
	[tilespmem:$0x17C00] =	vst v63  }
0xe9: {  	s12 =	sadd.s32 $0xC00, s8  }
0xea: {  	[hbm4b:s12+s26] =	stream.linear.scatter [tilespmem:s10], [sflag:$0x3], $0x400, $0x38;
	[tilespmem:$0x17C00] =	vst v63  }
0xeb: {  	s13 =	sand.u32 $0x7, s26;
	s5 =	sadd.s32 $0x1000, s8  }
0xec: {  	[hbm4b:s5+s26] =	stream.linear.scatter [tilespmem:s7], [sflag:$0x3], $0x400, $0x38;
	[tilespmem:$0x17C00] =	vst v63  }
0xed: {  	s5 =	sshll.u32 s13, $0x7  }
0xee: {  	s5 =	sadd.s32 $0x0, s5  }
0xef: {  	s16 =	sor.u32 $0x1C00, s5  }
0xf0: {  	v4 =	vld [tilespmem:s16+$0x1400];
	_ =	sdelay $0x3  }
0xf1: {  	s28 =	simm.s32 $0x15430  }
0xf2: {  	s17 =	sor.u32 $0x1C10, s5;
	[tilespmem:s28+$0xFFFFFFD0] =	vst v4  }
0xf3: {  	v4 =	vld [tilespmem:s17+$0x1400];
	_ =	sdelay $0x4  }
0xf4: {  	s18 =	sor.u32 $0x1C20, s5;
	[tilespmem:s28+$0xFFFFFFE0] =	vst v4  }
0xf5: {  	v4 =	vld [tilespmem:s18+$0x1400];
	_ =	sdelay $0x4  }
0xf6: {  	s19 =	sor.u32 $0x1C30, s5;
	[tilespmem:s28+$0xFFFFFFF0] =	vst v4  }
0xf7: {  	v4 =	vld [tilespmem:s19+$0x1400];
	_ =	sdelay $0x4  }
0xf8: {  	s30 =	sor.u32 $0x1C40, s5;
	[tilespmem:s28+$0x0] =	vst v4  }
0xf9: {  	v4 =	vld [tilespmem:s30+$0x1400];
	_ =	sdelay $0x4  }
0xfa: {  	s31 =	sor.u32 $0x1C50, s5;
	[tilespmem:s28+$0x10] =	vst v4  }
0xfb: {  	v4 =	vld [tilespmem:s31+$0x1400];
	_ =	sdelay $0x4  }
0xfc: {  	s5 =	sor.u32 $0x1C60, s5;
	[tilespmem:s28+$0x20] =	vst v4  }
0xfd: {  	v5 =	vld.msk [tilespmem:s5+$0x1400], $0xff;
	_ =	sdelay $0x3  }
0xfe: {  	s29 =	simm.s32 $0x1  }
0xff: {  	s21 =	sand.u32 $0x7, s29;
	s7 =	simm.s32 $0x2000;
	v4 =	vperm.xlane v4, v3;
	s5 =	simm.s32 $0x100;
	v5 =	vperm.xlane v5, v3  }
.LBB2_3:
0x100: {  	p0 =	sne.s32 s5, $0x1380;
	s21 =	sshll.u32 s21, $0x7;
	s26 =	sadd.s32 $0x400, s26  }
0x101: {  	s21 =	sadd.s32 s21, s26;
	v4 =	vsel vm1, v4, v5  }
0x102: {  	s31 =	sor.u32 $0x1C00, s21;
	[tilespmem:s28+$0x28] =	vst v4  }
0x103: {  	v4 =	vld [tilespmem:s31+$0x1400];
	_ =	sdelay $0x3  }
0x104: {  	s28 =	sadd.s32 $0x80, s28  }
0x105: {  	s31 =	sor.u32 $0x1C10, s21;
	[tilespmem:s28+$0xFFFFFFD0] =	vst v4  }
0x106: {  	v4 =	vld [tilespmem:s31+$0x1400];
	_ =	sdelay $0x4  }
0x107: {  	s31 =	sor.u32 $0x1C20, s21;
	[tilespmem:s28+$0xFFFFFFE0] =	vst v4  }
0x108: {  	v4 =	vld [tilespmem:s31+$0x1400];
	_ =	sdelay $0x4  }
0x109: {  	s31 =	sor.u32 $0x1C30, s21;
	[tilespmem:s28+$0xFFFFFFF0] =	vst v4  }
0x10a: {  	v4 =	vld [tilespmem:s31+$0x1400];
	_ =	sdelay $0x4  }
0x10b: {  	s31 =	sor.u32 $0x1C40, s21;
	[tilespmem:s28+$0x0] =	vst v4  }
0x10c: {  	v4 =	vld [tilespmem:s31+$0x1400];
	_ =	sdelay $0x4  }
0x10d: {  	s31 =	sor.u32 $0x1C50, s21;
	[tilespmem:s28+$0x10] =	vst v4  }
0x10e: {  	v4 =	vld [tilespmem:s31+$0x1400];
	_ =	sdelay $0x4  }
0x10f: {  	s21 =	sor.u32 $0x1C60, s21;
	[tilespmem:s28+$0x20] =	vst v4;
	v4 =	vperm.xlane v4, v3  }
0x110: {  	v5 =	vld.msk [tilespmem:s21+$0x1400], $0xff  }
.Ltmp0:
0x111: {  	(pc) =	sbr.rel @p0 .LBB2_3-.Ltmp0, $3  }
0x112: {  	_ =	sdelay $0x1  }
0x113: {  	s29 =	sadd.s32 $0x1, s29  }
0x114: {  	s5 =	sadd.s32 $0x80, s5;
	s21 =	sand.u32 $0x7, s29;
	v5 =	vperm.xlane v5, v3  }
0x115: {  	s5 =	sshll.u32 s21, $0x7;
	s9 =	sadd.s32 $0x400, s26  }
0x116: {  	s5 =	sadd.s32 s5, s9;
	v4 =	vsel vm1, v4, v5  }
0x117: {  	s21 =	sor.u32 $0x1C00, s5;
	[tilespmem:s28+$0x28] =	vst v4  }
0x118: {  	v4 =	vld [tilespmem:s21+$0x1400];
	_ =	sdelay $0x3  }
0x119: {  	s10 =	sadd.s32 $0x80, s28  }
0x11a: {  	s11 =	sor.u32 $0x1C10, s5;
	[tilespmem:s10+$0xFFFFFFD0] =	vst v4  }
0x11b: {  	v4 =	vld [tilespmem:s11+$0x1400];
	_ =	sdelay $0x4  }
0x11c: {  	s12 =	sor.u32 $0x1C20, s5;
	[tilespmem:s10+$0xFFFFFFE0] =	vst v4  }
0x11d: {  	v4 =	vld [tilespmem:s12+$0x1400];
	_ =	sdelay $0x4  }
0x11e: {  	s13 =	sor.u32 $0x1C30, s5;
	[tilespmem:s10+$0xFFFFFFF0] =	vst v4  }
0x11f: {  	v4 =	vld [tilespmem:s13+$0x1400];
	_ =	sdelay $0x4  }
0x120: {  	s16 =	sor.u32 $0x1C40, s5;
	[tilespmem:s10+$0x0] =	vst v4  }
0x121: {  	v4 =	vld [tilespmem:s16+$0x1400];
	_ =	sdelay $0x4  }
0x122: {  	s17 =	sor.u32 $0x1C50, s5;
	[tilespmem:s10+$0x10] =	vst v4  }
0x123: {  	v4 =	vld [tilespmem:s17+$0x1400];
	_ =	sdelay $0x4  }
0x124: {  	s5 =	sor.u32 $0x1C60, s5;
	[tilespmem:s10+$0x20] =	vst v4  }
0x125: {  	v5 =	vld.msk [tilespmem:s5+$0x1400], $0xff;
	_ =	sdelay $0x4  }
0x126: {  	v4 =	vperm.xlane v4, v3;
	v5 =	vperm.xlane v5, v3;
	_ =	sdelay $0x1  }
0x127: {  	s4 =	rddreg [dreg:$0x1d];
	s2 =	simm.s32 $0x400;
	v4 =	vsel vm1, v4, v5  }
0x128: {  	s19 =	simm.s32 $0x15400;
	s18 =	sadd.s32 s25, s4;
	s21 =	simm.s32 $0x2;
	[tilespmem:s10+$0x28] =	vst v4  }
0x129: {  	[hbm4b:s18+s2] =	stream.strided.scatter [tilespmem:s19], [sflag:$0x3], $0x1400, s7, s2, $0x38;
	[tilespmem:$0x17C00] =	vst v63  }
0x12a: {  	_ =	swait.ge [sflag:s21], $0xA000  }
0x12b: {  	s25 =	rddreg [dreg:$0x16]  }
0x12c: {  	s29 =	simm.s32 $0xB400;
	s5 =	sadd.s32 s24, s25  }
0x12d: {  	[sflag:s21] =	ssyncset.done $0x0;
	s26 =	rddreg [dreg:$0x1e];
	s24 =	sshll.u32 s5, $0x7  }
0x12e: {  	[sflag:s21] =	ssyncadd.s32 $0xFFFF6000;
	s25 =	simm.s32 $0x0;
	s5 =	sadd.s32 s26, s24  }
0x12f: {  	[hbm4b:s5+s25] =	stream.linear.scatter [tilespmem:s29], [sflag:$0x4], $0x400, $0x38;
	[tilespmem:$0x17C00] =	vst v63  }
0x130: {  	s31 =	simm.s32 $0xD400;
	s30 =	sadd.s32 $0x400, s5  }
0x131: {  	[hbm4b:s30+s25] =	stream.linear.scatter [tilespmem:s31], [sflag:$0x4], $0x400, $0x38;
	[tilespmem:$0x17C00] =	vst v63  }
0x132: {  	s8 =	simm.s32 $0xF400;
	s4 =	sadd.s32 $0x800, s5  }
0x133: {  	[hbm4b:s4+s25] =	stream.linear.scatter [tilespmem:s8], [sflag:$0x4], $0x400, $0x38;
	[tilespmem:$0x17C00] =	vst v63  }
0x134: {  	s10 =	simm.s32 $0x11400;
	s9 =	sadd.s32 $0xC00, s5  }
0x135: {  	[hbm4b:s9+s25] =	stream.linear.scatter [tilespmem:s10], [sflag:$0x4], $0x400, $0x38;
	[tilespmem:$0x17C00] =	vst v63  }
0x136: {  	s11 =	simm.s32 $0x13400;
	s12 =	rddreg [dreg:$0x17];
	s5 =	sadd.s32 $0x1000, s5  }
0x137: {  	[hbm4b:s5+s25] =	stream.linear.scatter [tilespmem:s11], [sflag:$0x4], $0x400, $0x38;
	[tilespmem:$0x17C00] =	vst v63  }
0x138: {  	s16 =	simm.s32 $0xB800;
	s13 =	sadd.s32 s24, s12  }
0x139: {  	[hbm4b:s13+s25] =	stream.linear.scatter [tilespmem:s16], [sflag:$0x4], $0x400, $0x38;
	[tilespmem:$0x17C00] =	vst v63  }
0x13a: {  	s18 =	simm.s32 $0xD800;
	s17 =	sadd.s32 $0x400, s13  }
0x13b: {  	[hbm4b:s17+s25] =	stream.linear.scatter [tilespmem:s18], [sflag:$0x4], $0x400, $0x38;
	[tilespmem:$0x17C00] =	vst v63  }
0x13c: {  	s26 =	simm.s32 $0xF800;
	s19 =	sadd.s32 $0x800, s13  }
0x13d: {  	[hbm4b:s19+s25] =	stream.linear.scatter [tilespmem:s26], [sflag:$0x4], $0x400, $0x38;
	[tilespmem:$0x17C00] =	vst v63  }
0x13e: {  	s29 =	sadd.s32 $0xC00, s13;
	s30 =	simm.s32 $0x11800  }
0x13f: {  	[hbm4b:s29+s25] =	stream.linear.scatter [tilespmem:s30], [sflag:$0x4], $0x400, $0x38;
	[tilespmem:$0x17C00] =	vst v63  }
0x140: {  	s31 =	simm.s32 $0x13800;
	s8 =	rddreg [dreg:$0x18];
	s5 =	sadd.s32 $0x1000, s13  }
0x141: {  	[hbm4b:s5+s25] =	stream.linear.scatter [tilespmem:s31], [sflag:$0x4], $0x400, $0x38;
	[tilespmem:$0x17C00] =	vst v63  }
0x142: {  	s9 =	sadd.s32 s24, s8;
	s10 =	simm.s32 $0xBC00  }
0x143: {  	[hbm4b:s9+s25] =	stream.linear.scatter [tilespmem:s10], [sflag:$0x4], $0x400, $0x38;
	[tilespmem:$0x17C00] =	vst v63  }
0x144: {  	s12 =	simm.s32 $0xDC00;
	s11 =	sadd.s32 $0x400, s9  }
0x145: {  	[hbm4b:s11+s25] =	stream.linear.scatter [tilespmem:s12], [sflag:$0x4], $0x400, $0x38;
	[tilespmem:$0x17C00] =	vst v63  }
0x146: {  	s13 =	sadd.s32 $0x800, s9;
	s16 =	simm.s32 $0xFC00  }
0x147: {  	[hbm4b:s13+s25] =	stream.linear.scatter [tilespmem:s16], [sflag:$0x4], $0x400, $0x38;
	[tilespmem:$0x17C00] =	vst v63  }
0x148: {  	s17 =	sadd.s32 $0xC00, s9;
	s18 =	simm.s32 $0x11C00  }
0x149: {  	[hbm4b:s17+s25] =	stream.linear.scatter [tilespmem:s18], [sflag:$0x4], $0x400, $0x38;
	[tilespmem:$0x17C00] =	vst v63  }
0x14a: {  	s21 =	rddreg [dreg:$0x19];
	s19 =	simm.s32 $0x13C00;
	s5 =	sadd.s32 $0x1000, s9  }
0x14b: {  	[hbm4b:s5+s25] =	stream.linear.scatter [tilespmem:s19], [sflag:$0x4], $0x400, $0x38;
	[tilespmem:$0x17C00] =	vst v63  }
0x14c: {  	s26 =	sadd.s32 s24, s21;
	s29 =	simm.s32 $0xC000  }
0x14d: {  	[hbm4b:s26+s25] =	stream.linear.scatter [tilespmem:s29], [sflag:$0x4], $0x400, $0x38;
	[tilespmem:$0x17C00] =	vst v63  }
0x14e: {  	s30 =	sadd.s32 $0x400, s26;
	s31 =	simm.s32 $0xE000  }
0x14f: {  	[hbm4b:s30+s25] =	stream.linear.scatter [tilespmem:s31], [sflag:$0x4], $0x400, $0x38;
	[tilespmem:$0x17C00] =	vst v63  }
0x150: {  	s8 =	sadd.s32 $0x800, s26;
	s9 =	simm.s32 $0x10000  }
0x151: {  	[hbm4b:s8+s25] =	stream.linear.scatter [tilespmem:s9], [sflag:$0x4], $0x400, $0x38;
	[tilespmem:$0x17C00] =	vst v63  }
0x152: {  	s10 =	sadd.s32 $0xC00, s26;
	s11 =	simm.s32 $0x12000  }
0x153: {  	[hbm4b:s10+s25] =	stream.linear.scatter [tilespmem:s11], [sflag:$0x4], $0x400, $0x38;
	[tilespmem:$0x17C00] =	vst v63  }
0x154: {  	s12 =	simm.s32 $0x14000;
	s13 =	rddreg [dreg:$0x1a];
	s5 =	sadd.s32 $0x1000, s26  }
0x155: {  	[hbm4b:s5+s25] =	stream.linear.scatter [tilespmem:s12], [sflag:$0x4], $0x400, $0x38;
	[tilespmem:$0x17C00] =	vst v63  }
0x156: {  	s16 =	sadd.s32 s24, s13;
	s17 =	simm.s32 $0xC400  }
0x157: {  	[hbm4b:s16+s25] =	stream.linear.scatter [tilespmem:s17], [sflag:$0x4], $0x400, $0x38;
	[tilespmem:$0x17C00] =	vst v63  }
0x158: {  	s18 =	sadd.s32 $0x400, s16;
	s19 =	simm.s32 $0xE400  }
0x159: {  	[hbm4b:s18+s25] =	stream.linear.scatter [tilespmem:s19], [sflag:$0x4], $0x400, $0x38;
	[tilespmem:$0x17C00] =	vst v63  }
0x15a: {  	s26 =	sadd.s32 $0x800, s16;
	s29 =	simm.s32 $0x10400  }
0x15b: {  	[hbm4b:s26+s25] =	stream.linear.scatter [tilespmem:s29], [sflag:$0x4], $0x400, $0x38;
	[tilespmem:$0x17C00] =	vst v63  }
0x15c: {  	s30 =	sadd.s32 $0xC00, s16;
	s31 =	simm.s32 $0x12400  }
0x15d: {  	[hbm4b:s30+s25] =	stream.linear.scatter [tilespmem:s31], [sflag:$0x4], $0x400, $0x38;
	[tilespmem:$0x17C00] =	vst v63  }
0x15e: {  	s8 =	simm.s32 $0x14400;
	s9 =	rddreg [dreg:$0x1b];
	s5 =	sadd.s32 $0x1000, s16  }
0x15f: {  	[hbm4b:s5+s25] =	stream.linear.scatter [tilespmem:s8], [sflag:$0x4], $0x400, $0x38;
	[tilespmem:$0x17C00] =	vst v63  }
0x160: {  	s10 =	sadd.s32 s24, s9;
	s11 =	simm.s32 $0xC800  }
0x161: {  	[hbm4b:s10+s25] =	stream.linear.scatter [tilespmem:s11], [sflag:$0x4], $0x400, $0x38;
	[tilespmem:$0x17C00] =	vst v63  }
0x162: {  	s13 =	simm.s32 $0xE800;
	s12 =	sadd.s32 $0x400, s10  }
0x163: {  	[hbm4b:s12+s25] =	stream.linear.scatter [tilespmem:s13], [sflag:$0x4], $0x400, $0x38;
	[tilespmem:$0x17C00] =	vst v63  }
0x164: {  	s16 =	sadd.s32 $0x800, s10;
	s17 =	simm.s32 $0x10800  }
0x165: {  	[hbm4b:s16+s25] =	stream.linear.scatter [tilespmem:s17], [sflag:$0x4], $0x400, $0x38;
	[tilespmem:$0x17C00] =	vst v63  }
0x166: {  	s18 =	sadd.s32 $0xC00, s10;
	s19 =	simm.s32 $0x12800  }
0x167: {  	[hbm4b:s18+s25] =	stream.linear.scatter [tilespmem:s19], [sflag:$0x4], $0x400, $0x38;
	[tilespmem:$0x17C00] =	vst v63  }
0x168: {  	s26 =	simm.s32 $0x14800;
	s29 =	rddreg [dreg:$0x1c];
	s5 =	sadd.s32 $0x1000, s10  }
0x169: {  	[hbm4b:s5+s25] =	stream.linear.scatter [tilespmem:s26], [sflag:$0x4], $0x400, $0x38;
	[tilespmem:$0x17C00] =	vst v63  }
0x16a: {  	s30 =	sadd.s32 s24, s29;
	s31 =	simm.s32 $0xCC00  }
0x16b: {  	[hbm4b:s30+s25] =	stream.linear.scatter [tilespmem:s31], [sflag:$0x4], $0x400, $0x38;
	[tilespmem:$0x17C00] =	vst v63  }
0x16c: {  	s4 =	sadd.s32 $0x400, s30;
	s8 =	simm.s32 $0xEC00  }
0x16d: {  	[hbm4b:s4+s25] =	stream.linear.scatter [tilespmem:s8], [sflag:$0x4], $0x400, $0x38;
	[tilespmem:$0x17C00] =	vst v63  }
0x16e: {  	s9 =	sadd.s32 $0x800, s30;
	s10 =	simm.s32 $0x10C00  }
0x16f: {  	[hbm4b:s9+s25] =	stream.linear.scatter [tilespmem:s10], [sflag:$0x4], $0x400, $0x38;
	[tilespmem:$0x17C00] =	vst v63  }
0x170: {  	s11 =	sadd.s32 $0xC00, s30;
	s12 =	simm.s32 $0x12C00  }
0x171: {  	[hbm4b:s11+s25] =	stream.linear.scatter [tilespmem:s12], [sflag:$0x4], $0x400, $0x38;
	[tilespmem:$0x17C00] =	vst v63  }
0x172: {  	s13 =	simm.s32 $0x14C00;
	s16 =	sand.u32 $0x7, s25;
	s5 =	sadd.s32 $0x1000, s30  }
0x173: {  	[hbm4b:s5+s25] =	stream.linear.scatter [tilespmem:s13], [sflag:$0x4], $0x400, $0x38;
	[tilespmem:$0x17C00] =	vst v63  }
0x174: {  	s5 =	sshll.u32 s16, $0x7  }
0x175: {  	s5 =	sadd.s32 $0x0, s5  }
0x176: {  	s17 =	sor.u32 $0x1C00, s5  }
0x177: {  	v4 =	vld [tilespmem:s17+$0xB400];
	_ =	sdelay $0x3  }
0x178: {  	s26 =	simm.s32 $0x16830  }
0x179: {  	s18 =	sor.u32 $0x1C10, s5;
	[tilespmem:s26+$0xFFFFFFD0] =	vst v4  }
0x17a: {  	v4 =	vld [tilespmem:s18+$0xB400];
	_ =	sdelay $0x4  }
0x17b: {  	s19 =	sor.u32 $0x1C20, s5;
	[tilespmem:s26+$0xFFFFFFE0] =	vst v4  }
0x17c: {  	v4 =	vld [tilespmem:s19+$0xB400];
	_ =	sdelay $0x4  }
0x17d: {  	s29 =	sor.u32 $0x1C30, s5;
	[tilespmem:s26+$0xFFFFFFF0] =	vst v4  }
0x17e: {  	v4 =	vld [tilespmem:s29+$0xB400];
	_ =	sdelay $0x4  }
0x17f: {  	s30 =	sor.u32 $0x1C40, s5;
	[tilespmem:s26+$0x0] =	vst v4  }
0x180: {  	v4 =	vld [tilespmem:s30+$0xB400];
	_ =	sdelay $0x4  }
0x181: {  	s31 =	sor.u32 $0x1C50, s5;
	[tilespmem:s26+$0x10] =	vst v4  }
0x182: {  	v4 =	vld [tilespmem:s31+$0xB400];
	_ =	sdelay $0x4  }
0x183: {  	s5 =	sor.u32 $0x1C60, s5;
	[tilespmem:s26+$0x20] =	vst v4  }
0x184: {  	v5 =	vld.msk [tilespmem:s5+$0xB400], $0xff;
	_ =	sdelay $0x3  }
0x185: {  	s28 =	simm.s32 $0x1  }
0x186: {  	s21 =	sand.u32 $0x7, s28;
	v4 =	vperm.xlane v4, v3;
	s5 =	simm.s32 $0x100;
	v5 =	vperm.xlane v5, v3  }
.LBB2_5:
0x187: {  	p0 =	sne.s32 s5, $0x1380;
	s21 =	sshll.u32 s21, $0x7;
	s25 =	sadd.s32 $0x400, s25  }
0x188: {  	s21 =	sadd.s32 s21, s25;
	v4 =	vsel vm1, v4, v5  }
0x189: {  	s29 =	sor.u32 $0x1C00, s21;
	[tilespmem:s26+$0x28] =	vst v4  }
0x18a: {  	v4 =	vld [tilespmem:s29+$0xB400];
	_ =	sdelay $0x3  }
0x18b: {  	s26 =	sadd.s32 $0x80, s26  }
0x18c: {  	s29 =	sor.u32 $0x1C10, s21;
	[tilespmem:s26+$0xFFFFFFD0] =	vst v4  }
0x18d: {  	v4 =	vld [tilespmem:s29+$0xB400];
	_ =	sdelay $0x4  }
0x18e: {  	s29 =	sor.u32 $0x1C20, s21;
	[tilespmem:s26+$0xFFFFFFE0] =	vst v4  }
0x18f: {  	v4 =	vld [tilespmem:s29+$0xB400];
	_ =	sdelay $0x4  }
0x190: {  	s29 =	sor.u32 $0x1C30, s21;
	[tilespmem:s26+$0xFFFFFFF0] =	vst v4  }
0x191: {  	v4 =	vld [tilespmem:s29+$0xB400];
	_ =	sdelay $0x4  }
0x192: {  	s29 =	sor.u32 $0x1C40, s21;
	[tilespmem:s26+$0x0] =	vst v4  }
0x193: {  	v4 =	vld [tilespmem:s29+$0xB400];
	_ =	sdelay $0x4  }
0x194: {  	s29 =	sor.u32 $0x1C50, s21;
	[tilespmem:s26+$0x10] =	vst v4  }
0x195: {  	v4 =	vld [tilespmem:s29+$0xB400];
	_ =	sdelay $0x4  }
0x196: {  	s21 =	sor.u32 $0x1C60, s21;
	[tilespmem:s26+$0x20] =	vst v4;
	v4 =	vperm.xlane v4, v3  }
0x197: {  	v5 =	vld.msk [tilespmem:s21+$0xB400], $0xff  }
.Ltmp1:
0x198: {  	(pc) =	sbr.rel @p0 .LBB2_5-.Ltmp1, $3  }
0x199: {  	_ =	sdelay $0x1  }
0x19a: {  	s28 =	sadd.s32 $0x1, s28  }
0x19b: {  	s5 =	sadd.s32 $0x80, s5;
	s21 =	sand.u32 $0x7, s28;
	v5 =	vperm.xlane v5, v3  }
0x19c: {  	s5 =	sshll.u32 s21, $0x7;
	s9 =	sadd.s32 $0x400, s25  }
0x19d: {  	s5 =	sadd.s32 s5, s9;
	v4 =	vsel vm1, v4, v5  }
0x19e: {  	s21 =	sor.u32 $0x1C00, s5;
	[tilespmem:s26+$0x28] =	vst v4  }
0x19f: {  	v4 =	vld [tilespmem:s21+$0xB400];
	_ =	sdelay $0x3  }
0x1a0: {  	s10 =	sadd.s32 $0x80, s26  }
0x1a1: {  	s11 =	sor.u32 $0x1C10, s5;
	[tilespmem:s10+$0xFFFFFFD0] =	vst v4  }
0x1a2: {  	v4 =	vld [tilespmem:s11+$0xB400];
	_ =	sdelay $0x4  }
0x1a3: {  	s12 =	sor.u32 $0x1C20, s5;
	[tilespmem:s10+$0xFFFFFFE0] =	vst v4  }
0x1a4: {  	v4 =	vld [tilespmem:s12+$0xB400];
	_ =	sdelay $0x4  }
0x1a5: {  	s13 =	sor.u32 $0x1C30, s5;
	[tilespmem:s10+$0xFFFFFFF0] =	vst v4  }
0x1a6: {  	v4 =	vld [tilespmem:s13+$0xB400];
	_ =	sdelay $0x4  }
0x1a7: {  	s16 =	sor.u32 $0x1C40, s5;
	[tilespmem:s10+$0x0] =	vst v4  }
0x1a8: {  	v4 =	vld [tilespmem:s16+$0xB400];
	_ =	sdelay $0x4  }
0x1a9: {  	s17 =	sor.u32 $0x1C50, s5;
	[tilespmem:s10+$0x10] =	vst v4  }
0x1aa: {  	v4 =	vld [tilespmem:s17+$0xB400];
	_ =	sdelay $0x4  }
0x1ab: {  	s5 =	sor.u32 $0x1C60, s5;
	[tilespmem:s10+$0x20] =	vst v4  }
0x1ac: {  	v5 =	vld.msk [tilespmem:s5+$0xB400], $0xff;
	_ =	sdelay $0x4  }
0x1ad: {  	v4 =	vperm.xlane v4, v3;
	v5 =	vperm.xlane v5, v3;
	_ =	sdelay $0x1  }
0x1ae: {  	s4 =	rddreg [dreg:$0x1d];
	v4 =	vsel vm1, v4, v5  }
0x1af: {  	s19 =	simm.s32 $0x16800;
	s18 =	sadd.s32 s24, s4;
	[tilespmem:s10+$0x28] =	vst v4  }
0x1b0: {  	[hbm4b:s18+s2] =	stream.strided.scatter [tilespmem:s19], [sflag:$0x4], $0x1400, s7, s2, $0x38;
	[tilespmem:$0x17C00] =	vst v63  }
0x1b1: {  	_ =	swait.ge [sflag:s20], $0x1400  }
0x1b2: {  	[sflag:s20] =	ssyncset.done $0x0  }
0x1b3: {  	[sflag:s20] =	ssyncadd.s32 $0xFFFFEC00  }
0x1b4: {  	_ =	swait.ge [sflag:s20], $0x1400  }
0x1b5: {  	[sflag:s20] =	ssyncset.done $0x0  }
0x1b6: {  	[sflag:s20] =	ssyncadd.s32 $0xFFFFEC00  }
0x1b7: {  	_ =	swait.ge [sflag:s20], $0x1400  }
0x1b8: {  	[sflag:s20] =	ssyncset.done $0x0  }
0x1b9: {  	[sflag:s20] =	ssyncadd.s32 $0xFFFFEC00  }
0x1ba: {  	_ =	swait.ge [sflag:s20], $0x1400  }
0x1bb: {  	[sflag:s20] =	ssyncset.done $0x0  }
0x1bc: {  	[sflag:s20] =	ssyncadd.s32 $0xFFFFEC00  }
0x1bd: {  	_ =	swait.ge [sflag:s20], $0x1400  }
0x1be: {  	[sflag:s20] =	ssyncset.done $0x0  }
0x1bf: {  	[sflag:s20] =	ssyncadd.s32 $0xFFFFEC00  }
0x1c0: {  	_ =	swait.ge [sflag:s20], $0x1400  }
0x1c1: {  	[sflag:s20] =	ssyncset.done $0x0  }
0x1c2: {  	[sflag:s20] =	ssyncadd.s32 $0xFFFFEC00  }
0x1c3: {  	_ =	swait.ge [sflag:s20], $0x1400  }
0x1c4: {  	[sflag:s20] =	ssyncset.done $0x0  }
0x1c5: {  	[sflag:s20] =	ssyncadd.s32 $0xFFFFEC00  }
0x1c6: {  	_ =	swait.ge [sflag:s20], $0x1400  }
0x1c7: {  	s21 =	sshll.u32 s23, $0x8;
	[sflag:s20] =	ssyncset.done $0x0  }
0x1c8: {  	s24 =	sand.u32 $0x3FFFFF00, s21;
	[sflag:s20] =	ssyncadd.s32 $0xFFFFEC00  }
0x1c9: {  	v4 =	vld [tilespmem:s24+$0x100];
	_ =	sdelay $0x4  }
0x1ca: {  	v5 =	vshll.u32 v4, $0x3  }
0x1cb: {  	v4 =	vand.u32 $0x7, v4;
	v5 =	vand.u32 $0xFFFFFFC0, v5  }
0x1cc: {  	v4 =	vor.u32 v4, v5  }
0x1cd: {  	v5 =	vperm.xlane v4, v0;
	_ =	sdelay $0x1  }
0x1ce: {  	v5 =	vadd.s32 v1, v5;
	_ =	sdelay $0x3  }
0x1cf: {  	s28 =	simm.s32 $0x1400;
	s21 =	rddreg [dreg:$0x0]  }
0x1d0: {  	[tilespmem:s28], [sflag:$0x1] =	stream.indirect_vreg.gather [hbm4b:s21+s3], $0x80, v5, vm0, $0xb8;
	[tilespmem:$0x17C00] =	vst v63  }
0x1d1: {  	s29 =	simm.s32 $0x1C00;
	v4 =	vperm.xlane v4, v2  }
0x1d2: {  	[tilespmem:s29], [sflag:$0x1] =	stream.indirect_vreg.gather [hbm4b:s1+s3], $0x80, v5, vm0, $0xb8;
	[tilespmem:$0x17C00] =	vst v63  }
0x1d3: {  	s31 =	simm.s32 $0x2400;
	v4 =	vadd.s32 v1, v4  }
0x1d4: {  	[tilespmem:s31], [sflag:$0x1] =	stream.indirect_vreg.gather [hbm4b:s0+s3], $0x80, v5, vm0, $0xb8;
	[tilespmem:$0x17C00] =	vst v63  }
0x1d5: {  	s25 =	simm.s32 $0x2C00  }
0x1d6: {  	[tilespmem:s25], [sflag:$0x1] =	stream.indirect_vreg.gather [hbm4b:s6+s3], $0x80, v5, vm0, $0xb8;
	[tilespmem:$0x17C00] =	vst v63  }
0x1d7: {  	s30 =	simm.s32 $0x3400  }
0x1d8: {  	[tilespmem:s30], [sflag:$0x1] =	stream.indirect_vreg.gather [hbm4b:s21+s3], $0x80, v4, vm0, $0xb8;
	[tilespmem:$0x17C00] =	vst v63  }
0x1d9: {  	_ = 	snop  }
0x1da: {  	[tilespmem:s14], [sflag:$0x1] =	stream.indirect_vreg.gather [hbm4b:s1+s3], $0x80, v4, vm0, $0xb8;
	[tilespmem:$0x17C00] =	vst v63  }
0x1db: {  	s26 =	simm.s32 $0x4400  }
0x1dc: {  	[tilespmem:s26], [sflag:$0x1] =	stream.indirect_vreg.gather [hbm4b:s0+s3], $0x80, v4, vm0, $0xb8;
	[tilespmem:$0x17C00] =	vst v63  }
0x1dd: {  	_ = 	snop  }
0x1de: {  	[tilespmem:s15], [sflag:$0x1] =	stream.indirect_vreg.gather [hbm4b:s6+s3], $0x80, v4, vm0, $0xb8;
	[tilespmem:$0x17C00] =	vst v63  }
0x1df: {  	v4 =	vld [tilespmem:s24+$0x110];
	_ =	sdelay $0x4  }
0x1e0: {  	v5 =	vshll.u32 v4, $0x3  }
0x1e1: {  	v4 =	vand.u32 $0x7, v4;
	v5 =	vand.u32 $0xFFFFFFC0, v5  }
0x1e2: {  	v4 =	vor.u32 v4, v5  }
0x1e3: {  	v5 =	vperm.xlane v4, v0;
	_ =	sdelay $0x1  }
0x1e4: {  	v5 =	vadd.s32 v1, v5;
	_ =	sdelay $0x3  }
0x1e5: {  	s18 =	simm.s32 $0x5400  }
0x1e6: {  	[tilespmem:s18], [sflag:$0x1] =	stream.indirect_vreg.gather [hbm4b:s21+s3], $0x80, v5, vm0, $0xb8;
	[tilespmem:$0x17C00] =	vst v63  }
0x1e7: {  	s16 =	simm.s32 $0x5C00;
	v4 =	vperm.xlane v4, v2  }
0x1e8: {  	[tilespmem:s16], [sflag:$0x1] =	stream.indirect_vreg.gather [hbm4b:s1+s3], $0x80, v5, vm0, $0xb8;
	[tilespmem:$0x17C00] =	vst v63  }
0x1e9: {  	s17 =	simm.s32 $0x6400;
	v4 =	vadd.s32 v1, v4  }
0x1ea: {  	[tilespmem:s17], [sflag:$0x1] =	stream.indirect_vreg.gather [hbm4b:s0+s3], $0x80, v5, vm0, $0xb8;
	[tilespmem:$0x17C00] =	vst v63  }
0x1eb: {  	s19 =	simm.s32 $0x6C00  }
0x1ec: {  	[tilespmem:s19], [sflag:$0x1] =	stream.indirect_vreg.gather [hbm4b:s6+s3], $0x80, v5, vm0, $0xb8;
	[tilespmem:$0x17C00] =	vst v63  }
0x1ed: {  	s4 =	simm.s32 $0x7400  }
0x1ee: {  	[tilespmem:s4], [sflag:$0x1] =	stream.indirect_vreg.gather [hbm4b:s21+s3], $0x80, v4, vm0, $0xb8;
	[tilespmem:$0x17C00] =	vst v63  }
0x1ef: {  	s8 =	simm.s32 $0x7C00  }
0x1f0: {  	[tilespmem:s8], [sflag:$0x1] =	stream.indirect_vreg.gather [hbm4b:s1+s3], $0x80, v4, vm0, $0xb8;
	[tilespmem:$0x17C00] =	vst v63  }
0x1f1: {  	s9 =	simm.s32 $0x8400  }
0x1f2: {  	[tilespmem:s9], [sflag:$0x1] =	stream.indirect_vreg.gather [hbm4b:s0+s3], $0x80, v4, vm0, $0xb8;
	[tilespmem:$0x17C00] =	vst v63  }
0x1f3: {  	s10 =	simm.s32 $0x8C00  }
0x1f4: {  	[tilespmem:s10], [sflag:$0x1] =	stream.indirect_vreg.gather [hbm4b:s6+s3], $0x80, v4, vm0, $0xb8;
	[tilespmem:$0x17C00] =	vst v63  }
0x1f5: {  	v4 =	vld.msk [tilespmem:s24+$0x120], $0xff;
	_ =	sdelay $0x4  }
0x1f6: {  	v5 =	vshll.u32 v4, $0x3  }
0x1f7: {  	v4 =	vand.u32 $0x7, v4;
	v5 =	vand.u32 $0xFFFFFFC0, v5  }
0x1f8: {  	v4 =	vor.u32 v4, v5  }
0x1f9: {  	v4 =	vperm.xlane v4, v0;
	_ =	sdelay $0x1  }
0x1fa: {  	v4 =	vadd.s32 v1, v4;
	_ =	sdelay $0x3  }
0x1fb: {  	s11 =	simm.s32 $0x9400  }
0x1fc: {  	[tilespmem:s11], [sflag:$0x1] =	stream.indirect_vreg.gather [hbm4b:s21+s3], $0x80, v4, vm0, $0xb8;
	[tilespmem:$0x17C00] =	vst v63  }
0x1fd: {  	s12 =	simm.s32 $0x9C00  }
0x1fe: {  	[tilespmem:s12], [sflag:$0x1] =	stream.indirect_vreg.gather [hbm4b:s1+s3], $0x80, v4, vm0, $0xb8;
	[tilespmem:$0x17C00] =	vst v63  }
0x1ff: {  	s13 =	simm.s32 $0xA400  }
0x200: {  	[tilespmem:s13], [sflag:$0x1] =	stream.indirect_vreg.gather [hbm4b:s0+s3], $0x80, v4, vm0, $0xb8;
	[tilespmem:$0x17C00] =	vst v63  }
0x201: {  	s7 =	simm.s32 $0xAC00  }
0x202: {  	[tilespmem:s7], [sflag:$0x1] =	stream.indirect_vreg.gather [hbm4b:s6+s3], $0x80, v4, vm0, $0xb8;
	[tilespmem:$0x17C00] =	vst v63  }
0x203: {  	_ =	swait.ge [sflag:s22], $0x1400  }
0x204: {  	[sflag:s22] =	ssyncset.done $0x0  }
0x205: {  	[sflag:s22] =	ssyncadd.s32 $0xFFFFEC00  }
0x206: {  	_ =	swait.ge [sflag:s22], $0x1400  }
0x207: {  	[sflag:s22] =	ssyncset.done $0x0  }
0x208: {  	[sflag:s22] =	ssyncadd.s32 $0xFFFFEC00  }
0x209: {  	_ =	swait.ge [sflag:s22], $0x1400  }
0x20a: {  	[sflag:s22] =	ssyncset.done $0x0  }
0x20b: {  	[sflag:s22] =	ssyncadd.s32 $0xFFFFEC00  }
0x20c: {  	_ =	swait.ge [sflag:s22], $0x1400  }
0x20d: {  	[sflag:s22] =	ssyncset.done $0x0  }
0x20e: {  	[sflag:s22] =	ssyncadd.s32 $0xFFFFEC00  }
0x20f: {  	_ =	swait.ge [sflag:s22], $0x1400  }
0x210: {  	[sflag:s22] =	ssyncset.done $0x0  }
0x211: {  	[sflag:s22] =	ssyncadd.s32 $0xFFFFEC00  }
0x212: {  	_ =	swait.ge [sflag:s22], $0x1400  }
0x213: {  	[sflag:s22] =	ssyncset.done $0x0  }
0x214: {  	[sflag:s22] =	ssyncadd.s32 $0xFFFFEC00  }
0x215: {  	_ =	swait.ge [sflag:s22], $0x1400  }
0x216: {  	[sflag:s22] =	ssyncset.done $0x0  }
0x217: {  	[sflag:s22] =	ssyncadd.s32 $0xFFFFEC00  }
0x218: {  	_ =	swait.ge [sflag:s22], $0x1400  }
0x219: {  	[sflag:s22] =	ssyncset.done $0x0  }
0x21a: {  	[sflag:s22] =	ssyncadd.s32 $0xFFFFEC00  }
0x21b: {  	v4 =	vld [tilespmem:s24+$0x180];
	_ =	sdelay $0x4  }
0x21c: {  	v5 =	vshll.u32 v4, $0x3  }
0x21d: {  	v4 =	vand.u32 $0x7, v4;
	v5 =	vand.u32 $0xFFFFFFC0, v5  }
0x21e: {  	v4 =	vor.u32 v4, v5  }
0x21f: {  	v5 =	vperm.xlane v4, v0;
	_ =	sdelay $0x1  }
0x220: {  	v5 =	vadd.s32 v1, v5;
	_ =	sdelay $0x3  }
0x221: {  	s5 =	simm.s32 $0xB400  }
0x222: {  	[tilespmem:s5], [sflag:$0x2] =	stream.indirect_vreg.gather [hbm4b:s21+s3], $0x80, v5, vm0, $0xb8;
	[tilespmem:$0x17C00] =	vst v63  }
0x223: {  	v4 =	vperm.xlane v4, v2;
	s5 =	simm.s32 $0xBC00  }
0x224: {  	[tilespmem:s5], [sflag:$0x2] =	stream.indirect_vreg.gather [hbm4b:s1+s3], $0x80, v5, vm0, $0xb8;
	[tilespmem:$0x17C00] =	vst v63  }
0x225: {  	v4 =	vadd.s32 v1, v4;
	s5 =	simm.s32 $0xC400  }
0x226: {  	[tilespmem:s5], [sflag:$0x2] =	stream.indirect_vreg.gather [hbm4b:s0+s3], $0x80, v5, vm0, $0xb8;
	[tilespmem:$0x17C00] =	vst v63  }
0x227: {  	s5 =	simm.s32 $0xCC00  }
0x228: {  	[tilespmem:s5], [sflag:$0x2] =	stream.indirect_vreg.gather [hbm4b:s6+s3], $0x80, v5, vm0, $0xb8;
	[tilespmem:$0x17C00] =	vst v63  }
0x229: {  	s5 =	simm.s32 $0xD400  }
0x22a: {  	[tilespmem:s5], [sflag:$0x2] =	stream.indirect_vreg.gather [hbm4b:s21+s3], $0x80, v4, vm0, $0xb8;
	[tilespmem:$0x17C00] =	vst v63  }
0x22b: {  	s5 =	simm.s32 $0xDC00  }
0x22c: {  	[tilespmem:s5], [sflag:$0x2] =	stream.indirect_vreg.gather [hbm4b:s1+s3], $0x80, v4, vm0, $0xb8;
	[tilespmem:$0x17C00] =	vst v63  }
0x22d: {  	s5 =	simm.s32 $0xE400  }
0x22e: {  	[tilespmem:s5], [sflag:$0x2] =	stream.indirect_vreg.gather [hbm4b:s0+s3], $0x80, v4, vm0, $0xb8;
	[tilespmem:$0x17C00] =	vst v63  }
0x22f: {  	s5 =	simm.s32 $0xEC00  }
0x230: {  	[tilespmem:s5], [sflag:$0x2] =	stream.indirect_vreg.gather [hbm4b:s6+s3], $0x80, v4, vm0, $0xb8;
	[tilespmem:$0x17C00] =	vst v63  }
0x231: {  	v4 =	vld [tilespmem:s24+$0x190];
	_ =	sdelay $0x4  }
0x232: {  	v5 =	vshll.u32 v4, $0x3  }
0x233: {  	v4 =	vand.u32 $0x7, v4;
	v5 =	vand.u32 $0xFFFFFFC0, v5  }
0x234: {  	v4 =	vor.u32 v4, v5  }
0x235: {  	v5 =	vperm.xlane v4, v0;
	_ =	sdelay $0x1  }
0x236: {  	v5 =	vadd.s32 v1, v5;
	_ =	sdelay $0x3  }
0x237: {  	s5 =	simm.s32 $0xF400  }
0x238: {  	[tilespmem:s5], [sflag:$0x2] =	stream.indirect_vreg.gather [hbm4b:s21+s3], $0x80, v5, vm0, $0xb8;
	[tilespmem:$0x17C00] =	vst v63  }
0x239: {  	v4 =	vperm.xlane v4, v2;
	s5 =	simm.s32 $0xFC00  }
0x23a: {  	[tilespmem:s5], [sflag:$0x2] =	stream.indirect_vreg.gather [hbm4b:s1+s3], $0x80, v5, vm0, $0xb8;
	[tilespmem:$0x17C00] =	vst v63  }
0x23b: {  	v4 =	vadd.s32 v1, v4;
	s5 =	simm.s32 $0x10400  }
0x23c: {  	[tilespmem:s5], [sflag:$0x2] =	stream.indirect_vreg.gather [hbm4b:s0+s3], $0x80, v5, vm0, $0xb8;
	[tilespmem:$0x17C00] =	vst v63  }
0x23d: {  	s5 =	simm.s32 $0x10C00  }
0x23e: {  	[tilespmem:s5], [sflag:$0x2] =	stream.indirect_vreg.gather [hbm4b:s6+s3], $0x80, v5, vm0, $0xb8;
	[tilespmem:$0x17C00] =	vst v63  }
0x23f: {  	s5 =	simm.s32 $0x11400  }
0x240: {  	[tilespmem:s5], [sflag:$0x2] =	stream.indirect_vreg.gather [hbm4b:s21+s3], $0x80, v4, vm0, $0xb8;
	[tilespmem:$0x17C00] =	vst v63  }
0x241: {  	s5 =	simm.s32 $0x11C00  }
0x242: {  	[tilespmem:s5], [sflag:$0x2] =	stream.indirect_vreg.gather [hbm4b:s1+s3], $0x80, v4, vm0, $0xb8;
	[tilespmem:$0x17C00] =	vst v63  }
0x243: {  	s5 =	simm.s32 $0x12400  }
0x244: {  	[tilespmem:s5], [sflag:$0x2] =	stream.indirect_vreg.gather [hbm4b:s0+s3], $0x80, v4, vm0, $0xb8;
	[tilespmem:$0x17C00] =	vst v63  }
0x245: {  	s5 =	simm.s32 $0x12C00  }
0x246: {  	[tilespmem:s5], [sflag:$0x2] =	stream.indirect_vreg.gather [hbm4b:s6+s3], $0x80, v4, vm0, $0xb8;
	[tilespmem:$0x17C00] =	vst v63  }
0x247: {  	v4 =	vld.msk [tilespmem:s24+$0x1A0], $0xff;
	_ =	sdelay $0x4  }
0x248: {  	v5 =	vshll.u32 v4, $0x3  }
0x249: {  	v4 =	vand.u32 $0x7, v4;
	v5 =	vand.u32 $0xFFFFFFC0, v5  }
0x24a: {  	v4 =	vor.u32 v4, v5  }
0x24b: {  	v4 =	vperm.xlane v4, v0;
	_ =	sdelay $0x1  }
0x24c: {  	v4 =	vadd.s32 v1, v4;
	_ =	sdelay $0x3  }
0x24d: {  	s23 =	sadd.s32 $0x1, s23;
	s24 =	simm.s32 $0x13400  }
0x24e: {  	[tilespmem:s24], [sflag:$0x2] =	stream.indirect_vreg.gather [hbm4b:s21+s3], $0x80, v4, vm0, $0xb8;
	[tilespmem:$0x17C00] =	vst v63  }
0x24f: {  	p0 =	sne.s32 s23, $0x13;
	s24 =	simm.s32 $0x13C00  }
0x250: {  	[tilespmem:s24], [sflag:$0x2] =	stream.indirect_vreg.gather [hbm4b:s1+s3], $0x80, v4, vm0, $0xb8;
	[tilespmem:$0x17C00] =	vst v63  }
.Ltmp2:
0x251: {  	_ = 	snop;
	(pc) =	sbr.rel @p0 .LBB2_2-.Ltmp2, $4  }
0x252: {  	s21 =	simm.s32 $0x14400  }
0x253: {  	[tilespmem:s21], [sflag:$0x2] =	stream.indirect_vreg.gather [hbm4b:s0+s3], $0x80, v4, vm0, $0xb8;
	[tilespmem:$0x17C00] =	vst v63  }
0x254: {  	s2 =	simm.s32 $0x2000;
	s24 =	simm.s32 $0x14C00  }
0x255: {  	[tilespmem:s24], [sflag:$0x2] =	stream.indirect_vreg.gather [hbm4b:s6+s3], $0x80, v4, vm0, $0xb8;
	[tilespmem:$0x17C00] =	vst v63  }
0x256: {  	s5 =	simm.s32 $0x1  }
0x257: {  	_ =	swait.ge [sflag:s5], $0xA000  }
0x258: {  	[sflag:s5] =	ssyncset.done $0x0  }
0x259: {  	s23 =	simm.s32 $0x0;
	s21 =	rddreg [dreg:$0x5];
	[sflag:s5] =	ssyncadd.s32 $0xFFFF6000  }
0x25a: {  	[hbm4b:s21+s23] =	stream.linear.scatter [tilespmem:s28], [sflag:$0x3], $0x400, $0x38;
	[tilespmem:$0x17C00] =	vst v63  }
0x25b: {  	s24 =	sadd.s32 $0x400, s21  }
0x25c: {  	[hbm4b:s24+s23] =	stream.linear.scatter [tilespmem:s30], [sflag:$0x3], $0x400, $0x38;
	[tilespmem:$0x17C00] =	vst v63  }
0x25d: {  	s24 =	sadd.s32 $0x800, s21  }
0x25e: {  	[hbm4b:s24+s23] =	stream.linear.scatter [tilespmem:s18], [sflag:$0x3], $0x400, $0x38;
	[tilespmem:$0x17C00] =	vst v63  }
0x25f: {  	s18 =	sadd.s32 $0xC00, s21  }
0x260: {  	[hbm4b:s18+s23] =	stream.linear.scatter [tilespmem:s4], [sflag:$0x3], $0x400, $0x38;
	[tilespmem:$0x17C00] =	vst v63  }
0x261: {  	s21 =	sadd.s32 $0x1000, s21  }
0x262: {  	[hbm4b:s21+s23] =	stream.linear.scatter [tilespmem:s11], [sflag:$0x3], $0x400, $0x38;
	[tilespmem:$0x17C00] =	vst v63  }
0x263: {  	s24 =	simm.s32 $0x1800;
	s21 =	rddreg [dreg:$0x6]  }
0x264: {  	[hbm4b:s21+s23] =	stream.linear.scatter [tilespmem:s24], [sflag:$0x3], $0x400, $0x38;
	[tilespmem:$0x17C00] =	vst v63  }
0x265: {  	s11 =	simm.s32 $0x3800;
	s4 =	sadd.s32 $0x400, s21  }
0x266: {  	[hbm4b:s4+s23] =	stream.linear.scatter [tilespmem:s11], [sflag:$0x3], $0x400, $0x38;
	[tilespmem:$0x17C00] =	vst v63  }
0x267: {  	s18 =	sadd.s32 $0x800, s21;
	s24 =	simm.s32 $0x5800  }
0x268: {  	[hbm4b:s18+s23] =	stream.linear.scatter [tilespmem:s24], [sflag:$0x3], $0x400, $0x38;
	[tilespmem:$0x17C00] =	vst v63  }
0x269: {  	s11 =	sadd.s32 $0xC00, s21;
	s18 =	simm.s32 $0x7800  }
0x26a: {  	[hbm4b:s11+s23] =	stream.linear.scatter [tilespmem:s18], [sflag:$0x3], $0x400, $0x38;
	[tilespmem:$0x17C00] =	vst v63  }
0x26b: {  	s21 =	sadd.s32 $0x1000, s21;
	s24 =	simm.s32 $0x9800  }
0x26c: {  	[hbm4b:s21+s23] =	stream.linear.scatter [tilespmem:s24], [sflag:$0x3], $0x400, $0x38;
	[tilespmem:$0x17C00] =	vst v63  }
0x26d: {  	s11 =	rddreg [dreg:$0x7]  }
0x26e: {  	[hbm4b:s11+s23] =	stream.linear.scatter [tilespmem:s29], [sflag:$0x3], $0x400, $0x38;
	[tilespmem:$0x17C00] =	vst v63  }
0x26f: {  	s18 =	sadd.s32 $0x400, s11  }
0x270: {  	[hbm4b:s18+s23] =	stream.linear.scatter [tilespmem:s14], [sflag:$0x3], $0x400, $0x38;
	[tilespmem:$0x17C00] =	vst v63  }
0x271: {  	s24 =	sadd.s32 $0x800, s11  }
0x272: {  	[hbm4b:s24+s23] =	stream.linear.scatter [tilespmem:s16], [sflag:$0x3], $0x400, $0x38;
	[tilespmem:$0x17C00] =	vst v63  }
0x273: {  	s4 =	sadd.s32 $0xC00, s11  }
0x274: {  	[hbm4b:s4+s23] =	stream.linear.scatter [tilespmem:s8], [sflag:$0x3], $0x400, $0x38;
	[tilespmem:$0x17C00] =	vst v63  }
0x275: {  	s11 =	sadd.s32 $0x1000, s11  }
0x276: {  	[hbm4b:s11+s23] =	stream.linear.scatter [tilespmem:s12], [sflag:$0x3], $0x400, $0x38;
	[tilespmem:$0x17C00] =	vst v63  }
0x277: {  	s16 =	rddreg [dreg:$0x8]  }
0x278: {  	[hbm4b:s16+s23] =	stream.linear.scatter [tilespmem:s2], [sflag:$0x3], $0x400, $0x38;
	[tilespmem:$0x17C00] =	vst v63  }
0x279: {  	s24 =	simm.s32 $0x4000;
	s18 =	sadd.s32 $0x400, s16  }
0x27a: {  	[hbm4b:s18+s23] =	stream.linear.scatter [tilespmem:s24], [sflag:$0x3], $0x400, $0x38;
	[tilespmem:$0x17C00] =	vst v63  }
0x27b: {  	s4 =	simm.s32 $0x6000;
	s2 =	sadd.s32 $0x800, s16  }
0x27c: {  	[hbm4b:s2+s23] =	stream.linear.scatter [tilespmem:s4], [sflag:$0x3], $0x400, $0x38;
	[tilespmem:$0x17C00] =	vst v63  }
0x27d: {  	s8 =	sadd.s32 $0xC00, s16;
	s11 =	simm.s32 $0x8000  }
0x27e: {  	[hbm4b:s8+s23] =	stream.linear.scatter [tilespmem:s11], [sflag:$0x3], $0x400, $0x38;
	[tilespmem:$0x17C00] =	vst v63  }
0x27f: {  	s12 =	sadd.s32 $0x1000, s16;
	s16 =	simm.s32 $0xA000  }
0x280: {  	[hbm4b:s12+s23] =	stream.linear.scatter [tilespmem:s16], [sflag:$0x3], $0x400, $0x38;
	[tilespmem:$0x17C00] =	vst v63  }
0x281: {  	s18 =	rddreg [dreg:$0x9]  }
0x282: {  	[hbm4b:s18+s23] =	stream.linear.scatter [tilespmem:s31], [sflag:$0x3], $0x400, $0x38;
	[tilespmem:$0x17C00] =	vst v63  }
0x283: {  	s24 =	sadd.s32 $0x400, s18  }
0x284: {  	[hbm4b:s24+s23] =	stream.linear.scatter [tilespmem:s26], [sflag:$0x3], $0x400, $0x38;
	[tilespmem:$0x17C00] =	vst v63  }
0x285: {  	s26 =	sadd.s32 $0x800, s18  }
0x286: {  	[hbm4b:s26+s23] =	stream.linear.scatter [tilespmem:s17], [sflag:$0x3], $0x400, $0x38;
	[tilespmem:$0x17C00] =	vst v63  }
0x287: {  	s2 =	sadd.s32 $0xC00, s18  }
0x288: {  	[hbm4b:s2+s23] =	stream.linear.scatter [tilespmem:s9], [sflag:$0x3], $0x400, $0x38;
	[tilespmem:$0x17C00] =	vst v63  }
0x289: {  	s4 =	sadd.s32 $0x1000, s18  }
0x28a: {  	[hbm4b:s4+s23] =	stream.linear.scatter [tilespmem:s13], [sflag:$0x3], $0x400, $0x38;
	[tilespmem:$0x17C00] =	vst v63  }
0x28b: {  	s8 =	rddreg [dreg:$0xa];
	s9 =	simm.s32 $0x2800  }
0x28c: {  	[hbm4b:s8+s23] =	stream.linear.scatter [tilespmem:s9], [sflag:$0x3], $0x400, $0x38;
	[tilespmem:$0x17C00] =	vst v63  }
0x28d: {  	s11 =	sadd.s32 $0x400, s8;
	s12 =	simm.s32 $0x4800  }
0x28e: {  	[hbm4b:s11+s23] =	stream.linear.scatter [tilespmem:s12], [sflag:$0x3], $0x400, $0x38;
	[tilespmem:$0x17C00] =	vst v63  }
0x28f: {  	s16 =	simm.s32 $0x6800;
	s13 =	sadd.s32 $0x800, s8  }
0x290: {  	[hbm4b:s13+s23] =	stream.linear.scatter [tilespmem:s16], [sflag:$0x3], $0x400, $0x38;
	[tilespmem:$0x17C00] =	vst v63  }
0x291: {  	s18 =	simm.s32 $0x8800;
	s17 =	sadd.s32 $0xC00, s8  }
0x292: {  	[hbm4b:s17+s23] =	stream.linear.scatter [tilespmem:s18], [sflag:$0x3], $0x400, $0x38;
	[tilespmem:$0x17C00] =	vst v63  }
0x293: {  	s24 =	sadd.s32 $0x1000, s8;
	s26 =	simm.s32 $0xA800  }
0x294: {  	[hbm4b:s24+s23] =	stream.linear.scatter [tilespmem:s26], [sflag:$0x3], $0x400, $0x38;
	[tilespmem:$0x17C00] =	vst v63  }
0x295: {  	s4 =	rddreg [dreg:$0xb]  }
0x296: {  	[hbm4b:s4+s23] =	stream.linear.scatter [tilespmem:s25], [sflag:$0x3], $0x400, $0x38;
	[tilespmem:$0x17C00] =	vst v63  }
0x297: {  	s8 =	sadd.s32 $0x400, s4;
	s13 =	sand.u32 $0x7, s23  }
0x298: {  	[hbm4b:s8+s23] =	stream.linear.scatter [tilespmem:s15], [sflag:$0x3], $0x400, $0x38;
	[tilespmem:$0x17C00] =	vst v63  }
0x299: {  	s9 =	sadd.s32 $0x800, s4;
	s5 =	sshll.u32 s13, $0x7  }
0x29a: {  	[hbm4b:s9+s23] =	stream.linear.scatter [tilespmem:s19], [sflag:$0x3], $0x400, $0x38;
	[tilespmem:$0x17C00] =	vst v63  }
0x29b: {  	s11 =	sadd.s32 $0xC00, s4;
	s5 =	sadd.s32 $0x0, s5  }
0x29c: {  	[hbm4b:s11+s23] =	stream.linear.scatter [tilespmem:s10], [sflag:$0x3], $0x400, $0x38;
	[tilespmem:$0x17C00] =	vst v63  }
0x29d: {  	s12 =	sadd.s32 $0x1000, s4;
	s16 =	sor.u32 $0x1C00, s5  }
0x29e: {  	[hbm4b:s12+s23] =	stream.linear.scatter [tilespmem:s7], [sflag:$0x3], $0x400, $0x38;
	[tilespmem:$0x17C00] =	vst v63  }
0x29f: {  	v4 =	vld [tilespmem:s16+$0x1400];
	_ =	sdelay $0x3  }
0x2a0: {  	s24 =	simm.s32 $0x15430  }
0x2a1: {  	s17 =	sor.u32 $0x1C10, s5;
	[tilespmem:s24+$0xFFFFFFD0] =	vst v4  }
0x2a2: {  	v4 =	vld [tilespmem:s17+$0x1400];
	_ =	sdelay $0x4  }
0x2a3: {  	s18 =	sor.u32 $0x1C20, s5;
	[tilespmem:s24+$0xFFFFFFE0] =	vst v4  }
0x2a4: {  	v4 =	vld [tilespmem:s18+$0x1400];
	_ =	sdelay $0x4  }
0x2a5: {  	s19 =	sor.u32 $0x1C30, s5;
	[tilespmem:s24+$0xFFFFFFF0] =	vst v4  }
0x2a6: {  	v4 =	vld [tilespmem:s19+$0x1400];
	_ =	sdelay $0x4  }
0x2a7: {  	s25 =	sor.u32 $0x1C40, s5;
	[tilespmem:s24+$0x0] =	vst v4  }
0x2a8: {  	v4 =	vld [tilespmem:s25+$0x1400];
	_ =	sdelay $0x4  }
0x2a9: {  	s26 =	sor.u32 $0x1C50, s5;
	[tilespmem:s24+$0x10] =	vst v4  }
0x2aa: {  	v4 =	vld [tilespmem:s26+$0x1400];
	_ =	sdelay $0x4  }
0x2ab: {  	s5 =	sor.u32 $0x1C60, s5;
	[tilespmem:s24+$0x20] =	vst v4  }
0x2ac: {  	v5 =	vld.msk [tilespmem:s5+$0x1400], $0xff;
	_ =	sdelay $0x1  }
0x2ad: {  	s13 =	simm.s32 $0xAC00  }
0x2ae: {  	s4 =	simm.s32 $0x7C00;
	s8 =	simm.s32 $0x8400;
	s9 =	simm.s32 $0x8C00  }
0x2af: {  	s11 =	simm.s32 $0x9C00;
	s10 =	simm.s32 $0x2000;
	s25 =	simm.s32 $0x1  }
0x2b0: {  	s12 =	simm.s32 $0xA400;
	s21 =	sand.u32 $0x7, s25;
	v4 =	vperm.xlane v4, v3;
	s5 =	simm.s32 $0x100;
	v5 =	vperm.xlane v5, v3  }
.LBB2_8:
0x2b1: {  	p0 =	sne.s32 s5, $0x1380;
	s21 =	sshll.u32 s21, $0x7;
	s23 =	sadd.s32 $0x400, s23  }
0x2b2: {  	s21 =	sadd.s32 s21, s23;
	v4 =	vsel vm1, v4, v5  }
0x2b3: {  	s26 =	sor.u32 $0x1C00, s21;
	[tilespmem:s24+$0x28] =	vst v4  }
0x2b4: {  	v4 =	vld [tilespmem:s26+$0x1400];
	_ =	sdelay $0x3  }
0x2b5: {  	s24 =	sadd.s32 $0x80, s24  }
0x2b6: {  	s26 =	sor.u32 $0x1C10, s21;
	[tilespmem:s24+$0xFFFFFFD0] =	vst v4  }
0x2b7: {  	v4 =	vld [tilespmem:s26+$0x1400];
	_ =	sdelay $0x4  }
0x2b8: {  	s26 =	sor.u32 $0x1C20, s21;
	[tilespmem:s24+$0xFFFFFFE0] =	vst v4  }
0x2b9: {  	v4 =	vld [tilespmem:s26+$0x1400];
	_ =	sdelay $0x4  }
0x2ba: {  	s26 =	sor.u32 $0x1C30, s21;
	[tilespmem:s24+$0xFFFFFFF0] =	vst v4  }
0x2bb: {  	v4 =	vld [tilespmem:s26+$0x1400];
	_ =	sdelay $0x4  }
0x2bc: {  	s26 =	sor.u32 $0x1C40, s21;
	[tilespmem:s24+$0x0] =	vst v4  }
0x2bd: {  	v4 =	vld [tilespmem:s26+$0x1400];
	_ =	sdelay $0x4  }
0x2be: {  	s26 =	sor.u32 $0x1C50, s21;
	[tilespmem:s24+$0x10] =	vst v4  }
0x2bf: {  	v4 =	vld [tilespmem:s26+$0x1400];
	_ =	sdelay $0x4  }
0x2c0: {  	s21 =	sor.u32 $0x1C60, s21;
	[tilespmem:s24+$0x20] =	vst v4;
	v4 =	vperm.xlane v4, v3  }
0x2c1: {  	v5 =	vld.msk [tilespmem:s21+$0x1400], $0xff  }
.Ltmp3:
0x2c2: {  	(pc) =	sbr.rel @p0 .LBB2_8-.Ltmp3, $3  }
0x2c3: {  	_ =	sdelay $0x1  }
0x2c4: {  	s25 =	sadd.s32 $0x1, s25  }
0x2c5: {  	s5 =	sadd.s32 $0x80, s5;
	s21 =	sand.u32 $0x7, s25;
	v5 =	vperm.xlane v5, v3  }
0x2c6: {  	s5 =	sshll.u32 s21, $0x7;
	s26 =	sadd.s32 $0x400, s23  }
0x2c7: {  	s5 =	sadd.s32 s5, s26;
	v4 =	vsel vm1, v4, v5  }
0x2c8: {  	s21 =	sor.u32 $0x1C00, s5;
	[tilespmem:s24+$0x28] =	vst v4  }
0x2c9: {  	v4 =	vld [tilespmem:s21+$0x1400];
	_ =	sdelay $0x3  }
0x2ca: {  	s2 =	sadd.s32 $0x80, s24  }
0x2cb: {  	s7 =	sor.u32 $0x1C10, s5;
	[tilespmem:s2+$0xFFFFFFD0] =	vst v4  }
0x2cc: {  	v4 =	vld [tilespmem:s7+$0x1400];
	_ =	sdelay $0x4  }
0x2cd: {  	s16 =	sor.u32 $0x1C20, s5;
	[tilespmem:s2+$0xFFFFFFE0] =	vst v4  }
0x2ce: {  	v4 =	vld [tilespmem:s16+$0x1400];
	_ =	sdelay $0x4  }
0x2cf: {  	s17 =	sor.u32 $0x1C30, s5;
	[tilespmem:s2+$0xFFFFFFF0] =	vst v4  }
0x2d0: {  	v4 =	vld [tilespmem:s17+$0x1400];
	_ =	sdelay $0x4  }
0x2d1: {  	s18 =	sor.u32 $0x1C40, s5;
	[tilespmem:s2+$0x0] =	vst v4  }
0x2d2: {  	v4 =	vld [tilespmem:s18+$0x1400];
	_ =	sdelay $0x4  }
0x2d3: {  	s19 =	sor.u32 $0x1C50, s5;
	[tilespmem:s2+$0x10] =	vst v4  }
0x2d4: {  	v4 =	vld [tilespmem:s19+$0x1400];
	_ =	sdelay $0x4  }
0x2d5: {  	s5 =	sor.u32 $0x1C60, s5;
	[tilespmem:s2+$0x20] =	vst v4  }
0x2d6: {  	v5 =	vld.msk [tilespmem:s5+$0x1400], $0xff;
	_ =	sdelay $0x4  }
0x2d7: {  	v4 =	vperm.xlane v4, v3;
	v5 =	vperm.xlane v5, v3;
	_ =	sdelay $0x1  }
0x2d8: {  	s23 =	simm.s32 $0x2;
	v4 =	vsel vm1, v4, v5  }
0x2d9: {  	s21 =	rddreg [dreg:$0xc];
	s7 =	simm.s32 $0x15400;
	[tilespmem:s2+$0x28] =	vst v4;
	s2 =	simm.s32 $0x400  }
0x2da: {  	[hbm4b:s21+s2] =	stream.strided.scatter [tilespmem:s7], [sflag:$0x3], $0x1400, s10, s2, $0x38;
	[tilespmem:$0x17C00] =	vst v63  }
0x2db: {  	_ =	swait.ge [sflag:s23], $0xA000  }
0x2dc: {  	s24 =	simm.s32 $0xB400;
	[sflag:s23] =	ssyncset.done $0x0  }
0x2dd: {  	s21 =	rddreg [dreg:$0xd];
	[sflag:s23] =	ssyncadd.s32 $0xFFFF6000;
	s23 =	simm.s32 $0x0  }
0x2de: {  	[hbm4b:s21+s23] =	stream.linear.scatter [tilespmem:s24], [sflag:$0x4], $0x400, $0x38;
	[tilespmem:$0x17C00] =	vst v63  }
0x2df: {  	s26 =	simm.s32 $0xD400;
	s25 =	sadd.s32 $0x400, s21  }
0x2e0: {  	[hbm4b:s25+s23] =	stream.linear.scatter [tilespmem:s26], [sflag:$0x4], $0x400, $0x38;
	[tilespmem:$0x17C00] =	vst v63  }
0x2e1: {  	s17 =	simm.s32 $0xF400;
	s16 =	sadd.s32 $0x800, s21  }
0x2e2: {  	[hbm4b:s16+s23] =	stream.linear.scatter [tilespmem:s17], [sflag:$0x4], $0x400, $0x38;
	[tilespmem:$0x17C00] =	vst v63  }
0x2e3: {  	s19 =	simm.s32 $0x11400;
	s18 =	sadd.s32 $0xC00, s21  }
0x2e4: {  	[hbm4b:s18+s23] =	stream.linear.scatter [tilespmem:s19], [sflag:$0x4], $0x400, $0x38;
	[tilespmem:$0x17C00] =	vst v63  }
0x2e5: {  	s21 =	sadd.s32 $0x1000, s21;
	s24 =	simm.s32 $0x13400  }
0x2e6: {  	[hbm4b:s21+s23] =	stream.linear.scatter [tilespmem:s24], [sflag:$0x4], $0x400, $0x38;
	[tilespmem:$0x17C00] =	vst v63  }
0x2e7: {  	s25 =	rddreg [dreg:$0xe];
	s26 =	simm.s32 $0xB800  }
0x2e8: {  	[hbm4b:s25+s23] =	stream.linear.scatter [tilespmem:s26], [sflag:$0x4], $0x400, $0x38;
	[tilespmem:$0x17C00] =	vst v63  }
0x2e9: {  	s7 =	sadd.s32 $0x400, s25;
	s16 =	simm.s32 $0xD800  }
0x2ea: {  	[hbm4b:s7+s23] =	stream.linear.scatter [tilespmem:s16], [sflag:$0x4], $0x400, $0x38;
	[tilespmem:$0x17C00] =	vst v63  }
0x2eb: {  	s17 =	sadd.s32 $0x800, s25;
	s18 =	simm.s32 $0xF800  }
0x2ec: {  	[hbm4b:s17+s23] =	stream.linear.scatter [tilespmem:s18], [sflag:$0x4], $0x400, $0x38;
	[tilespmem:$0x17C00] =	vst v63  }
0x2ed: {  	s19 =	sadd.s32 $0xC00, s25;
	s24 =	simm.s32 $0x11800  }
0x2ee: {  	[hbm4b:s19+s23] =	stream.linear.scatter [tilespmem:s24], [sflag:$0x4], $0x400, $0x38;
	[tilespmem:$0x17C00] =	vst v63  }
0x2ef: {  	s25 =	sadd.s32 $0x1000, s25;
	s26 =	simm.s32 $0x13800  }
0x2f0: {  	[hbm4b:s25+s23] =	stream.linear.scatter [tilespmem:s26], [sflag:$0x4], $0x400, $0x38;
	[tilespmem:$0x17C00] =	vst v63  }
0x2f1: {  	s21 =	rddreg [dreg:$0xf];
	s16 =	simm.s32 $0xBC00  }
0x2f2: {  	[hbm4b:s21+s23] =	stream.linear.scatter [tilespmem:s16], [sflag:$0x4], $0x400, $0x38;
	[tilespmem:$0x17C00] =	vst v63  }
0x2f3: {  	s17 =	sadd.s32 $0x400, s21;
	s18 =	simm.s32 $0xDC00  }
0x2f4: {  	[hbm4b:s17+s23] =	stream.linear.scatter [tilespmem:s18], [sflag:$0x4], $0x400, $0x38;
	[tilespmem:$0x17C00] =	vst v63  }
0x2f5: {  	s19 =	sadd.s32 $0x800, s21;
	s24 =	simm.s32 $0xFC00  }
0x2f6: {  	[hbm4b:s19+s23] =	stream.linear.scatter [tilespmem:s24], [sflag:$0x4], $0x400, $0x38;
	[tilespmem:$0x17C00] =	vst v63  }
0x2f7: {  	s25 =	sadd.s32 $0xC00, s21;
	s26 =	simm.s32 $0x11C00  }
0x2f8: {  	[hbm4b:s25+s23] =	stream.linear.scatter [tilespmem:s26], [sflag:$0x4], $0x400, $0x38;
	[tilespmem:$0x17C00] =	vst v63  }
0x2f9: {  	s7 =	sadd.s32 $0x1000, s21;
	s16 =	simm.s32 $0x13C00  }
0x2fa: {  	[hbm4b:s7+s23] =	stream.linear.scatter [tilespmem:s16], [sflag:$0x4], $0x400, $0x38;
	[tilespmem:$0x17C00] =	vst v63  }
0x2fb: {  	s17 =	rddreg [dreg:$0x10];
	s18 =	simm.s32 $0xC000  }
0x2fc: {  	[hbm4b:s17+s23] =	stream.linear.scatter [tilespmem:s18], [sflag:$0x4], $0x400, $0x38;
	[tilespmem:$0x17C00] =	vst v63  }
0x2fd: {  	s19 =	sadd.s32 $0x400, s17;
	s24 =	simm.s32 $0xE000  }
0x2fe: {  	[hbm4b:s19+s23] =	stream.linear.scatter [tilespmem:s24], [sflag:$0x4], $0x400, $0x38;
	[tilespmem:$0x17C00] =	vst v63  }
0x2ff: {  	s25 =	sadd.s32 $0x800, s17;
	s26 =	simm.s32 $0x10000  }
0x300: {  	[hbm4b:s25+s23] =	stream.linear.scatter [tilespmem:s26], [sflag:$0x4], $0x400, $0x38;
	[tilespmem:$0x17C00] =	vst v63  }
0x301: {  	s7 =	sadd.s32 $0xC00, s17;
	s16 =	simm.s32 $0x12000  }
0x302: {  	[hbm4b:s7+s23] =	stream.linear.scatter [tilespmem:s16], [sflag:$0x4], $0x400, $0x38;
	[tilespmem:$0x17C00] =	vst v63  }
0x303: {  	s17 =	sadd.s32 $0x1000, s17;
	s18 =	simm.s32 $0x14000  }
0x304: {  	[hbm4b:s17+s23] =	stream.linear.scatter [tilespmem:s18], [sflag:$0x4], $0x400, $0x38;
	[tilespmem:$0x17C00] =	vst v63  }
0x305: {  	s19 =	rddreg [dreg:$0x11];
	s24 =	simm.s32 $0xC400  }
0x306: {  	[hbm4b:s19+s23] =	stream.linear.scatter [tilespmem:s24], [sflag:$0x4], $0x400, $0x38;
	[tilespmem:$0x17C00] =	vst v63  }
0x307: {  	s25 =	sadd.s32 $0x400, s19;
	s26 =	simm.s32 $0xE400  }
0x308: {  	[hbm4b:s25+s23] =	stream.linear.scatter [tilespmem:s26], [sflag:$0x4], $0x400, $0x38;
	[tilespmem:$0x17C00] =	vst v63  }
0x309: {  	s7 =	sadd.s32 $0x800, s19;
	s16 =	simm.s32 $0x10400  }
0x30a: {  	[hbm4b:s7+s23] =	stream.linear.scatter [tilespmem:s16], [sflag:$0x4], $0x400, $0x38;
	[tilespmem:$0x17C00] =	vst v63  }
0x30b: {  	s17 =	sadd.s32 $0xC00, s19;
	s18 =	simm.s32 $0x12400  }
0x30c: {  	[hbm4b:s17+s23] =	stream.linear.scatter [tilespmem:s18], [sflag:$0x4], $0x400, $0x38;
	[tilespmem:$0x17C00] =	vst v63  }
0x30d: {  	s21 =	simm.s32 $0x14400;
	s19 =	sadd.s32 $0x1000, s19  }
0x30e: {  	[hbm4b:s19+s23] =	stream.linear.scatter [tilespmem:s21], [sflag:$0x4], $0x400, $0x38;
	[tilespmem:$0x17C00] =	vst v63  }
0x30f: {  	s24 =	simm.s32 $0xC800;
	s21 =	rddreg [dreg:$0x12]  }
0x310: {  	[hbm4b:s21+s23] =	stream.linear.scatter [tilespmem:s24], [sflag:$0x4], $0x400, $0x38;
	[tilespmem:$0x17C00] =	vst v63  }
0x311: {  	s26 =	simm.s32 $0xE800;
	s25 =	sadd.s32 $0x400, s21  }
0x312: {  	[hbm4b:s25+s23] =	stream.linear.scatter [tilespmem:s26], [sflag:$0x4], $0x400, $0x38;
	[tilespmem:$0x17C00] =	vst v63  }
0x313: {  	s17 =	simm.s32 $0x10800;
	s16 =	sadd.s32 $0x800, s21  }
0x314: {  	[hbm4b:s16+s23] =	stream.linear.scatter [tilespmem:s17], [sflag:$0x4], $0x400, $0x38;
	[tilespmem:$0x17C00] =	vst v63  }
0x315: {  	s19 =	simm.s32 $0x12800;
	s18 =	sadd.s32 $0xC00, s21  }
0x316: {  	[hbm4b:s18+s23] =	stream.linear.scatter [tilespmem:s19], [sflag:$0x4], $0x400, $0x38;
	[tilespmem:$0x17C00] =	vst v63  }
0x317: {  	s21 =	sadd.s32 $0x1000, s21;
	s24 =	simm.s32 $0x14800  }
0x318: {  	[hbm4b:s21+s23] =	stream.linear.scatter [tilespmem:s24], [sflag:$0x4], $0x400, $0x38;
	[tilespmem:$0x17C00] =	vst v63  }
0x319: {  	s25 =	rddreg [dreg:$0x13];
	s26 =	simm.s32 $0xCC00  }
0x31a: {  	[hbm4b:s25+s23] =	stream.linear.scatter [tilespmem:s26], [sflag:$0x4], $0x400, $0x38;
	[tilespmem:$0x17C00] =	vst v63  }
0x31b: {  	s7 =	sadd.s32 $0x400, s25;
	s16 =	simm.s32 $0xEC00  }
0x31c: {  	[hbm4b:s7+s23] =	stream.linear.scatter [tilespmem:s16], [sflag:$0x4], $0x400, $0x38;
	[tilespmem:$0x17C00] =	vst v63  }
0x31d: {  	s7 =	sand.u32 $0x7, s23  }
0x31e: {  	s17 =	sadd.s32 $0x800, s25;
	s18 =	simm.s32 $0x10C00;
	s5 =	sshll.u32 s7, $0x7  }
0x31f: {  	[hbm4b:s17+s23] =	stream.linear.scatter [tilespmem:s18], [sflag:$0x4], $0x400, $0x38;
	[tilespmem:$0x17C00] =	vst v63  }
0x320: {  	s19 =	sadd.s32 $0xC00, s25;
	s24 =	simm.s32 $0x12C00;
	s5 =	sadd.s32 $0x0, s5  }
0x321: {  	[hbm4b:s19+s23] =	stream.linear.scatter [tilespmem:s24], [sflag:$0x4], $0x400, $0x38;
	[tilespmem:$0x17C00] =	vst v63  }
0x322: {  	s25 =	sadd.s32 $0x1000, s25;
	s26 =	simm.s32 $0x14C00;
	s16 =	sor.u32 $0x1C00, s5  }
0x323: {  	[hbm4b:s25+s23] =	stream.linear.scatter [tilespmem:s26], [sflag:$0x4], $0x400, $0x38;
	[tilespmem:$0x17C00] =	vst v63  }
0x324: {  	v4 =	vld [tilespmem:s16+$0xB400];
	_ =	sdelay $0x3  }
0x325: {  	s24 =	simm.s32 $0x16830  }
0x326: {  	s17 =	sor.u32 $0x1C10, s5;
	[tilespmem:s24+$0xFFFFFFD0] =	vst v4  }
0x327: {  	v4 =	vld [tilespmem:s17+$0xB400];
	_ =	sdelay $0x4  }
0x328: {  	s18 =	sor.u32 $0x1C20, s5;
	[tilespmem:s24+$0xFFFFFFE0] =	vst v4  }
0x329: {  	v4 =	vld [tilespmem:s18+$0xB400];
	_ =	sdelay $0x4  }
0x32a: {  	s19 =	sor.u32 $0x1C30, s5;
	[tilespmem:s24+$0xFFFFFFF0] =	vst v4  }
0x32b: {  	v4 =	vld [tilespmem:s19+$0xB400];
	_ =	sdelay $0x4  }
0x32c: {  	s25 =	sor.u32 $0x1C40, s5;
	[tilespmem:s24+$0x0] =	vst v4  }
0x32d: {  	v4 =	vld [tilespmem:s25+$0xB400];
	_ =	sdelay $0x4  }
0x32e: {  	s26 =	sor.u32 $0x1C50, s5;
	[tilespmem:s24+$0x10] =	vst v4  }
0x32f: {  	v4 =	vld [tilespmem:s26+$0xB400];
	_ =	sdelay $0x4  }
0x330: {  	s5 =	sor.u32 $0x1C60, s5;
	[tilespmem:s24+$0x20] =	vst v4  }
0x331: {  	v5 =	vld.msk [tilespmem:s5+$0xB400], $0xff;
	_ =	sdelay $0x3  }
0x332: {  	s25 =	simm.s32 $0x1  }
0x333: {  	s21 =	sand.u32 $0x7, s25;
	v4 =	vperm.xlane v4, v3;
	s5 =	simm.s32 $0x100;
	v5 =	vperm.xlane v5, v3  }
.LBB2_10:
0x334: {  	p0 =	sne.s32 s5, $0x1380;
	s21 =	sshll.u32 s21, $0x7;
	s23 =	sadd.s32 $0x400, s23  }
0x335: {  	s21 =	sadd.s32 s21, s23;
	v4 =	vsel vm1, v4, v5  }
0x336: {  	s26 =	sor.u32 $0x1C00, s21;
	[tilespmem:s24+$0x28] =	vst v4  }
0x337: {  	v4 =	vld [tilespmem:s26+$0xB400];
	_ =	sdelay $0x3  }
0x338: {  	s24 =	sadd.s32 $0x80, s24  }
0x339: {  	s26 =	sor.u32 $0x1C10, s21;
	[tilespmem:s24+$0xFFFFFFD0] =	vst v4  }
0x33a: {  	v4 =	vld [tilespmem:s26+$0xB400];
	_ =	sdelay $0x4  }
0x33b: {  	s26 =	sor.u32 $0x1C20, s21;
	[tilespmem:s24+$0xFFFFFFE0] =	vst v4  }
0x33c: {  	v4 =	vld [tilespmem:s26+$0xB400];
	_ =	sdelay $0x4  }
0x33d: {  	s26 =	sor.u32 $0x1C30, s21;
	[tilespmem:s24+$0xFFFFFFF0] =	vst v4  }
0x33e: {  	v4 =	vld [tilespmem:s26+$0xB400];
	_ =	sdelay $0x4  }
0x33f: {  	s26 =	sor.u32 $0x1C40, s21;
	[tilespmem:s24+$0x0] =	vst v4  }
0x340: {  	v4 =	vld [tilespmem:s26+$0xB400];
	_ =	sdelay $0x4  }
0x341: {  	s26 =	sor.u32 $0x1C50, s21;
	[tilespmem:s24+$0x10] =	vst v4  }
0x342: {  	v4 =	vld [tilespmem:s26+$0xB400];
	_ =	sdelay $0x4  }
0x343: {  	s21 =	sor.u32 $0x1C60, s21;
	[tilespmem:s24+$0x20] =	vst v4;
	v4 =	vperm.xlane v4, v3  }
0x344: {  	v5 =	vld.msk [tilespmem:s21+$0xB400], $0xff  }
.Ltmp4:
0x345: {  	(pc) =	sbr.rel @p0 .LBB2_10-.Ltmp4, $3  }
0x346: {  	_ =	sdelay $0x1  }
0x347: {  	s25 =	sadd.s32 $0x1, s25  }
0x348: {  	s5 =	sadd.s32 $0x80, s5;
	s21 =	sand.u32 $0x7, s25;
	v5 =	vperm.xlane v5, v3  }
0x349: {  	s5 =	sshll.u32 s21, $0x7;
	s25 =	sadd.s32 $0x400, s23  }
0x34a: {  	s5 =	sadd.s32 s5, s25;
	v4 =	vsel vm1, v4, v5  }
0x34b: {  	s21 =	sor.u32 $0x1C00, s5;
	[tilespmem:s24+$0x28] =	vst v4  }
0x34c: {  	v4 =	vld [tilespmem:s21+$0xB400];
	_ =	sdelay $0x3  }
0x34d: {  	s26 =	sadd.s32 $0x80, s24  }
0x34e: {  	s7 =	sor.u32 $0x1C10, s5;
	[tilespmem:s26+$0xFFFFFFD0] =	vst v4  }
0x34f: {  	v4 =	vld [tilespmem:s7+$0xB400];
	_ =	sdelay $0x4  }
0x350: {  	s16 =	sor.u32 $0x1C20, s5;
	[tilespmem:s26+$0xFFFFFFE0] =	vst v4  }
0x351: {  	v4 =	vld [tilespmem:s16+$0xB400];
	_ =	sdelay $0x4  }
0x352: {  	s17 =	sor.u32 $0x1C30, s5;
	[tilespmem:s26+$0xFFFFFFF0] =	vst v4  }
0x353: {  	v4 =	vld [tilespmem:s17+$0xB400];
	_ =	sdelay $0x4  }
0x354: {  	s18 =	sor.u32 $0x1C40, s5;
	[tilespmem:s26+$0x0] =	vst v4  }
0x355: {  	v4 =	vld [tilespmem:s18+$0xB400];
	_ =	sdelay $0x4  }
0x356: {  	s19 =	sor.u32 $0x1C50, s5;
	[tilespmem:s26+$0x10] =	vst v4  }
0x357: {  	v4 =	vld [tilespmem:s19+$0xB400];
	_ =	sdelay $0x4  }
0x358: {  	s5 =	sor.u32 $0x1C60, s5;
	[tilespmem:s26+$0x20] =	vst v4  }
0x359: {  	v5 =	vld.msk [tilespmem:s5+$0xB400], $0xff;
	_ =	sdelay $0x4  }
0x35a: {  	v4 =	vperm.xlane v4, v3;
	v5 =	vperm.xlane v5, v3;
	_ =	sdelay $0x1  }
0x35b: {  	v4 =	vsel vm1, v4, v5  }
0x35c: {  	s24 =	rddreg [dreg:$0x14];
	s7 =	simm.s32 $0x16800;
	[tilespmem:s26+$0x28] =	vst v4  }
0x35d: {  	[hbm4b:s24+s2] =	stream.strided.scatter [tilespmem:s7], [sflag:$0x4], $0x1400, s10, s2, $0x38;
	[tilespmem:$0x17C00] =	vst v63  }
0x35e: {  	_ =	swait.ge [sflag:s20], $0x1400  }
0x35f: {  	[sflag:s20] =	ssyncset.done $0x0  }
0x360: {  	[sflag:s20] =	ssyncadd.s32 $0xFFFFEC00  }
0x361: {  	_ =	swait.ge [sflag:s20], $0x1400  }
0x362: {  	[sflag:s20] =	ssyncset.done $0x0  }
0x363: {  	[sflag:s20] =	ssyncadd.s32 $0xFFFFEC00  }
0x364: {  	_ =	swait.ge [sflag:s20], $0x1400  }
0x365: {  	[sflag:s20] =	ssyncset.done $0x0  }
0x366: {  	[sflag:s20] =	ssyncadd.s32 $0xFFFFEC00  }
0x367: {  	_ =	swait.ge [sflag:s20], $0x1400  }
0x368: {  	[sflag:s20] =	ssyncset.done $0x0  }
0x369: {  	[sflag:s20] =	ssyncadd.s32 $0xFFFFEC00  }
0x36a: {  	_ =	swait.ge [sflag:s20], $0x1400  }
0x36b: {  	[sflag:s20] =	ssyncset.done $0x0  }
0x36c: {  	[sflag:s20] =	ssyncadd.s32 $0xFFFFEC00  }
0x36d: {  	_ =	swait.ge [sflag:s20], $0x1400  }
0x36e: {  	[sflag:s20] =	ssyncset.done $0x0  }
0x36f: {  	[sflag:s20] =	ssyncadd.s32 $0xFFFFEC00  }
0x370: {  	_ =	swait.ge [sflag:s20], $0x1400  }
0x371: {  	[sflag:s20] =	ssyncset.done $0x0  }
0x372: {  	[sflag:s20] =	ssyncadd.s32 $0xFFFFEC00  }
0x373: {  	_ =	swait.ge [sflag:s20], $0x1400  }
0x374: {  	[sflag:s20] =	ssyncset.done $0x0  }
0x375: {  	[sflag:s20] =	ssyncadd.s32 $0xFFFFEC00  }
0x376: {  	_ =	swait.ge [sflag:s22], $0x1400  }
0x377: {  	[sflag:s22] =	ssyncset.done $0x0  }
0x378: {  	[sflag:s22] =	ssyncadd.s32 $0xFFFFEC00  }
0x379: {  	_ =	swait.ge [sflag:s22], $0x1400  }
0x37a: {  	[sflag:s22] =	ssyncset.done $0x0  }
0x37b: {  	[sflag:s22] =	ssyncadd.s32 $0xFFFFEC00  }
0x37c: {  	_ =	swait.ge [sflag:s22], $0x1400  }
0x37d: {  	[sflag:s22] =	ssyncset.done $0x0  }
0x37e: {  	[sflag:s22] =	ssyncadd.s32 $0xFFFFEC00  }
0x37f: {  	_ =	swait.ge [sflag:s22], $0x1400  }
0x380: {  	[sflag:s22] =	ssyncset.done $0x0  }
0x381: {  	[sflag:s22] =	ssyncadd.s32 $0xFFFFEC00  }
0x382: {  	_ =	swait.ge [sflag:s22], $0x1400  }
0x383: {  	[sflag:s22] =	ssyncset.done $0x0  }
0x384: {  	[sflag:s22] =	ssyncadd.s32 $0xFFFFEC00  }
0x385: {  	_ =	swait.ge [sflag:s22], $0x1400  }
0x386: {  	[sflag:s22] =	ssyncset.done $0x0  }
0x387: {  	[sflag:s22] =	ssyncadd.s32 $0xFFFFEC00  }
0x388: {  	_ =	swait.ge [sflag:s22], $0x1400  }
0x389: {  	[sflag:s22] =	ssyncset.done $0x0  }
0x38a: {  	[sflag:s22] =	ssyncadd.s32 $0xFFFFEC00  }
0x38b: {  	_ =	swait.ge [sflag:s22], $0x1400  }
0x38c: {  	s25 =	rddreg [dreg:$0x1f]  }
0x38d: {  	s26 =	rddreg [dreg:$0x15];
	s2 =	sadd.s32 $0x1, s25  }
0x38e: {  	p0 =	sne.s32 s2, s26  }
.Ltmp5:
0x38f: {  	_ = 	snop;
	(pc) =	sbr.rel @p0 .LBB2_1-.Ltmp5, $4  }
0x390: {  	s23 =	simm.s32 $0x4400  }
0x391: {  	s21 =	simm.s32 $0x2C00;
	s16 =	simm.s32 $0x5C00;
	s17 =	simm.s32 $0x6400  }
0x392: {  	s18 =	simm.s32 $0x5400;
	s19 =	simm.s32 $0x6C00;
	[sflag:s22] =	ssyncset.done $0x0  }
0x393: {  	s24 =	simm.s32 $0x7400;
	s10 =	simm.s32 $0x9400;
	[sflag:s22] =	ssyncadd.s32 $0xFFFFEC00  }
0x394: {  	_ =	sfence.sel $0x180000  }
0x395: {  	[bflag:$0x0] =	sbarrier.arrive $0xFFFF  }
0x396: {  	_ =	strace $0x90000047  }
0x397: {  	s0 =	stileid.u32;
	[bflag:$0x2] =	sbarrier.arrive $0xFFFF  }
0x398: {  	p0 =	sne.s32 s0, $0x0;
	s0 =	rddreg [dreg:$0x2]  }
0x399: {  	s0 =	sadd.s32 @!p0 $0x100000, s0  }
0x39a: {  	[sflag:s0] =	ssyncadd.tile.s32 @!p0 $0x1;
	_ =	shalt  }
.Lfunc_end2:
_tile_overlayer_lowered:
.L_overlay_start_2:
0x39b: {  	(tag) =	ssettag $0x2  }
0x39c: {  	s0 =	rddreg [dreg:$0x0];
	s2 =	stileid.u32  }
0x39d: {  	s1 =	rddreg [dreg:$0x1];
	p0 =	sne.s32 s2, $0x0  }
0x39e: {  	s3 =	rddreg [dreg:$0x2];
	[bflag:$0x3] =	sbarrier.arrive $0xFFFF;
	s2 =	simm.s32 @!p0 $0x1C05  }
0x39f: {  	[timem:s3], [sflag:s2] =	dma.local @!p0 [hbm:s0], s1  }
0x3a0: {  	s0 =	simm.s32 @!p0 $0x5  }
0x3a1: {  	_ =	swait.ge @!p0 [sflag:s0], s1  }
0x3a2: {  	s1 =	ssub.s32 @!p0 $0x0, s1;
	[sflag:s0] =	ssyncset.done @!p0 $0x0  }
0x3a3: {  	[sflag:s0] =	ssyncadd.s32 @!p0 s1  }
0x3a4: {  	[bflag:$0x3] =	sbarrier.arrive $0xFFFF  }
0x3a5: {  	_ =	shalt  }

</sc_bundles>
